<compile_context>
chip_gen: v7x
topology: tpu7x:2x2x1
jax: 0.10.2.dev20260603
libtpu: 0.0.44.dev20260713+nightly
codegen_flags: <defaults>
</compile_context>

<pallas_src>
import dataclasses
import functools

import jax
import jax.numpy as jnp
from jax import lax
from jax.experimental import pallas as pl
from jax.experimental.pallas import tpu as pltpu
from jax.experimental.pallas import tpu_sc as plsc

_NUM_CORES = 2
_NUM_SUBCORES = 16
_NUM_WORKERS = _NUM_CORES * _NUM_SUBCORES
_NBUF = 8
_LANES = 16


def kernel(table, indices):
    tt = table.T
    idx = jnp.squeeze(indices, axis=-1).astype(jnp.int32)
    num_idx = idx.shape[0]
    dim = table.shape[1]
    per_worker = num_idx // _NUM_WORKERS

    mesh = plsc.VectorSubcoreMesh(core_axis_name="c", subcore_axis_name="s")

    cp = pltpu.CompilerParams()
    if "needs_layout_passes" in pltpu.CompilerParams.__dataclass_fields__:
        cp = dataclasses.replace(cp, needs_layout_passes=False)

    @functools.partial(
        pl.kernel,
        mesh=mesh,
        compiler_params=cp,
        out_type=jax.ShapeDtypeStruct((dim, num_idx), jnp.float32),
        scratch_types=[
            pltpu.VMEM_SHARED((num_idx,), jnp.int32),
            pltpu.SMEM((per_worker,), jnp.int32),
            pltpu.VMEM((dim, num_idx // _NUM_WORKERS), jnp.float32),
        ]
        + [pltpu.VMEM((dim, 128), jnp.float32) for _ in range(_NBUF)]
        + [pltpu.SemaphoreType.DMA for _ in range(_NBUF)],
    )
    def gather_kernel(tt_hbm, idx_hbm, out_hbm, idx_sp, idx_s, gbuf, *rest):
        chunks = rest[:_NBUF]
        sems = rest[_NBUF : 2 * _NBUF]
        wid = lax.axis_index("s") * _NUM_CORES + lax.axis_index("c")
        base = wid * per_worker
        pltpu.sync_copy(
            idx_hbm.at[pl.ds(base, per_worker)], idx_sp.at[pl.ds(base, per_worker)]
        )
        pltpu.sync_copy(idx_sp.at[pl.ds(base, per_worker)], idx_s)

        def fire(j, slot, sem):
            r = idx_s[j]
            c = pl.multiple_of((r // 128) * 128, 128)
            for g in range(dim // 8):
                pltpu.async_copy(
                    tt_hbm.at[pl.ds(8 * g, 8), pl.ds(c, 128)],
                    slot.at[pl.ds(8 * g, 8), :],
                    sem,
                )

        for s in range(_NBUF):
            fire(s, chunks[s], sems[s])

        @pl.loop(0, per_worker, step=_NBUF)
        def _(j0):
            for s in range(_NBUF):
                j = j0 + s
                pltpu.make_async_copy(
                    tt_hbm.at[:, pl.ds(0, 128)], chunks[s], sems[s]
                ).wait()
                r = idx_s[j]
                lane = r - (r // 128) * 128
                lv = jnp.full((_LANES,), 0, jnp.int32) + lane
                jv = jnp.full((_LANES,), 0, jnp.int32) + j
                for g in range(dim // _LANES):
                    fv = lax.broadcasted_iota(jnp.int32, (_LANES,), 0) + g * _LANES
                    vals = plsc.load_gather(chunks[s], [fv, lv])
                    plsc.store_scatter(gbuf, [fv, jv], vals)

                @pl.when(j + _NBUF < per_worker)
                def _():
                    fire(j + _NBUF, chunks[s], sems[s])

        pltpu.sync_copy(gbuf, out_hbm.at[:, pl.ds(base, per_worker)])

    return gather_kernel(tt, idx).T

# --- scband reference (transcript-rebuilt; emitter-appended) ---
"""Pipeline reference for scband-country-lookup-70119636074988 (READ-ONLY COPY).

The authoritative reference and input builder live on the scoring server;
editing this copy changes nothing except your own understanding.
"""

import jax, jax.numpy as jnp
import numpy as np

def setup_inputs(seed: int = 0) -> dict:
    key = jax.random.key(seed)
    k1, k2 = jax.random.split(key)
    table = jax.random.normal(k1, (1000000, 32), dtype=jnp.float32)
    indices = jax.random.randint(k2, (16384, 1), 0, 1000000, dtype=jnp.int64)
    return {"table": table, "indices": indices}

def reference(table, indices):
    # tf.gather(inputs[0], tf.squeeze(inputs[1], axis=-1))
    idx = jnp.squeeze(indices, axis=-1)
    return jnp.take(table, idx, axis=0)

if __name__ == "__main__":
    import jax
    _d = setup_inputs()
    print(jax.jit(kernel)(*tuple(_d.values())))

</pallas_src>

<mosaic_0001>
#map = affine_map<(d0, d1) -> (0, 0)>
#map1 = affine_map<(d0, d1) -> (0)>
module attributes {stable_mosaic.version = 14 : i64} {
  func.func @gather_kernel(%arg0: i32, %arg1: i32, %arg2: memref<32x1000000xf32, #tpu.memory_space<hbm>>, %arg3: memref<16384xi32, #tpu.memory_space<hbm>>, %arg4: memref<32x16384xf32, #tpu.memory_space<hbm>>, %arg5: memref<16384xi32, #tpu.memory_space<vmem_shared>>, %arg6: memref<512xi32, #tpu.memory_space<smem>>, %arg7: memref<32x512xf32, #tpu.memory_space<vmem>>, %arg8: memref<32x128xf32, #tpu.memory_space<vmem>>, %arg9: memref<32x128xf32, #tpu.memory_space<vmem>>, %arg10: memref<32x128xf32, #tpu.memory_space<vmem>>, %arg11: memref<32x128xf32, #tpu.memory_space<vmem>>, %arg12: memref<32x128xf32, #tpu.memory_space<vmem>>, %arg13: memref<32x128xf32, #tpu.memory_space<vmem>>, %arg14: memref<32x128xf32, #tpu.memory_space<vmem>>, %arg15: memref<32x128xf32, #tpu.memory_space<vmem>>, %arg16: memref<!tpu.dma_semaphore, #tpu.memory_space<semaphore_mem>>, %arg17: memref<!tpu.dma_semaphore, #tpu.memory_space<semaphore_mem>>, %arg18: memref<!tpu.dma_semaphore, #tpu.memory_space<semaphore_mem>>, %arg19: memref<!tpu.dma_semaphore, #tpu.memory_space<semaphore_mem>>, %arg20: memref<!tpu.dma_semaphore, #tpu.memory_space<semaphore_mem>>, %arg21: memref<!tpu.dma_semaphore, #tpu.memory_space<semaphore_mem>>, %arg22: memref<!tpu.dma_semaphore, #tpu.memory_space<semaphore_mem>>, %arg23: memref<!tpu.dma_semaphore, #tpu.memory_space<semaphore_mem>>) attributes {dimension_semantics = [#tpu.dimension_semantics<core_parallel>, #tpu.dimension_semantics<subcore_parallel>], iteration_bounds = array<i64: 2, 16>, scalar_prefetch = 0 : i64, scratch_operands = 19 : i64, tpu.core_type = #tpu.core_type<sc_vector_subcore>, window_params = [{transform_indices = #map}, {transform_indices = #map1}, {transform_indices = #map}]} {
    %mul3A = arith.constant 2 : i32
    %mul3A_0 = arith.muli %arg1, %mul3A : i32
    %add3A = arith.addi %mul3A_0, %arg0 : i32
    %mul3A_1 = arith.constant 512 : i32
    %mul3A_2 = arith.muli %add3A, %mul3A_1 : i32
    "tpu.region"() ({
      %run_scoped3A = tpu.sem_alloc : memref<!tpu.dma_semaphore, #tpu.memory_space<semaphore_mem>>
      %dma_start3A_556 = tpu.memref_slice %arg5[%mul3A_2] : memref<16384xi32, #tpu.memory_space<vmem_shared>> -> memref<512xi32, #tpu.memory_space<vmem_shared>>
      %dma_start3A_557 = tpu.memref_slice %arg3[%mul3A_2] : memref<16384xi32, #tpu.memory_space<hbm>> -> memref<512xi32, #tpu.memory_space<hbm>>
      tpu.enqueue_dma source(%dma_start3A_557 : memref<512xi32, #tpu.memory_space<hbm>>) target(%dma_start3A_556 : memref<512xi32, #tpu.memory_space<vmem_shared>>) target_semaphore(%run_scoped3A : memref<!tpu.dma_semaphore, #tpu.memory_space<semaphore_mem>>)
      %dma_wait3A = tpu.memref_slice %arg5[%mul3A_2] : memref<16384xi32, #tpu.memory_space<vmem_shared>> -> memref<512xi32, #tpu.memory_space<vmem_shared>>
      %dma_wait3A_558 = tpu.memref_slice %arg3[%mul3A_2] : memref<16384xi32, #tpu.memory_space<hbm>> -> memref<512xi32, #tpu.memory_space<hbm>>
      tpu.wait_dma2 semaphore(%run_scoped3A : memref<!tpu.dma_semaphore, #tpu.memory_space<semaphore_mem>>) src(%dma_wait3A_558 : memref<512xi32, #tpu.memory_space<hbm>>) dst(%dma_wait3A : memref<512xi32, #tpu.memory_space<vmem_shared>>)
      tpu.yield
    }) : () -> ()
    "tpu.region"() ({
      %run_scoped3A = tpu.sem_alloc : memref<!tpu.dma_semaphore, #tpu.memory_space<semaphore_mem>>
      %dma_start3A_556 = tpu.memref_slice %arg5[%mul3A_2] : memref<16384xi32, #tpu.memory_space<vmem_shared>> -> memref<512xi32, #tpu.memory_space<vmem_shared>>
      tpu.enqueue_dma source(%dma_start3A_556 : memref<512xi32, #tpu.memory_space<vmem_shared>>) target(%arg6 : memref<512xi32, #tpu.memory_space<smem>>) target_semaphore(%run_scoped3A : memref<!tpu.dma_semaphore, #tpu.memory_space<semaphore_mem>>)
      %dma_wait3A = tpu.memref_slice %arg5[%mul3A_2] : memref<16384xi32, #tpu.memory_space<vmem_shared>> -> memref<512xi32, #tpu.memory_space<vmem_shared>>
      tpu.wait_dma2 semaphore(%run_scoped3A : memref<!tpu.dma_semaphore, #tpu.memory_space<semaphore_mem>>) src(%dma_wait3A : memref<512xi32, #tpu.memory_space<vmem_shared>>) dst(%arg6 : memref<512xi32, #tpu.memory_space<smem>>)
      tpu.yield
    }) : () -> ()
    %get3A = arith.constant 0 : i32
    %get3A_3 = arith.index_cast %get3A : i32 to index
    %get3A_4 = memref.load %arg6[%get3A_3] : memref<512xi32, #tpu.memory_space<smem>>
    %jit3A = arith.constant 128 : i32
    %div3A = arith.divsi %get3A_4, %jit3A : i32
    %sign3A = arith.constant 0 : i32
    %sign3A_5 = arith.cmpi sgt, %get3A_4, %sign3A : i32
    %sign3A_6 = arith.extui %sign3A_5 : i1 to i32
    %sign3A_7 = arith.constant 0 : i32
    %sign3A_8 = arith.cmpi slt, %get3A_4, %sign3A_7 : i32
    %sign3A_9 = arith.extui %sign3A_8 : i1 to i32
    %sign3A_10 = arith.subi %sign3A_6, %sign3A_9 : i32
    %sign3A_11 = arith.constant 0 : i32
    %sign3A_12 = arith.cmpi sgt, %jit3A, %sign3A_11 : i32
    %sign3A_13 = arith.extui %sign3A_12 : i1 to i32
    %sign3A_14 = arith.constant 0 : i32
    %sign3A_15 = arith.cmpi slt, %jit3A, %sign3A_14 : i32
    %sign3A_16 = arith.extui %sign3A_15 : i1 to i32
    %sign3A_17 = arith.subi %sign3A_13, %sign3A_16 : i32
    %ne3A = arith.cmpi ne, %sign3A_10, %sign3A_17 : i32
    %rem3A = arith.remsi %get3A_4, %jit3A : i32
    %ne3A_18 = arith.constant 0 : i32
    %ne3A_19 = arith.cmpi ne, %rem3A, %ne3A_18 : i32
    %and3A = arith.andi %ne3A, %ne3A_19 : i1
    %sub3A = arith.constant 1 : i32
    %sub3A_20 = arith.subi %div3A, %sub3A : i32
    %select_n3A = arith.select %and3A, %sub3A_20, %div3A : i32
    %mul3A_21 = arith.constant 128 : i32
    %mul3A_22 = arith.muli %select_n3A, %mul3A_21 : i32
    %multiple_of3A = tpu.assume_multiple %mul3A_22, 128 : i32
    %dma_start3A = arith.constant 0 : i32
    %dma_start3A_23 = arith.constant 0 : i32
    %dma_start3A_24 = tpu.memref_slice %arg8[%dma_start3A, %dma_start3A_23] : memref<32x128xf32, #tpu.memory_space<vmem>> -> memref<8x128xf32, #tpu.memory_space<vmem>>
    %dma_start3A_25 = arith.constant 0 : i32
    %dma_start3A_26 = tpu.memref_slice %arg2[%dma_start3A_25, %multiple_of3A] : memref<32x1000000xf32, #tpu.memory_space<hbm>> -> memref<8x128xf32, #tpu.memory_space<hbm>>
    %dma_start3A_27 = arith.constant 0 : i32
    %dma_start3A_28 = arith.constant 0 : i32
    %dma_start3A_29 = tpu.memref_slice %arg8[%dma_start3A_27, %dma_start3A_28] : memref<32x128xf32, #tpu.memory_space<vmem>> -> memref<8x128xf32, #tpu.memory_space<vmem>>
    %dma_start3A_30 = arith.constant 0 : i32
    %dma_start3A_31 = tpu.memref_slice %arg2[%dma_start3A_30, %multiple_of3A] : memref<32x1000000xf32, #tpu.memory_space<hbm>> -> memref<8x128xf32, #tpu.memory_space<hbm>>
    tpu.enqueue_dma source(%dma_start3A_31 : memref<8x128xf32, #tpu.memory_space<hbm>>) target(%dma_start3A_29 : memref<8x128xf32, #tpu.memory_space<vmem>>) target_semaphore(%arg16 : memref<!tpu.dma_semaphore, #tpu.memory_space<semaphore_mem>>)
    %dma_start3A_32 = arith.constant 8 : i32
    %dma_start3A_33 = arith.constant 0 : i32
    %dma_start3A_34 = tpu.memref_slice %arg8[%dma_start3A_32, %dma_start3A_33] : memref<32x128xf32, #tpu.memory_space<vmem>> -> memref<8x128xf32, #tpu.memory_space<vmem>>
    %dma_start3A_35 = arith.constant 8 : i32
    %dma_start3A_36 = tpu.memref_slice %arg2[%dma_start3A_35, %multiple_of3A] : memref<32x1000000xf32, #tpu.memory_space<hbm>> -> memref<8x128xf32, #tpu.memory_space<hbm>>
    %dma_start3A_37 = arith.constant 8 : i32
    %dma_start3A_38 = arith.constant 0 : i32
    %dma_start3A_39 = tpu.memref_slice %arg8[%dma_start3A_37, %dma_start3A_38] : memref<32x128xf32, #tpu.memory_space<vmem>> -> memref<8x128xf32, #tpu.memory_space<vmem>>
    %dma_start3A_40 = arith.constant 8 : i32
    %dma_start3A_41 = tpu.memref_slice %arg2[%dma_start3A_40, %multiple_of3A] : memref<32x1000000xf32, #tpu.memory_space<hbm>> -> memref<8x128xf32, #tpu.memory_space<hbm>>
    tpu.enqueue_dma source(%dma_start3A_41 : memref<8x128xf32, #tpu.memory_space<hbm>>) target(%dma_start3A_39 : memref<8x128xf32, #tpu.memory_space<vmem>>) target_semaphore(%arg16 : memref<!tpu.dma_semaphore, #tpu.memory_space<semaphore_mem>>)
    %dma_start3A_42 = arith.constant 16 : i32
    %dma_start3A_43 = arith.constant 0 : i32
    %dma_start3A_44 = tpu.memref_slice %arg8[%dma_start3A_42, %dma_start3A_43] : memref<32x128xf32, #tpu.memory_space<vmem>> -> memref<8x128xf32, #tpu.memory_space<vmem>>
    %dma_start3A_45 = arith.constant 16 : i32
    %dma_start3A_46 = tpu.memref_slice %arg2[%dma_start3A_45, %multiple_of3A] : memref<32x1000000xf32, #tpu.memory_space<hbm>> -> memref<8x128xf32, #tpu.memory_space<hbm>>
    %dma_start3A_47 = arith.constant 16 : i32
    %dma_start3A_48 = arith.constant 0 : i32
    %dma_start3A_49 = tpu.memref_slice %arg8[%dma_start3A_47, %dma_start3A_48] : memref<32x128xf32, #tpu.memory_space<vmem>> -> memref<8x128xf32, #tpu.memory_space<vmem>>
    %dma_start3A_50 = arith.constant 16 : i32
    %dma_start3A_51 = tpu.memref_slice %arg2[%dma_start3A_50, %multiple_of3A] : memref<32x1000000xf32, #tpu.memory_space<hbm>> -> memref<8x128xf32, #tpu.memory_space<hbm>>
    tpu.enqueue_dma source(%dma_start3A_51 : memref<8x128xf32, #tpu.memory_space<hbm>>) target(%dma_start3A_49 : memref<8x128xf32, #tpu.memory_space<vmem>>) target_semaphore(%arg16 : memref<!tpu.dma_semaphore, #tpu.memory_space<semaphore_mem>>)
    %dma_start3A_52 = arith.constant 24 : i32
    %dma_start3A_53 = arith.constant 0 : i32
    %dma_start3A_54 = tpu.memref_slice %arg8[%dma_start3A_52, %dma_start3A_53] : memref<32x128xf32, #tpu.memory_space<vmem>> -> memref<8x128xf32, #tpu.memory_space<vmem>>
    %dma_start3A_55 = arith.constant 24 : i32
    %dma_start3A_56 = tpu.memref_slice %arg2[%dma_start3A_55, %multiple_of3A] : memref<32x1000000xf32, #tpu.memory_space<hbm>> -> memref<8x128xf32, #tpu.memory_space<hbm>>
    %dma_start3A_57 = arith.constant 24 : i32
    %dma_start3A_58 = arith.constant 0 : i32
    %dma_start3A_59 = tpu.memref_slice %arg8[%dma_start3A_57, %dma_start3A_58] : memref<32x128xf32, #tpu.memory_space<vmem>> -> memref<8x128xf32, #tpu.memory_space<vmem>>
    %dma_start3A_60 = arith.constant 24 : i32
    %dma_start3A_61 = tpu.memref_slice %arg2[%dma_start3A_60, %multiple_of3A] : memref<32x1000000xf32, #tpu.memory_space<hbm>> -> memref<8x128xf32, #tpu.memory_space<hbm>>
    tpu.enqueue_dma source(%dma_start3A_61 : memref<8x128xf32, #tpu.memory_space<hbm>>) target(%dma_start3A_59 : memref<8x128xf32, #tpu.memory_space<vmem>>) target_semaphore(%arg16 : memref<!tpu.dma_semaphore, #tpu.memory_space<semaphore_mem>>)
    %get3A_62 = arith.constant 1 : i32
    %get3A_63 = arith.index_cast %get3A_62 : i32 to index
    %get3A_64 = memref.load %arg6[%get3A_63] : memref<512xi32, #tpu.memory_space<smem>>
    %jit3A_65 = arith.constant 128 : i32
    %div3A_66 = arith.divsi %get3A_64, %jit3A_65 : i32
    %sign3A_67 = arith.constant 0 : i32
    %sign3A_68 = arith.cmpi sgt, %get3A_64, %sign3A_67 : i32
    %sign3A_69 = arith.extui %sign3A_68 : i1 to i32
    %sign3A_70 = arith.constant 0 : i32
    %sign3A_71 = arith.cmpi slt, %get3A_64, %sign3A_70 : i32
    %sign3A_72 = arith.extui %sign3A_71 : i1 to i32
    %sign3A_73 = arith.subi %sign3A_69, %sign3A_72 : i32
    %sign3A_74 = arith.constant 0 : i32
    %sign3A_75 = arith.cmpi sgt, %jit3A_65, %sign3A_74 : i32
    %sign3A_76 = arith.extui %sign3A_75 : i1 to i32
    %sign3A_77 = arith.constant 0 : i32
    %sign3A_78 = arith.cmpi slt, %jit3A_65, %sign3A_77 : i32
    %sign3A_79 = arith.extui %sign3A_78 : i1 to i32
    %sign3A_80 = arith.subi %sign3A_76, %sign3A_79 : i32
    %ne3A_81 = arith.cmpi ne, %sign3A_73, %sign3A_80 : i32
    %rem3A_82 = arith.remsi %get3A_64, %jit3A_65 : i32
    %ne3A_83 = arith.constant 0 : i32
    %ne3A_84 = arith.cmpi ne, %rem3A_82, %ne3A_83 : i32
    %and3A_85 = arith.andi %ne3A_81, %ne3A_84 : i1
    %sub3A_86 = arith.constant 1 : i32
    %sub3A_87 = arith.subi %div3A_66, %sub3A_86 : i32
    %select_n3A_88 = arith.select %and3A_85, %sub3A_87, %div3A_66 : i32
    %mul3A_89 = arith.constant 128 : i32
    %mul3A_90 = arith.muli %select_n3A_88, %mul3A_89 : i32
    %multiple_of3A_91 = tpu.assume_multiple %mul3A_90, 128 : i32
    %dma_start3A_92 = arith.constant 0 : i32
    %dma_start3A_93 = arith.constant 0 : i32
    %dma_start3A_94 = tpu.memref_slice %arg9[%dma_start3A_92, %dma_start3A_93] : memref<32x128xf32, #tpu.memory_space<vmem>> -> memref<8x128xf32, #tpu.memory_space<vmem>>
    %dma_start3A_95 = arith.constant 0 : i32
    %dma_start3A_96 = tpu.memref_slice %arg2[%dma_start3A_95, %multiple_of3A_91] : memref<32x1000000xf32, #tpu.memory_space<hbm>> -> memref<8x128xf32, #tpu.memory_space<hbm>>
    %dma_start3A_97 = arith.constant 0 : i32
    %dma_start3A_98 = arith.constant 0 : i32
    %dma_start3A_99 = tpu.memref_slice %arg9[%dma_start3A_97, %dma_start3A_98] : memref<32x128xf32, #tpu.memory_space<vmem>> -> memref<8x128xf32, #tpu.memory_space<vmem>>
    %dma_start3A_100 = arith.constant 0 : i32
    %dma_start3A_101 = tpu.memref_slice %arg2[%dma_start3A_100, %multiple_of3A_91] : memref<32x1000000xf32, #tpu.memory_space<hbm>> -> memref<8x128xf32, #tpu.memory_space<hbm>>
    tpu.enqueue_dma source(%dma_start3A_101 : memref<8x128xf32, #tpu.memory_space<hbm>>) target(%dma_start3A_99 : memref<8x128xf32, #tpu.memory_space<vmem>>) target_semaphore(%arg17 : memref<!tpu.dma_semaphore, #tpu.memory_space<semaphore_mem>>)
    %dma_start3A_102 = arith.constant 8 : i32
    %dma_start3A_103 = arith.constant 0 : i32
    %dma_start3A_104 = tpu.memref_slice %arg9[%dma_start3A_102, %dma_start3A_103] : memref<32x128xf32, #tpu.memory_space<vmem>> -> memref<8x128xf32, #tpu.memory_space<vmem>>
    %dma_start3A_105 = arith.constant 8 : i32
    %dma_start3A_106 = tpu.memref_slice %arg2[%dma_start3A_105, %multiple_of3A_91] : memref<32x1000000xf32, #tpu.memory_space<hbm>> -> memref<8x128xf32, #tpu.memory_space<hbm>>
    %dma_start3A_107 = arith.constant 8 : i32
    %dma_start3A_108 = arith.constant 0 : i32
    %dma_start3A_109 = tpu.memref_slice %arg9[%dma_start3A_107, %dma_start3A_108] : memref<32x128xf32, #tpu.memory_space<vmem>> -> memref<8x128xf32, #tpu.memory_space<vmem>>
    %dma_start3A_110 = arith.constant 8 : i32
    %dma_start3A_111 = tpu.memref_slice %arg2[%dma_start3A_110, %multiple_of3A_91] : memref<32x1000000xf32, #tpu.memory_space<hbm>> -> memref<8x128xf32, #tpu.memory_space<hbm>>
    tpu.enqueue_dma source(%dma_start3A_111 : memref<8x128xf32, #tpu.memory_space<hbm>>) target(%dma_start3A_109 : memref<8x128xf32, #tpu.memory_space<vmem>>) target_semaphore(%arg17 : memref<!tpu.dma_semaphore, #tpu.memory_space<semaphore_mem>>)
    %dma_start3A_112 = arith.constant 16 : i32
    %dma_start3A_113 = arith.constant 0 : i32
    %dma_start3A_114 = tpu.memref_slice %arg9[%dma_start3A_112, %dma_start3A_113] : memref<32x128xf32, #tpu.memory_space<vmem>> -> memref<8x128xf32, #tpu.memory_space<vmem>>
    %dma_start3A_115 = arith.constant 16 : i32
    %dma_start3A_116 = tpu.memref_slice %arg2[%dma_start3A_115, %multiple_of3A_91] : memref<32x1000000xf32, #tpu.memory_space<hbm>> -> memref<8x128xf32, #tpu.memory_space<hbm>>
    %dma_start3A_117 = arith.constant 16 : i32
    %dma_start3A_118 = arith.constant 0 : i32
    %dma_start3A_119 = tpu.memref_slice %arg9[%dma_start3A_117, %dma_start3A_118] : memref<32x128xf32, #tpu.memory_space<vmem>> -> memref<8x128xf32, #tpu.memory_space<vmem>>
    %dma_start3A_120 = arith.constant 16 : i32
    %dma_start3A_121 = tpu.memref_slice %arg2[%dma_start3A_120, %multiple_of3A_91] : memref<32x1000000xf32, #tpu.memory_space<hbm>> -> memref<8x128xf32, #tpu.memory_space<hbm>>
    tpu.enqueue_dma source(%dma_start3A_121 : memref<8x128xf32, #tpu.memory_space<hbm>>) target(%dma_start3A_119 : memref<8x128xf32, #tpu.memory_space<vmem>>) target_semaphore(%arg17 : memref<!tpu.dma_semaphore, #tpu.memory_space<semaphore_mem>>)
    %dma_start3A_122 = arith.constant 24 : i32
    %dma_start3A_123 = arith.constant 0 : i32
    %dma_start3A_124 = tpu.memref_slice %arg9[%dma_start3A_122, %dma_start3A_123] : memref<32x128xf32, #tpu.memory_space<vmem>> -> memref<8x128xf32, #tpu.memory_space<vmem>>
    %dma_start3A_125 = arith.constant 24 : i32
    %dma_start3A_126 = tpu.memref_slice %arg2[%dma_start3A_125, %multiple_of3A_91] : memref<32x1000000xf32, #tpu.memory_space<hbm>> -> memref<8x128xf32, #tpu.memory_space<hbm>>
    %dma_start3A_127 = arith.constant 24 : i32
    %dma_start3A_128 = arith.constant 0 : i32
    %dma_start3A_129 = tpu.memref_slice %arg9[%dma_start3A_127, %dma_start3A_128] : memref<32x128xf32, #tpu.memory_space<vmem>> -> memref<8x128xf32, #tpu.memory_space<vmem>>
    %dma_start3A_130 = arith.constant 24 : i32
    %dma_start3A_131 = tpu.memref_slice %arg2[%dma_start3A_130, %multiple_of3A_91] : memref<32x1000000xf32, #tpu.memory_space<hbm>> -> memref<8x128xf32, #tpu.memory_space<hbm>>
    tpu.enqueue_dma source(%dma_start3A_131 : memref<8x128xf32, #tpu.memory_space<hbm>>) target(%dma_start3A_129 : memref<8x128xf32, #tpu.memory_space<vmem>>) target_semaphore(%arg17 : memref<!tpu.dma_semaphore, #tpu.memory_space<semaphore_mem>>)
    %get3A_132 = arith.constant 2 : i32
    %get3A_133 = arith.index_cast %get3A_132 : i32 to index
    %get3A_134 = memref.load %arg6[%get3A_133] : memref<512xi32, #tpu.memory_space<smem>>
    %jit3A_135 = arith.constant 128 : i32
    %div3A_136 = arith.divsi %get3A_134, %jit3A_135 : i32
    %sign3A_137 = arith.constant 0 : i32
    %sign3A_138 = arith.cmpi sgt, %get3A_134, %sign3A_137 : i32
    %sign3A_139 = arith.extui %sign3A_138 : i1 to i32
    %sign3A_140 = arith.constant 0 : i32
    %sign3A_141 = arith.cmpi slt, %get3A_134, %sign3A_140 : i32
    %sign3A_142 = arith.extui %sign3A_141 : i1 to i32
    %sign3A_143 = arith.subi %sign3A_139, %sign3A_142 : i32
    %sign3A_144 = arith.constant 0 : i32
    %sign3A_145 = arith.cmpi sgt, %jit3A_135, %sign3A_144 : i32
    %sign3A_146 = arith.extui %sign3A_145 : i1 to i32
    %sign3A_147 = arith.constant 0 : i32
    %sign3A_148 = arith.cmpi slt, %jit3A_135, %sign3A_147 : i32
    %sign3A_149 = arith.extui %sign3A_148 : i1 to i32
    %sign3A_150 = arith.subi %sign3A_146, %sign3A_149 : i32
    %ne3A_151 = arith.cmpi ne, %sign3A_143, %sign3A_150 : i32
    %rem3A_152 = arith.remsi %get3A_134, %jit3A_135 : i32
    %ne3A_153 = arith.constant 0 : i32
    %ne3A_154 = arith.cmpi ne, %rem3A_152, %ne3A_153 : i32
    %and3A_155 = arith.andi %ne3A_151, %ne3A_154 : i1
    %sub3A_156 = arith.constant 1 : i32
    %sub3A_157 = arith.subi %div3A_136, %sub3A_156 : i32
    %select_n3A_158 = arith.select %and3A_155, %sub3A_157, %div3A_136 : i32
    %mul3A_159 = arith.constant 128 : i32
    %mul3A_160 = arith.muli %select_n3A_158, %mul3A_159 : i32
    %multiple_of3A_161 = tpu.assume_multiple %mul3A_160, 128 : i32
    %dma_start3A_162 = arith.constant 0 : i32
    %dma_start3A_163 = arith.constant 0 : i32
    %dma_start3A_164 = tpu.memref_slice %arg10[%dma_start3A_162, %dma_start3A_163] : memref<32x128xf32, #tpu.memory_space<vmem>> -> memref<8x128xf32, #tpu.memory_space<vmem>>
    %dma_start3A_165 = arith.constant 0 : i32
    %dma_start3A_166 = tpu.memref_slice %arg2[%dma_start3A_165, %multiple_of3A_161] : memref<32x1000000xf32, #tpu.memory_space<hbm>> -> memref<8x128xf32, #tpu.memory_space<hbm>>
    %dma_start3A_167 = arith.constant 0 : i32
    %dma_start3A_168 = arith.constant 0 : i32
    %dma_start3A_169 = tpu.memref_slice %arg10[%dma_start3A_167, %dma_start3A_168] : memref<32x128xf32, #tpu.memory_space<vmem>> -> memref<8x128xf32, #tpu.memory_space<vmem>>
    %dma_start3A_170 = arith.constant 0 : i32
    %dma_start3A_171 = tpu.memref_slice %arg2[%dma_start3A_170, %multiple_of3A_161] : memref<32x1000000xf32, #tpu.memory_space<hbm>> -> memref<8x128xf32, #tpu.memory_space<hbm>>
    tpu.enqueue_dma source(%dma_start3A_171 : memref<8x128xf32, #tpu.memory_space<hbm>>) target(%dma_start3A_169 : memref<8x128xf32, #tpu.memory_space<vmem>>) target_semaphore(%arg18 : memref<!tpu.dma_semaphore, #tpu.memory_space<semaphore_mem>>)
    %dma_start3A_172 = arith.constant 8 : i32
    %dma_start3A_173 = arith.constant 0 : i32
    %dma_start3A_174 = tpu.memref_slice %arg10[%dma_start3A_172, %dma_start3A_173] : memref<32x128xf32, #tpu.memory_space<vmem>> -> memref<8x128xf32, #tpu.memory_space<vmem>>
    %dma_start3A_175 = arith.constant 8 : i32
    %dma_start3A_176 = tpu.memref_slice %arg2[%dma_start3A_175, %multiple_of3A_161] : memref<32x1000000xf32, #tpu.memory_space<hbm>> -> memref<8x128xf32, #tpu.memory_space<hbm>>
    %dma_start3A_177 = arith.constant 8 : i32
    %dma_start3A_178 = arith.constant 0 : i32
    %dma_start3A_179 = tpu.memref_slice %arg10[%dma_start3A_177, %dma_start3A_178] : memref<32x128xf32, #tpu.memory_space<vmem>> -> memref<8x128xf32, #tpu.memory_space<vmem>>
    %dma_start3A_180 = arith.constant 8 : i32
    %dma_start3A_181 = tpu.memref_slice %arg2[%dma_start3A_180, %multiple_of3A_161] : memref<32x1000000xf32, #tpu.memory_space<hbm>> -> memref<8x128xf32, #tpu.memory_space<hbm>>
    tpu.enqueue_dma source(%dma_start3A_181 : memref<8x128xf32, #tpu.memory_space<hbm>>) target(%dma_start3A_179 : memref<8x128xf32, #tpu.memory_space<vmem>>) target_semaphore(%arg18 : memref<!tpu.dma_semaphore, #tpu.memory_space<semaphore_mem>>)
    %dma_start3A_182 = arith.constant 16 : i32
    %dma_start3A_183 = arith.constant 0 : i32
    %dma_start3A_184 = tpu.memref_slice %arg10[%dma_start3A_182, %dma_start3A_183] : memref<32x128xf32, #tpu.memory_space<vmem>> -> memref<8x128xf32, #tpu.memory_space<vmem>>
    %dma_start3A_185 = arith.constant 16 : i32
    %dma_start3A_186 = tpu.memref_slice %arg2[%dma_start3A_185, %multiple_of3A_161] : memref<32x1000000xf32, #tpu.memory_space<hbm>> -> memref<8x128xf32, #tpu.memory_space<hbm>>
    %dma_start3A_187 = arith.constant 16 : i32
    %dma_start3A_188 = arith.constant 0 : i32
    %dma_start3A_189 = tpu.memref_slice %arg10[%dma_start3A_187, %dma_start3A_188] : memref<32x128xf32, #tpu.memory_space<vmem>> -> memref<8x128xf32, #tpu.memory_space<vmem>>
    %dma_start3A_190 = arith.constant 16 : i32
    %dma_start3A_191 = tpu.memref_slice %arg2[%dma_start3A_190, %multiple_of3A_161] : memref<32x1000000xf32, #tpu.memory_space<hbm>> -> memref<8x128xf32, #tpu.memory_space<hbm>>
    tpu.enqueue_dma source(%dma_start3A_191 : memref<8x128xf32, #tpu.memory_space<hbm>>) target(%dma_start3A_189 : memref<8x128xf32, #tpu.memory_space<vmem>>) target_semaphore(%arg18 : memref<!tpu.dma_semaphore, #tpu.memory_space<semaphore_mem>>)
    %dma_start3A_192 = arith.constant 24 : i32
    %dma_start3A_193 = arith.constant 0 : i32
    %dma_start3A_194 = tpu.memref_slice %arg10[%dma_start3A_192, %dma_start3A_193] : memref<32x128xf32, #tpu.memory_space<vmem>> -> memref<8x128xf32, #tpu.memory_space<vmem>>
    %dma_start3A_195 = arith.constant 24 : i32
    %dma_start3A_196 = tpu.memref_slice %arg2[%dma_start3A_195, %multiple_of3A_161] : memref<32x1000000xf32, #tpu.memory_space<hbm>> -> memref<8x128xf32, #tpu.memory_space<hbm>>
    %dma_start3A_197 = arith.constant 24 : i32
    %dma_start3A_198 = arith.constant 0 : i32
    %dma_start3A_199 = tpu.memref_slice %arg10[%dma_start3A_197, %dma_start3A_198] : memref<32x128xf32, #tpu.memory_space<vmem>> -> memref<8x128xf32, #tpu.memory_space<vmem>>
    %dma_start3A_200 = arith.constant 24 : i32
    %dma_start3A_201 = tpu.memref_slice %arg2[%dma_start3A_200, %multiple_of3A_161] : memref<32x1000000xf32, #tpu.memory_space<hbm>> -> memref<8x128xf32, #tpu.memory_space<hbm>>
    tpu.enqueue_dma source(%dma_start3A_201 : memref<8x128xf32, #tpu.memory_space<hbm>>) target(%dma_start3A_199 : memref<8x128xf32, #tpu.memory_space<vmem>>) target_semaphore(%arg18 : memref<!tpu.dma_semaphore, #tpu.memory_space<semaphore_mem>>)
    %get3A_202 = arith.constant 3 : i32
    %get3A_203 = arith.index_cast %get3A_202 : i32 to index
    %get3A_204 = memref.load %arg6[%get3A_203] : memref<512xi32, #tpu.memory_space<smem>>
    %jit3A_205 = arith.constant 128 : i32
    %div3A_206 = arith.divsi %get3A_204, %jit3A_205 : i32
    %sign3A_207 = arith.constant 0 : i32
    %sign3A_208 = arith.cmpi sgt, %get3A_204, %sign3A_207 : i32
    %sign3A_209 = arith.extui %sign3A_208 : i1 to i32
    %sign3A_210 = arith.constant 0 : i32
    %sign3A_211 = arith.cmpi slt, %get3A_204, %sign3A_210 : i32
    %sign3A_212 = arith.extui %sign3A_211 : i1 to i32
    %sign3A_213 = arith.subi %sign3A_209, %sign3A_212 : i32
    %sign3A_214 = arith.constant 0 : i32
    %sign3A_215 = arith.cmpi sgt, %jit3A_205, %sign3A_214 : i32
    %sign3A_216 = arith.extui %sign3A_215 : i1 to i32
    %sign3A_217 = arith.constant 0 : i32
    %sign3A_218 = arith.cmpi slt, %jit3A_205, %sign3A_217 : i32
    %sign3A_219 = arith.extui %sign3A_218 : i1 to i32
    %sign3A_220 = arith.subi %sign3A_216, %sign3A_219 : i32
    %ne3A_221 = arith.cmpi ne, %sign3A_213, %sign3A_220 : i32
    %rem3A_222 = arith.remsi %get3A_204, %jit3A_205 : i32
    %ne3A_223 = arith.constant 0 : i32
    %ne3A_224 = arith.cmpi ne, %rem3A_222, %ne3A_223 : i32
    %and3A_225 = arith.andi %ne3A_221, %ne3A_224 : i1
    %sub3A_226 = arith.constant 1 : i32
    %sub3A_227 = arith.subi %div3A_206, %sub3A_226 : i32
    %select_n3A_228 = arith.select %and3A_225, %sub3A_227, %div3A_206 : i32
    %mul3A_229 = arith.constant 128 : i32
    %mul3A_230 = arith.muli %select_n3A_228, %mul3A_229 : i32
    %multiple_of3A_231 = tpu.assume_multiple %mul3A_230, 128 : i32
    %dma_start3A_232 = arith.constant 0 : i32
    %dma_start3A_233 = arith.constant 0 : i32
    %dma_start3A_234 = tpu.memref_slice %arg11[%dma_start3A_232, %dma_start3A_233] : memref<32x128xf32, #tpu.memory_space<vmem>> -> memref<8x128xf32, #tpu.memory_space<vmem>>
    %dma_start3A_235 = arith.constant 0 : i32
    %dma_start3A_236 = tpu.memref_slice %arg2[%dma_start3A_235, %multiple_of3A_231] : memref<32x1000000xf32, #tpu.memory_space<hbm>> -> memref<8x128xf32, #tpu.memory_space<hbm>>
    %dma_start3A_237 = arith.constant 0 : i32
    %dma_start3A_238 = arith.constant 0 : i32
    %dma_start3A_239 = tpu.memref_slice %arg11[%dma_start3A_237, %dma_start3A_238] : memref<32x128xf32, #tpu.memory_space<vmem>> -> memref<8x128xf32, #tpu.memory_space<vmem>>
    %dma_start3A_240 = arith.constant 0 : i32
    %dma_start3A_241 = tpu.memref_slice %arg2[%dma_start3A_240, %multiple_of3A_231] : memref<32x1000000xf32, #tpu.memory_space<hbm>> -> memref<8x128xf32, #tpu.memory_space<hbm>>
    tpu.enqueue_dma source(%dma_start3A_241 : memref<8x128xf32, #tpu.memory_space<hbm>>) target(%dma_start3A_239 : memref<8x128xf32, #tpu.memory_space<vmem>>) target_semaphore(%arg19 : memref<!tpu.dma_semaphore, #tpu.memory_space<semaphore_mem>>)
    %dma_start3A_242 = arith.constant 8 : i32
    %dma_start3A_243 = arith.constant 0 : i32
    %dma_start3A_244 = tpu.memref_slice %arg11[%dma_start3A_242, %dma_start3A_243] : memref<32x128xf32, #tpu.memory_space<vmem>> -> memref<8x128xf32, #tpu.memory_space<vmem>>
    %dma_start3A_245 = arith.constant 8 : i32
    %dma_start3A_246 = tpu.memref_slice %arg2[%dma_start3A_245, %multiple_of3A_231] : memref<32x1000000xf32, #tpu.memory_space<hbm>> -> memref<8x128xf32, #tpu.memory_space<hbm>>
    %dma_start3A_247 = arith.constant 8 : i32
    %dma_start3A_248 = arith.constant 0 : i32
    %dma_start3A_249 = tpu.memref_slice %arg11[%dma_start3A_247, %dma_start3A_248] : memref<32x128xf32, #tpu.memory_space<vmem>> -> memref<8x128xf32, #tpu.memory_space<vmem>>
    %dma_start3A_250 = arith.constant 8 : i32
    %dma_start3A_251 = tpu.memref_slice %arg2[%dma_start3A_250, %multiple_of3A_231] : memref<32x1000000xf32, #tpu.memory_space<hbm>> -> memref<8x128xf32, #tpu.memory_space<hbm>>
    tpu.enqueue_dma source(%dma_start3A_251 : memref<8x128xf32, #tpu.memory_space<hbm>>) target(%dma_start3A_249 : memref<8x128xf32, #tpu.memory_space<vmem>>) target_semaphore(%arg19 : memref<!tpu.dma_semaphore, #tpu.memory_space<semaphore_mem>>)
    %dma_start3A_252 = arith.constant 16 : i32
    %dma_start3A_253 = arith.constant 0 : i32
    %dma_start3A_254 = tpu.memref_slice %arg11[%dma_start3A_252, %dma_start3A_253] : memref<32x128xf32, #tpu.memory_space<vmem>> -> memref<8x128xf32, #tpu.memory_space<vmem>>
    %dma_start3A_255 = arith.constant 16 : i32
    %dma_start3A_256 = tpu.memref_slice %arg2[%dma_start3A_255, %multiple_of3A_231] : memref<32x1000000xf32, #tpu.memory_space<hbm>> -> memref<8x128xf32, #tpu.memory_space<hbm>>
    %dma_start3A_257 = arith.constant 16 : i32
    %dma_start3A_258 = arith.constant 0 : i32
    %dma_start3A_259 = tpu.memref_slice %arg11[%dma_start3A_257, %dma_start3A_258] : memref<32x128xf32, #tpu.memory_space<vmem>> -> memref<8x128xf32, #tpu.memory_space<vmem>>
    %dma_start3A_260 = arith.constant 16 : i32
    %dma_start3A_261 = tpu.memref_slice %arg2[%dma_start3A_260, %multiple_of3A_231] : memref<32x1000000xf32, #tpu.memory_space<hbm>> -> memref<8x128xf32, #tpu.memory_space<hbm>>
    tpu.enqueue_dma source(%dma_start3A_261 : memref<8x128xf32, #tpu.memory_space<hbm>>) target(%dma_start3A_259 : memref<8x128xf32, #tpu.memory_space<vmem>>) target_semaphore(%arg19 : memref<!tpu.dma_semaphore, #tpu.memory_space<semaphore_mem>>)
    %dma_start3A_262 = arith.constant 24 : i32
    %dma_start3A_263 = arith.constant 0 : i32
    %dma_start3A_264 = tpu.memref_slice %arg11[%dma_start3A_262, %dma_start3A_263] : memref<32x128xf32, #tpu.memory_space<vmem>> -> memref<8x128xf32, #tpu.memory_space<vmem>>
    %dma_start3A_265 = arith.constant 24 : i32
    %dma_start3A_266 = tpu.memref_slice %arg2[%dma_start3A_265, %multiple_of3A_231] : memref<32x1000000xf32, #tpu.memory_space<hbm>> -> memref<8x128xf32, #tpu.memory_space<hbm>>
    %dma_start3A_267 = arith.constant 24 : i32
    %dma_start3A_268 = arith.constant 0 : i32
    %dma_start3A_269 = tpu.memref_slice %arg11[%dma_start3A_267, %dma_start3A_268] : memref<32x128xf32, #tpu.memory_space<vmem>> -> memref<8x128xf32, #tpu.memory_space<vmem>>
    %dma_start3A_270 = arith.constant 24 : i32
    %dma_start3A_271 = tpu.memref_slice %arg2[%dma_start3A_270, %multiple_of3A_231] : memref<32x1000000xf32, #tpu.memory_space<hbm>> -> memref<8x128xf32, #tpu.memory_space<hbm>>
    tpu.enqueue_dma source(%dma_start3A_271 : memref<8x128xf32, #tpu.memory_space<hbm>>) target(%dma_start3A_269 : memref<8x128xf32, #tpu.memory_space<vmem>>) target_semaphore(%arg19 : memref<!tpu.dma_semaphore, #tpu.memory_space<semaphore_mem>>)
    %get3A_272 = arith.constant 4 : i32
    %get3A_273 = arith.index_cast %get3A_272 : i32 to index
    %get3A_274 = memref.load %arg6[%get3A_273] : memref<512xi32, #tpu.memory_space<smem>>
    %jit3A_275 = arith.constant 128 : i32
    %div3A_276 = arith.divsi %get3A_274, %jit3A_275 : i32
    %sign3A_277 = arith.constant 0 : i32
    %sign3A_278 = arith.cmpi sgt, %get3A_274, %sign3A_277 : i32
    %sign3A_279 = arith.extui %sign3A_278 : i1 to i32
    %sign3A_280 = arith.constant 0 : i32
    %sign3A_281 = arith.cmpi slt, %get3A_274, %sign3A_280 : i32
    %sign3A_282 = arith.extui %sign3A_281 : i1 to i32
    %sign3A_283 = arith.subi %sign3A_279, %sign3A_282 : i32
    %sign3A_284 = arith.constant 0 : i32
    %sign3A_285 = arith.cmpi sgt, %jit3A_275, %sign3A_284 : i32
    %sign3A_286 = arith.extui %sign3A_285 : i1 to i32
    %sign3A_287 = arith.constant 0 : i32
    %sign3A_288 = arith.cmpi slt, %jit3A_275, %sign3A_287 : i32
    %sign3A_289 = arith.extui %sign3A_288 : i1 to i32
    %sign3A_290 = arith.subi %sign3A_286, %sign3A_289 : i32
    %ne3A_291 = arith.cmpi ne, %sign3A_283, %sign3A_290 : i32
    %rem3A_292 = arith.remsi %get3A_274, %jit3A_275 : i32
    %ne3A_293 = arith.constant 0 : i32
    %ne3A_294 = arith.cmpi ne, %rem3A_292, %ne3A_293 : i32
    %and3A_295 = arith.andi %ne3A_291, %ne3A_294 : i1
    %sub3A_296 = arith.constant 1 : i32
    %sub3A_297 = arith.subi %div3A_276, %sub3A_296 : i32
    %select_n3A_298 = arith.select %and3A_295, %sub3A_297, %div3A_276 : i32
    %mul3A_299 = arith.constant 128 : i32
    %mul3A_300 = arith.muli %select_n3A_298, %mul3A_299 : i32
    %multiple_of3A_301 = tpu.assume_multiple %mul3A_300, 128 : i32
    %dma_start3A_302 = arith.constant 0 : i32
    %dma_start3A_303 = arith.constant 0 : i32
    %dma_start3A_304 = tpu.memref_slice %arg12[%dma_start3A_302, %dma_start3A_303] : memref<32x128xf32, #tpu.memory_space<vmem>> -> memref<8x128xf32, #tpu.memory_space<vmem>>
    %dma_start3A_305 = arith.constant 0 : i32
    %dma_start3A_306 = tpu.memref_slice %arg2[%dma_start3A_305, %multiple_of3A_301] : memref<32x1000000xf32, #tpu.memory_space<hbm>> -> memref<8x128xf32, #tpu.memory_space<hbm>>
    %dma_start3A_307 = arith.constant 0 : i32
    %dma_start3A_308 = arith.constant 0 : i32
    %dma_start3A_309 = tpu.memref_slice %arg12[%dma_start3A_307, %dma_start3A_308] : memref<32x128xf32, #tpu.memory_space<vmem>> -> memref<8x128xf32, #tpu.memory_space<vmem>>
    %dma_start3A_310 = arith.constant 0 : i32
    %dma_start3A_311 = tpu.memref_slice %arg2[%dma_start3A_310, %multiple_of3A_301] : memref<32x1000000xf32, #tpu.memory_space<hbm>> -> memref<8x128xf32, #tpu.memory_space<hbm>>
    tpu.enqueue_dma source(%dma_start3A_311 : memref<8x128xf32, #tpu.memory_space<hbm>>) target(%dma_start3A_309 : memref<8x128xf32, #tpu.memory_space<vmem>>) target_semaphore(%arg20 : memref<!tpu.dma_semaphore, #tpu.memory_space<semaphore_mem>>)
    %dma_start3A_312 = arith.constant 8 : i32
    %dma_start3A_313 = arith.constant 0 : i32
    %dma_start3A_314 = tpu.memref_slice %arg12[%dma_start3A_312, %dma_start3A_313] : memref<32x128xf32, #tpu.memory_space<vmem>> -> memref<8x128xf32, #tpu.memory_space<vmem>>
    %dma_start3A_315 = arith.constant 8 : i32
    %dma_start3A_316 = tpu.memref_slice %arg2[%dma_start3A_315, %multiple_of3A_301] : memref<32x1000000xf32, #tpu.memory_space<hbm>> -> memref<8x128xf32, #tpu.memory_space<hbm>>
    %dma_start3A_317 = arith.constant 8 : i32
    %dma_start3A_318 = arith.constant 0 : i32
    %dma_start3A_319 = tpu.memref_slice %arg12[%dma_start3A_317, %dma_start3A_318] : memref<32x128xf32, #tpu.memory_space<vmem>> -> memref<8x128xf32, #tpu.memory_space<vmem>>
    %dma_start3A_320 = arith.constant 8 : i32
    %dma_start3A_321 = tpu.memref_slice %arg2[%dma_start3A_320, %multiple_of3A_301] : memref<32x1000000xf32, #tpu.memory_space<hbm>> -> memref<8x128xf32, #tpu.memory_space<hbm>>
    tpu.enqueue_dma source(%dma_start3A_321 : memref<8x128xf32, #tpu.memory_space<hbm>>) target(%dma_start3A_319 : memref<8x128xf32, #tpu.memory_space<vmem>>) target_semaphore(%arg20 : memref<!tpu.dma_semaphore, #tpu.memory_space<semaphore_mem>>)
    %dma_start3A_322 = arith.constant 16 : i32
    %dma_start3A_323 = arith.constant 0 : i32
    %dma_start3A_324 = tpu.memref_slice %arg12[%dma_start3A_322, %dma_start3A_323] : memref<32x128xf32, #tpu.memory_space<vmem>> -> memref<8x128xf32, #tpu.memory_space<vmem>>
    %dma_start3A_325 = arith.constant 16 : i32
    %dma_start3A_326 = tpu.memref_slice %arg2[%dma_start3A_325, %multiple_of3A_301] : memref<32x1000000xf32, #tpu.memory_space<hbm>> -> memref<8x128xf32, #tpu.memory_space<hbm>>
    %dma_start3A_327 = arith.constant 16 : i32
    %dma_start3A_328 = arith.constant 0 : i32
    %dma_start3A_329 = tpu.memref_slice %arg12[%dma_start3A_327, %dma_start3A_328] : memref<32x128xf32, #tpu.memory_space<vmem>> -> memref<8x128xf32, #tpu.memory_space<vmem>>
    %dma_start3A_330 = arith.constant 16 : i32
    %dma_start3A_331 = tpu.memref_slice %arg2[%dma_start3A_330, %multiple_of3A_301] : memref<32x1000000xf32, #tpu.memory_space<hbm>> -> memref<8x128xf32, #tpu.memory_space<hbm>>
    tpu.enqueue_dma source(%dma_start3A_331 : memref<8x128xf32, #tpu.memory_space<hbm>>) target(%dma_start3A_329 : memref<8x128xf32, #tpu.memory_space<vmem>>) target_semaphore(%arg20 : memref<!tpu.dma_semaphore, #tpu.memory_space<semaphore_mem>>)
    %dma_start3A_332 = arith.constant 24 : i32
    %dma_start3A_333 = arith.constant 0 : i32
    %dma_start3A_334 = tpu.memref_slice %arg12[%dma_start3A_332, %dma_start3A_333] : memref<32x128xf32, #tpu.memory_space<vmem>> -> memref<8x128xf32, #tpu.memory_space<vmem>>
    %dma_start3A_335 = arith.constant 24 : i32
    %dma_start3A_336 = tpu.memref_slice %arg2[%dma_start3A_335, %multiple_of3A_301] : memref<32x1000000xf32, #tpu.memory_space<hbm>> -> memref<8x128xf32, #tpu.memory_space<hbm>>
    %dma_start3A_337 = arith.constant 24 : i32
    %dma_start3A_338 = arith.constant 0 : i32
    %dma_start3A_339 = tpu.memref_slice %arg12[%dma_start3A_337, %dma_start3A_338] : memref<32x128xf32, #tpu.memory_space<vmem>> -> memref<8x128xf32, #tpu.memory_space<vmem>>
    %dma_start3A_340 = arith.constant 24 : i32
    %dma_start3A_341 = tpu.memref_slice %arg2[%dma_start3A_340, %multiple_of3A_301] : memref<32x1000000xf32, #tpu.memory_space<hbm>> -> memref<8x128xf32, #tpu.memory_space<hbm>>
    tpu.enqueue_dma source(%dma_start3A_341 : memref<8x128xf32, #tpu.memory_space<hbm>>) target(%dma_start3A_339 : memref<8x128xf32, #tpu.memory_space<vmem>>) target_semaphore(%arg20 : memref<!tpu.dma_semaphore, #tpu.memory_space<semaphore_mem>>)
    %get3A_342 = arith.constant 5 : i32
    %get3A_343 = arith.index_cast %get3A_342 : i32 to index
    %get3A_344 = memref.load %arg6[%get3A_343] : memref<512xi32, #tpu.memory_space<smem>>
    %jit3A_345 = arith.constant 128 : i32
    %div3A_346 = arith.divsi %get3A_344, %jit3A_345 : i32
    %sign3A_347 = arith.constant 0 : i32
    %sign3A_348 = arith.cmpi sgt, %get3A_344, %sign3A_347 : i32
    %sign3A_349 = arith.extui %sign3A_348 : i1 to i32
    %sign3A_350 = arith.constant 0 : i32
    %sign3A_351 = arith.cmpi slt, %get3A_344, %sign3A_350 : i32
    %sign3A_352 = arith.extui %sign3A_351 : i1 to i32
    %sign3A_353 = arith.subi %sign3A_349, %sign3A_352 : i32
    %sign3A_354 = arith.constant 0 : i32
    %sign3A_355 = arith.cmpi sgt, %jit3A_345, %sign3A_354 : i32
    %sign3A_356 = arith.extui %sign3A_355 : i1 to i32
    %sign3A_357 = arith.constant 0 : i32
    %sign3A_358 = arith.cmpi slt, %jit3A_345, %sign3A_357 : i32
    %sign3A_359 = arith.extui %sign3A_358 : i1 to i32
    %sign3A_360 = arith.subi %sign3A_356, %sign3A_359 : i32
    %ne3A_361 = arith.cmpi ne, %sign3A_353, %sign3A_360 : i32
    %rem3A_362 = arith.remsi %get3A_344, %jit3A_345 : i32
    %ne3A_363 = arith.constant 0 : i32
    %ne3A_364 = arith.cmpi ne, %rem3A_362, %ne3A_363 : i32
    %and3A_365 = arith.andi %ne3A_361, %ne3A_364 : i1
    %sub3A_366 = arith.constant 1 : i32
    %sub3A_367 = arith.subi %div3A_346, %sub3A_366 : i32
    %select_n3A_368 = arith.select %and3A_365, %sub3A_367, %div3A_346 : i32
    %mul3A_369 = arith.constant 128 : i32
    %mul3A_370 = arith.muli %select_n3A_368, %mul3A_369 : i32
    %multiple_of3A_371 = tpu.assume_multiple %mul3A_370, 128 : i32
    %dma_start3A_372 = arith.constant 0 : i32
    %dma_start3A_373 = arith.constant 0 : i32
    %dma_start3A_374 = tpu.memref_slice %arg13[%dma_start3A_372, %dma_start3A_373] : memref<32x128xf32, #tpu.memory_space<vmem>> -> memref<8x128xf32, #tpu.memory_space<vmem>>
    %dma_start3A_375 = arith.constant 0 : i32
    %dma_start3A_376 = tpu.memref_slice %arg2[%dma_start3A_375, %multiple_of3A_371] : memref<32x1000000xf32, #tpu.memory_space<hbm>> -> memref<8x128xf32, #tpu.memory_space<hbm>>
    %dma_start3A_377 = arith.constant 0 : i32
    %dma_start3A_378 = arith.constant 0 : i32
    %dma_start3A_379 = tpu.memref_slice %arg13[%dma_start3A_377, %dma_start3A_378] : memref<32x128xf32, #tpu.memory_space<vmem>> -> memref<8x128xf32, #tpu.memory_space<vmem>>
    %dma_start3A_380 = arith.constant 0 : i32
    %dma_start3A_381 = tpu.memref_slice %arg2[%dma_start3A_380, %multiple_of3A_371] : memref<32x1000000xf32, #tpu.memory_space<hbm>> -> memref<8x128xf32, #tpu.memory_space<hbm>>
    tpu.enqueue_dma source(%dma_start3A_381 : memref<8x128xf32, #tpu.memory_space<hbm>>) target(%dma_start3A_379 : memref<8x128xf32, #tpu.memory_space<vmem>>) target_semaphore(%arg21 : memref<!tpu.dma_semaphore, #tpu.memory_space<semaphore_mem>>)
    %dma_start3A_382 = arith.constant 8 : i32
    %dma_start3A_383 = arith.constant 0 : i32
    %dma_start3A_384 = tpu.memref_slice %arg13[%dma_start3A_382, %dma_start3A_383] : memref<32x128xf32, #tpu.memory_space<vmem>> -> memref<8x128xf32, #tpu.memory_space<vmem>>
    %dma_start3A_385 = arith.constant 8 : i32
    %dma_start3A_386 = tpu.memref_slice %arg2[%dma_start3A_385, %multiple_of3A_371] : memref<32x1000000xf32, #tpu.memory_space<hbm>> -> memref<8x128xf32, #tpu.memory_space<hbm>>
    %dma_start3A_387 = arith.constant 8 : i32
    %dma_start3A_388 = arith.constant 0 : i32
    %dma_start3A_389 = tpu.memref_slice %arg13[%dma_start3A_387, %dma_start3A_388] : memref<32x128xf32, #tpu.memory_space<vmem>> -> memref<8x128xf32, #tpu.memory_space<vmem>>
    %dma_start3A_390 = arith.constant 8 : i32
    %dma_start3A_391 = tpu.memref_slice %arg2[%dma_start3A_390, %multiple_of3A_371] : memref<32x1000000xf32, #tpu.memory_space<hbm>> -> memref<8x128xf32, #tpu.memory_space<hbm>>
    tpu.enqueue_dma source(%dma_start3A_391 : memref<8x128xf32, #tpu.memory_space<hbm>>) target(%dma_start3A_389 : memref<8x128xf32, #tpu.memory_space<vmem>>) target_semaphore(%arg21 : memref<!tpu.dma_semaphore, #tpu.memory_space<semaphore_mem>>)
    %dma_start3A_392 = arith.constant 16 : i32
    %dma_start3A_393 = arith.constant 0 : i32
    %dma_start3A_394 = tpu.memref_slice %arg13[%dma_start3A_392, %dma_start3A_393] : memref<32x128xf32, #tpu.memory_space<vmem>> -> memref<8x128xf32, #tpu.memory_space<vmem>>
    %dma_start3A_395 = arith.constant 16 : i32
    %dma_start3A_396 = tpu.memref_slice %arg2[%dma_start3A_395, %multiple_of3A_371] : memref<32x1000000xf32, #tpu.memory_space<hbm>> -> memref<8x128xf32, #tpu.memory_space<hbm>>
    %dma_start3A_397 = arith.constant 16 : i32
    %dma_start3A_398 = arith.constant 0 : i32
    %dma_start3A_399 = tpu.memref_slice %arg13[%dma_start3A_397, %dma_start3A_398] : memref<32x128xf32, #tpu.memory_space<vmem>> -> memref<8x128xf32, #tpu.memory_space<vmem>>
    %dma_start3A_400 = arith.constant 16 : i32
    %dma_start3A_401 = tpu.memref_slice %arg2[%dma_start3A_400, %multiple_of3A_371] : memref<32x1000000xf32, #tpu.memory_space<hbm>> -> memref<8x128xf32, #tpu.memory_space<hbm>>
    tpu.enqueue_dma source(%dma_start3A_401 : memref<8x128xf32, #tpu.memory_space<hbm>>) target(%dma_start3A_399 : memref<8x128xf32, #tpu.memory_space<vmem>>) target_semaphore(%arg21 : memref<!tpu.dma_semaphore, #tpu.memory_space<semaphore_mem>>)
    %dma_start3A_402 = arith.constant 24 : i32
    %dma_start3A_403 = arith.constant 0 : i32
    %dma_start3A_404 = tpu.memref_slice %arg13[%dma_start3A_402, %dma_start3A_403] : memref<32x128xf32, #tpu.memory_space<vmem>> -> memref<8x128xf32, #tpu.memory_space<vmem>>
    %dma_start3A_405 = arith.constant 24 : i32
    %dma_start3A_406 = tpu.memref_slice %arg2[%dma_start3A_405, %multiple_of3A_371] : memref<32x1000000xf32, #tpu.memory_space<hbm>> -> memref<8x128xf32, #tpu.memory_space<hbm>>
    %dma_start3A_407 = arith.constant 24 : i32
    %dma_start3A_408 = arith.constant 0 : i32
    %dma_start3A_409 = tpu.memref_slice %arg13[%dma_start3A_407, %dma_start3A_408] : memref<32x128xf32, #tpu.memory_space<vmem>> -> memref<8x128xf32, #tpu.memory_space<vmem>>
    %dma_start3A_410 = arith.constant 24 : i32
    %dma_start3A_411 = tpu.memref_slice %arg2[%dma_start3A_410, %multiple_of3A_371] : memref<32x1000000xf32, #tpu.memory_space<hbm>> -> memref<8x128xf32, #tpu.memory_space<hbm>>
    tpu.enqueue_dma source(%dma_start3A_411 : memref<8x128xf32, #tpu.memory_space<hbm>>) target(%dma_start3A_409 : memref<8x128xf32, #tpu.memory_space<vmem>>) target_semaphore(%arg21 : memref<!tpu.dma_semaphore, #tpu.memory_space<semaphore_mem>>)
    %get3A_412 = arith.constant 6 : i32
    %get3A_413 = arith.index_cast %get3A_412 : i32 to index
    %get3A_414 = memref.load %arg6[%get3A_413] : memref<512xi32, #tpu.memory_space<smem>>
    %jit3A_415 = arith.constant 128 : i32
    %div3A_416 = arith.divsi %get3A_414, %jit3A_415 : i32
    %sign3A_417 = arith.constant 0 : i32
    %sign3A_418 = arith.cmpi sgt, %get3A_414, %sign3A_417 : i32
    %sign3A_419 = arith.extui %sign3A_418 : i1 to i32
    %sign3A_420 = arith.constant 0 : i32
    %sign3A_421 = arith.cmpi slt, %get3A_414, %sign3A_420 : i32
    %sign3A_422 = arith.extui %sign3A_421 : i1 to i32
    %sign3A_423 = arith.subi %sign3A_419, %sign3A_422 : i32
    %sign3A_424 = arith.constant 0 : i32
    %sign3A_425 = arith.cmpi sgt, %jit3A_415, %sign3A_424 : i32
    %sign3A_426 = arith.extui %sign3A_425 : i1 to i32
    %sign3A_427 = arith.constant 0 : i32
    %sign3A_428 = arith.cmpi slt, %jit3A_415, %sign3A_427 : i32
    %sign3A_429 = arith.extui %sign3A_428 : i1 to i32
    %sign3A_430 = arith.subi %sign3A_426, %sign3A_429 : i32
    %ne3A_431 = arith.cmpi ne, %sign3A_423, %sign3A_430 : i32
    %rem3A_432 = arith.remsi %get3A_414, %jit3A_415 : i32
    %ne3A_433 = arith.constant 0 : i32
    %ne3A_434 = arith.cmpi ne, %rem3A_432, %ne3A_433 : i32
    %and3A_435 = arith.andi %ne3A_431, %ne3A_434 : i1
    %sub3A_436 = arith.constant 1 : i32
    %sub3A_437 = arith.subi %div3A_416, %sub3A_436 : i32
    %select_n3A_438 = arith.select %and3A_435, %sub3A_437, %div3A_416 : i32
    %mul3A_439 = arith.constant 128 : i32
    %mul3A_440 = arith.muli %select_n3A_438, %mul3A_439 : i32
    %multiple_of3A_441 = tpu.assume_multiple %mul3A_440, 128 : i32
    %dma_start3A_442 = arith.constant 0 : i32
    %dma_start3A_443 = arith.constant 0 : i32
    %dma_start3A_444 = tpu.memref_slice %arg14[%dma_start3A_442, %dma_start3A_443] : memref<32x128xf32, #tpu.memory_space<vmem>> -> memref<8x128xf32, #tpu.memory_space<vmem>>
    %dma_start3A_445 = arith.constant 0 : i32
    %dma_start3A_446 = tpu.memref_slice %arg2[%dma_start3A_445, %multiple_of3A_441] : memref<32x1000000xf32, #tpu.memory_space<hbm>> -> memref<8x128xf32, #tpu.memory_space<hbm>>
    %dma_start3A_447 = arith.constant 0 : i32
    %dma_start3A_448 = arith.constant 0 : i32
    %dma_start3A_449 = tpu.memref_slice %arg14[%dma_start3A_447, %dma_start3A_448] : memref<32x128xf32, #tpu.memory_space<vmem>> -> memref<8x128xf32, #tpu.memory_space<vmem>>
    %dma_start3A_450 = arith.constant 0 : i32
    %dma_start3A_451 = tpu.memref_slice %arg2[%dma_start3A_450, %multiple_of3A_441] : memref<32x1000000xf32, #tpu.memory_space<hbm>> -> memref<8x128xf32, #tpu.memory_space<hbm>>
    tpu.enqueue_dma source(%dma_start3A_451 : memref<8x128xf32, #tpu.memory_space<hbm>>) target(%dma_start3A_449 : memref<8x128xf32, #tpu.memory_space<vmem>>) target_semaphore(%arg22 : memref<!tpu.dma_semaphore, #tpu.memory_space<semaphore_mem>>)
    %dma_start3A_452 = arith.constant 8 : i32
    %dma_start3A_453 = arith.constant 0 : i32
    %dma_start3A_454 = tpu.memref_slice %arg14[%dma_start3A_452, %dma_start3A_453] : memref<32x128xf32, #tpu.memory_space<vmem>> -> memref<8x128xf32, #tpu.memory_space<vmem>>
    %dma_start3A_455 = arith.constant 8 : i32
    %dma_start3A_456 = tpu.memref_slice %arg2[%dma_start3A_455, %multiple_of3A_441] : memref<32x1000000xf32, #tpu.memory_space<hbm>> -> memref<8x128xf32, #tpu.memory_space<hbm>>
    %dma_start3A_457 = arith.constant 8 : i32
    %dma_start3A_458 = arith.constant 0 : i32
    %dma_start3A_459 = tpu.memref_slice %arg14[%dma_start3A_457, %dma_start3A_458] : memref<32x128xf32, #tpu.memory_space<vmem>> -> memref<8x128xf32, #tpu.memory_space<vmem>>
    %dma_start3A_460 = arith.constant 8 : i32
    %dma_start3A_461 = tpu.memref_slice %arg2[%dma_start3A_460, %multiple_of3A_441] : memref<32x1000000xf32, #tpu.memory_space<hbm>> -> memref<8x128xf32, #tpu.memory_space<hbm>>
    tpu.enqueue_dma source(%dma_start3A_461 : memref<8x128xf32, #tpu.memory_space<hbm>>) target(%dma_start3A_459 : memref<8x128xf32, #tpu.memory_space<vmem>>) target_semaphore(%arg22 : memref<!tpu.dma_semaphore, #tpu.memory_space<semaphore_mem>>)
    %dma_start3A_462 = arith.constant 16 : i32
    %dma_start3A_463 = arith.constant 0 : i32
    %dma_start3A_464 = tpu.memref_slice %arg14[%dma_start3A_462, %dma_start3A_463] : memref<32x128xf32, #tpu.memory_space<vmem>> -> memref<8x128xf32, #tpu.memory_space<vmem>>
    %dma_start3A_465 = arith.constant 16 : i32
    %dma_start3A_466 = tpu.memref_slice %arg2[%dma_start3A_465, %multiple_of3A_441] : memref<32x1000000xf32, #tpu.memory_space<hbm>> -> memref<8x128xf32, #tpu.memory_space<hbm>>
    %dma_start3A_467 = arith.constant 16 : i32
    %dma_start3A_468 = arith.constant 0 : i32
    %dma_start3A_469 = tpu.memref_slice %arg14[%dma_start3A_467, %dma_start3A_468] : memref<32x128xf32, #tpu.memory_space<vmem>> -> memref<8x128xf32, #tpu.memory_space<vmem>>
    %dma_start3A_470 = arith.constant 16 : i32
    %dma_start3A_471 = tpu.memref_slice %arg2[%dma_start3A_470, %multiple_of3A_441] : memref<32x1000000xf32, #tpu.memory_space<hbm>> -> memref<8x128xf32, #tpu.memory_space<hbm>>
    tpu.enqueue_dma source(%dma_start3A_471 : memref<8x128xf32, #tpu.memory_space<hbm>>) target(%dma_start3A_469 : memref<8x128xf32, #tpu.memory_space<vmem>>) target_semaphore(%arg22 : memref<!tpu.dma_semaphore, #tpu.memory_space<semaphore_mem>>)
    %dma_start3A_472 = arith.constant 24 : i32
    %dma_start3A_473 = arith.constant 0 : i32
    %dma_start3A_474 = tpu.memref_slice %arg14[%dma_start3A_472, %dma_start3A_473] : memref<32x128xf32, #tpu.memory_space<vmem>> -> memref<8x128xf32, #tpu.memory_space<vmem>>
    %dma_start3A_475 = arith.constant 24 : i32
    %dma_start3A_476 = tpu.memref_slice %arg2[%dma_start3A_475, %multiple_of3A_441] : memref<32x1000000xf32, #tpu.memory_space<hbm>> -> memref<8x128xf32, #tpu.memory_space<hbm>>
    %dma_start3A_477 = arith.constant 24 : i32
    %dma_start3A_478 = arith.constant 0 : i32
    %dma_start3A_479 = tpu.memref_slice %arg14[%dma_start3A_477, %dma_start3A_478] : memref<32x128xf32, #tpu.memory_space<vmem>> -> memref<8x128xf32, #tpu.memory_space<vmem>>
    %dma_start3A_480 = arith.constant 24 : i32
    %dma_start3A_481 = tpu.memref_slice %arg2[%dma_start3A_480, %multiple_of3A_441] : memref<32x1000000xf32, #tpu.memory_space<hbm>> -> memref<8x128xf32, #tpu.memory_space<hbm>>
    tpu.enqueue_dma source(%dma_start3A_481 : memref<8x128xf32, #tpu.memory_space<hbm>>) target(%dma_start3A_479 : memref<8x128xf32, #tpu.memory_space<vmem>>) target_semaphore(%arg22 : memref<!tpu.dma_semaphore, #tpu.memory_space<semaphore_mem>>)
    %get3A_482 = arith.constant 7 : i32
    %get3A_483 = arith.index_cast %get3A_482 : i32 to index
    %get3A_484 = memref.load %arg6[%get3A_483] : memref<512xi32, #tpu.memory_space<smem>>
    %jit3A_485 = arith.constant 128 : i32
    %div3A_486 = arith.divsi %get3A_484, %jit3A_485 : i32
    %sign3A_487 = arith.constant 0 : i32
    %sign3A_488 = arith.cmpi sgt, %get3A_484, %sign3A_487 : i32
    %sign3A_489 = arith.extui %sign3A_488 : i1 to i32
    %sign3A_490 = arith.constant 0 : i32
    %sign3A_491 = arith.cmpi slt, %get3A_484, %sign3A_490 : i32
    %sign3A_492 = arith.extui %sign3A_491 : i1 to i32
    %sign3A_493 = arith.subi %sign3A_489, %sign3A_492 : i32
    %sign3A_494 = arith.constant 0 : i32
    %sign3A_495 = arith.cmpi sgt, %jit3A_485, %sign3A_494 : i32
    %sign3A_496 = arith.extui %sign3A_495 : i1 to i32
    %sign3A_497 = arith.constant 0 : i32
    %sign3A_498 = arith.cmpi slt, %jit3A_485, %sign3A_497 : i32
    %sign3A_499 = arith.extui %sign3A_498 : i1 to i32
    %sign3A_500 = arith.subi %sign3A_496, %sign3A_499 : i32
    %ne3A_501 = arith.cmpi ne, %sign3A_493, %sign3A_500 : i32
    %rem3A_502 = arith.remsi %get3A_484, %jit3A_485 : i32
    %ne3A_503 = arith.constant 0 : i32
    %ne3A_504 = arith.cmpi ne, %rem3A_502, %ne3A_503 : i32
    %and3A_505 = arith.andi %ne3A_501, %ne3A_504 : i1
    %sub3A_506 = arith.constant 1 : i32
    %sub3A_507 = arith.subi %div3A_486, %sub3A_506 : i32
    %select_n3A_508 = arith.select %and3A_505, %sub3A_507, %div3A_486 : i32
    %mul3A_509 = arith.constant 128 : i32
    %mul3A_510 = arith.muli %select_n3A_508, %mul3A_509 : i32
    %multiple_of3A_511 = tpu.assume_multiple %mul3A_510, 128 : i32
    %dma_start3A_512 = arith.constant 0 : i32
    %dma_start3A_513 = arith.constant 0 : i32
    %dma_start3A_514 = tpu.memref_slice %arg15[%dma_start3A_512, %dma_start3A_513] : memref<32x128xf32, #tpu.memory_space<vmem>> -> memref<8x128xf32, #tpu.memory_space<vmem>>
    %dma_start3A_515 = arith.constant 0 : i32
    %dma_start3A_516 = tpu.memref_slice %arg2[%dma_start3A_515, %multiple_of3A_511] : memref<32x1000000xf32, #tpu.memory_space<hbm>> -> memref<8x128xf32, #tpu.memory_space<hbm>>
    %dma_start3A_517 = arith.constant 0 : i32
    %dma_start3A_518 = arith.constant 0 : i32
    %dma_start3A_519 = tpu.memref_slice %arg15[%dma_start3A_517, %dma_start3A_518] : memref<32x128xf32, #tpu.memory_space<vmem>> -> memref<8x128xf32, #tpu.memory_space<vmem>>
    %dma_start3A_520 = arith.constant 0 : i32
    %dma_start3A_521 = tpu.memref_slice %arg2[%dma_start3A_520, %multiple_of3A_511] : memref<32x1000000xf32, #tpu.memory_space<hbm>> -> memref<8x128xf32, #tpu.memory_space<hbm>>
    tpu.enqueue_dma source(%dma_start3A_521 : memref<8x128xf32, #tpu.memory_space<hbm>>) target(%dma_start3A_519 : memref<8x128xf32, #tpu.memory_space<vmem>>) target_semaphore(%arg23 : memref<!tpu.dma_semaphore, #tpu.memory_space<semaphore_mem>>)
    %dma_start3A_522 = arith.constant 8 : i32
    %dma_start3A_523 = arith.constant 0 : i32
    %dma_start3A_524 = tpu.memref_slice %arg15[%dma_start3A_522, %dma_start3A_523] : memref<32x128xf32, #tpu.memory_space<vmem>> -> memref<8x128xf32, #tpu.memory_space<vmem>>
    %dma_start3A_525 = arith.constant 8 : i32
    %dma_start3A_526 = tpu.memref_slice %arg2[%dma_start3A_525, %multiple_of3A_511] : memref<32x1000000xf32, #tpu.memory_space<hbm>> -> memref<8x128xf32, #tpu.memory_space<hbm>>
    %dma_start3A_527 = arith.constant 8 : i32
    %dma_start3A_528 = arith.constant 0 : i32
    %dma_start3A_529 = tpu.memref_slice %arg15[%dma_start3A_527, %dma_start3A_528] : memref<32x128xf32, #tpu.memory_space<vmem>> -> memref<8x128xf32, #tpu.memory_space<vmem>>
    %dma_start3A_530 = arith.constant 8 : i32
    %dma_start3A_531 = tpu.memref_slice %arg2[%dma_start3A_530, %multiple_of3A_511] : memref<32x1000000xf32, #tpu.memory_space<hbm>> -> memref<8x128xf32, #tpu.memory_space<hbm>>
    tpu.enqueue_dma source(%dma_start3A_531 : memref<8x128xf32, #tpu.memory_space<hbm>>) target(%dma_start3A_529 : memref<8x128xf32, #tpu.memory_space<vmem>>) target_semaphore(%arg23 : memref<!tpu.dma_semaphore, #tpu.memory_space<semaphore_mem>>)
    %dma_start3A_532 = arith.constant 16 : i32
    %dma_start3A_533 = arith.constant 0 : i32
    %dma_start3A_534 = tpu.memref_slice %arg15[%dma_start3A_532, %dma_start3A_533] : memref<32x128xf32, #tpu.memory_space<vmem>> -> memref<8x128xf32, #tpu.memory_space<vmem>>
    %dma_start3A_535 = arith.constant 16 : i32
    %dma_start3A_536 = tpu.memref_slice %arg2[%dma_start3A_535, %multiple_of3A_511] : memref<32x1000000xf32, #tpu.memory_space<hbm>> -> memref<8x128xf32, #tpu.memory_space<hbm>>
    %dma_start3A_537 = arith.constant 16 : i32
    %dma_start3A_538 = arith.constant 0 : i32
    %dma_start3A_539 = tpu.memref_slice %arg15[%dma_start3A_537, %dma_start3A_538] : memref<32x128xf32, #tpu.memory_space<vmem>> -> memref<8x128xf32, #tpu.memory_space<vmem>>
    %dma_start3A_540 = arith.constant 16 : i32
    %dma_start3A_541 = tpu.memref_slice %arg2[%dma_start3A_540, %multiple_of3A_511] : memref<32x1000000xf32, #tpu.memory_space<hbm>> -> memref<8x128xf32, #tpu.memory_space<hbm>>
    tpu.enqueue_dma source(%dma_start3A_541 : memref<8x128xf32, #tpu.memory_space<hbm>>) target(%dma_start3A_539 : memref<8x128xf32, #tpu.memory_space<vmem>>) target_semaphore(%arg23 : memref<!tpu.dma_semaphore, #tpu.memory_space<semaphore_mem>>)
    %dma_start3A_542 = arith.constant 24 : i32
    %dma_start3A_543 = arith.constant 0 : i32
    %dma_start3A_544 = tpu.memref_slice %arg15[%dma_start3A_542, %dma_start3A_543] : memref<32x128xf32, #tpu.memory_space<vmem>> -> memref<8x128xf32, #tpu.memory_space<vmem>>
    %dma_start3A_545 = arith.constant 24 : i32
    %dma_start3A_546 = tpu.memref_slice %arg2[%dma_start3A_545, %multiple_of3A_511] : memref<32x1000000xf32, #tpu.memory_space<hbm>> -> memref<8x128xf32, #tpu.memory_space<hbm>>
    %dma_start3A_547 = arith.constant 24 : i32
    %dma_start3A_548 = arith.constant 0 : i32
    %dma_start3A_549 = tpu.memref_slice %arg15[%dma_start3A_547, %dma_start3A_548] : memref<32x128xf32, #tpu.memory_space<vmem>> -> memref<8x128xf32, #tpu.memory_space<vmem>>
    %dma_start3A_550 = arith.constant 24 : i32
    %dma_start3A_551 = tpu.memref_slice %arg2[%dma_start3A_550, %multiple_of3A_511] : memref<32x1000000xf32, #tpu.memory_space<hbm>> -> memref<8x128xf32, #tpu.memory_space<hbm>>
    tpu.enqueue_dma source(%dma_start3A_551 : memref<8x128xf32, #tpu.memory_space<hbm>>) target(%dma_start3A_549 : memref<8x128xf32, #tpu.memory_space<vmem>>) target_semaphore(%arg23 : memref<!tpu.dma_semaphore, #tpu.memory_space<semaphore_mem>>)
    %scan3A = arith.constant 0 : i32
    %scan3A_552 = arith.constant 64 : i32
    %scan3A_553 = arith.addi %scan3A, %scan3A_552 : i32
    %scan3A_554 = arith.constant 1 : i32
    scf.for %scan3A_556 = %scan3A to %scan3A_553 step %scan3A_554  : i32 {
      %mul3A_557 = arith.constant 8 : i32
      %mul3A_558 = arith.muli %scan3A_556, %mul3A_557 : i32
      %add3A_559 = arith.constant 0 : i32
      %add3A_560 = arith.addi %add3A_559, %mul3A_558 : i32
      %add3A_561 = arith.constant 0 : i32
      %add3A_562 = arith.addi %add3A_560, %add3A_561 : i32
      %dma_wait3A = arith.constant 0 : i32
      %dma_wait3A_563 = arith.constant 0 : i32
      %dma_wait3A_564 = tpu.memref_slice %arg2[%dma_wait3A, %dma_wait3A_563] : memref<32x1000000xf32, #tpu.memory_space<hbm>> -> memref<32x128xf32, #tpu.memory_space<hbm>>
      %dma_wait3A_565 = arith.constant 0 : i32
      %dma_wait3A_566 = arith.constant 0 : i32
      %dma_wait3A_567 = tpu.memref_slice %arg2[%dma_wait3A_565, %dma_wait3A_566] : memref<32x1000000xf32, #tpu.memory_space<hbm>> -> memref<32x128xf32, #tpu.memory_space<hbm>>
      tpu.wait_dma2 semaphore(%arg16 : memref<!tpu.dma_semaphore, #tpu.memory_space<semaphore_mem>>) src(%dma_wait3A_567 : memref<32x128xf32, #tpu.memory_space<hbm>>) dst(%arg8 : memref<32x128xf32, #tpu.memory_space<vmem>>)
      %get3A_568 = arith.index_cast %add3A_562 : i32 to index
      %get3A_569 = memref.load %arg6[%get3A_568] : memref<512xi32, #tpu.memory_space<smem>>
      %jit3A_570 = arith.constant 128 : i32
      %div3A_571 = arith.divsi %get3A_569, %jit3A_570 : i32
      %sign3A_572 = arith.constant 0 : i32
      %sign3A_573 = arith.cmpi sgt, %get3A_569, %sign3A_572 : i32
      %sign3A_574 = arith.extui %sign3A_573 : i1 to i32
      %sign3A_575 = arith.constant 0 : i32
      %sign3A_576 = arith.cmpi slt, %get3A_569, %sign3A_575 : i32
      %sign3A_577 = arith.extui %sign3A_576 : i1 to i32
      %sign3A_578 = arith.subi %sign3A_574, %sign3A_577 : i32
      %sign3A_579 = arith.constant 0 : i32
      %sign3A_580 = arith.cmpi sgt, %jit3A_570, %sign3A_579 : i32
      %sign3A_581 = arith.extui %sign3A_580 : i1 to i32
      %sign3A_582 = arith.constant 0 : i32
      %sign3A_583 = arith.cmpi slt, %jit3A_570, %sign3A_582 : i32
      %sign3A_584 = arith.extui %sign3A_583 : i1 to i32
      %sign3A_585 = arith.subi %sign3A_581, %sign3A_584 : i32
      %ne3A_586 = arith.cmpi ne, %sign3A_578, %sign3A_585 : i32
      %rem3A_587 = arith.remsi %get3A_569, %jit3A_570 : i32
      %ne3A_588 = arith.constant 0 : i32
      %ne3A_589 = arith.cmpi ne, %rem3A_587, %ne3A_588 : i32
      %and3A_590 = arith.andi %ne3A_586, %ne3A_589 : i1
      %sub3A_591 = arith.constant 1 : i32
      %sub3A_592 = arith.subi %div3A_571, %sub3A_591 : i32
      %select_n3A_593 = arith.select %and3A_590, %sub3A_592, %div3A_571 : i32
      %mul3A_594 = arith.constant 128 : i32
      %mul3A_595 = arith.muli %select_n3A_593, %mul3A_594 : i32
      %sub3A_596 = arith.subi %get3A_569, %mul3A_595 : i32
      %broadcast_in_dim3A = arith.constant 0 : i32
      %broadcast_in_dim3A_597 = vector.broadcast %broadcast_in_dim3A : i32 to vector<16xi32>
      %add3A_598 = vector.broadcast %sub3A_596 : i32 to vector<16xi32>
      %add3A_599 = arith.addi %broadcast_in_dim3A_597, %add3A_598 : vector<16xi32>
      %broadcast_in_dim3A_600 = arith.constant 0 : i32
      %broadcast_in_dim3A_601 = vector.broadcast %broadcast_in_dim3A_600 : i32 to vector<16xi32>
      %add3A_602 = vector.broadcast %add3A_562 : i32 to vector<16xi32>
      %add3A_603 = arith.addi %broadcast_in_dim3A_601, %add3A_602 : vector<16xi32>
      %iota3A = tpu.iota {dimensions = array<i32: 0>} : vector<16xi32>
      %add3A_604 = arith.constant 0 : i32
      %add3A_605 = vector.broadcast %add3A_604 : i32 to vector<16xi32>
      %add3A_606 = arith.addi %iota3A, %add3A_605 : vector<16xi32>
      %gather3A = tpu.vector_load_idx %arg8[%add3A_606, %add3A_599] : memref<32x128xf32, #tpu.memory_space<vmem>>[vector<16xi32>, vector<16xi32>], vector<16xf32>,
      tpu.vector_store_idx %arg7[%add3A_606, %add3A_603], %gather3A : memref<32x512xf32, #tpu.memory_space<vmem>>[vector<16xi32>, vector<16xi32>], vector<16xf32>,
      %iota3A_607 = tpu.iota {dimensions = array<i32: 0>} : vector<16xi32>
      %add3A_608 = arith.constant 16 : i32
      %add3A_609 = vector.broadcast %add3A_608 : i32 to vector<16xi32>
      %add3A_610 = arith.addi %iota3A_607, %add3A_609 : vector<16xi32>
      %gather3A_611 = tpu.vector_load_idx %arg8[%add3A_610, %add3A_599] : memref<32x128xf32, #tpu.memory_space<vmem>>[vector<16xi32>, vector<16xi32>], vector<16xf32>,
      tpu.vector_store_idx %arg7[%add3A_610, %add3A_603], %gather3A_611 : memref<32x512xf32, #tpu.memory_space<vmem>>[vector<16xi32>, vector<16xi32>], vector<16xf32>,
      %add3A_612 = arith.constant 8 : i32
      %add3A_613 = arith.addi %add3A_562, %add3A_612 : i32
      %lt3A = arith.constant 512 : i32
      %lt3A_614 = arith.cmpi slt, %add3A_613, %lt3A : i32
      %convert_element_type3A = arith.extui %lt3A_614 : i1 to i32
      %cond3A = arith.constant 0 : i32
      %cond3A_615 = arith.cmpi ne, %convert_element_type3A, %cond3A : i32
      scf.if %cond3A_615 {
        %add3A_1050 = arith.constant 8 : i32
        %add3A_1051 = arith.addi %add3A_562, %add3A_1050 : i32
        %get3A_1052 = arith.index_cast %add3A_1051 : i32 to index
        %get3A_1053 = memref.load %arg6[%get3A_1052] : memref<512xi32, #tpu.memory_space<smem>>
        %jit3A_1054 = arith.constant 128 : i32
        %div3A_1055 = arith.divsi %get3A_1053, %jit3A_1054 : i32
        %sign3A_1056 = arith.constant 0 : i32
        %sign3A_1057 = arith.cmpi sgt, %get3A_1053, %sign3A_1056 : i32
        %sign3A_1058 = arith.extui %sign3A_1057 : i1 to i32
        %sign3A_1059 = arith.constant 0 : i32
        %sign3A_1060 = arith.cmpi slt, %get3A_1053, %sign3A_1059 : i32
        %sign3A_1061 = arith.extui %sign3A_1060 : i1 to i32
        %sign3A_1062 = arith.subi %sign3A_1058, %sign3A_1061 : i32
        %sign3A_1063 = arith.constant 0 : i32
        %sign3A_1064 = arith.cmpi sgt, %jit3A_1054, %sign3A_1063 : i32
        %sign3A_1065 = arith.extui %sign3A_1064 : i1 to i32
        %sign3A_1066 = arith.constant 0 : i32
        %sign3A_1067 = arith.cmpi slt, %jit3A_1054, %sign3A_1066 : i32
        %sign3A_1068 = arith.extui %sign3A_1067 : i1 to i32
        %sign3A_1069 = arith.subi %sign3A_1065, %sign3A_1068 : i32
        %ne3A_1070 = arith.cmpi ne, %sign3A_1062, %sign3A_1069 : i32
        %rem3A_1071 = arith.remsi %get3A_1053, %jit3A_1054 : i32
        %ne3A_1072 = arith.constant 0 : i32
        %ne3A_1073 = arith.cmpi ne, %rem3A_1071, %ne3A_1072 : i32
        %and3A_1074 = arith.andi %ne3A_1070, %ne3A_1073 : i1
        %sub3A_1075 = arith.constant 1 : i32
        %sub3A_1076 = arith.subi %div3A_1055, %sub3A_1075 : i32
        %select_n3A_1077 = arith.select %and3A_1074, %sub3A_1076, %div3A_1055 : i32
        %mul3A_1078 = arith.constant 128 : i32
        %mul3A_1079 = arith.muli %select_n3A_1077, %mul3A_1078 : i32
        %multiple_of3A_1080 = tpu.assume_multiple %mul3A_1079, 128 : i32
        %dma_start3A_1081 = arith.constant 0 : i32
        %dma_start3A_1082 = arith.constant 0 : i32
        %dma_start3A_1083 = tpu.memref_slice %arg8[%dma_start3A_1081, %dma_start3A_1082] : memref<32x128xf32, #tpu.memory_space<vmem>> -> memref<8x128xf32, #tpu.memory_space<vmem>>
        %dma_start3A_1084 = arith.constant 0 : i32
        %dma_start3A_1085 = tpu.memref_slice %arg2[%dma_start3A_1084, %multiple_of3A_1080] : memref<32x1000000xf32, #tpu.memory_space<hbm>> -> memref<8x128xf32, #tpu.memory_space<hbm>>
        %dma_start3A_1086 = arith.constant 0 : i32
        %dma_start3A_1087 = arith.constant 0 : i32
        %dma_start3A_1088 = tpu.memref_slice %arg8[%dma_start3A_1086, %dma_start3A_1087] : memref<32x128xf32, #tpu.memory_space<vmem>> -> memref<8x128xf32, #tpu.memory_space<vmem>>
        %dma_start3A_1089 = arith.constant 0 : i32
        %dma_start3A_1090 = tpu.memref_slice %arg2[%dma_start3A_1089, %multiple_of3A_1080] : memref<32x1000000xf32, #tpu.memory_space<hbm>> -> memref<8x128xf32, #tpu.memory_space<hbm>>
        tpu.enqueue_dma source(%dma_start3A_1090 : memref<8x128xf32, #tpu.memory_space<hbm>>) target(%dma_start3A_1088 : memref<8x128xf32, #tpu.memory_space<vmem>>) target_semaphore(%arg16 : memref<!tpu.dma_semaphore, #tpu.memory_space<semaphore_mem>>)
        %dma_start3A_1091 = arith.constant 8 : i32
        %dma_start3A_1092 = arith.constant 0 : i32
        %dma_start3A_1093 = tpu.memref_slice %arg8[%dma_start3A_1091, %dma_start3A_1092] : memref<32x128xf32, #tpu.memory_space<vmem>> -> memref<8x128xf32, #tpu.memory_space<vmem>>
        %dma_start3A_1094 = arith.constant 8 : i32
        %dma_start3A_1095 = tpu.memref_slice %arg2[%dma_start3A_1094, %multiple_of3A_1080] : memref<32x1000000xf32, #tpu.memory_space<hbm>> -> memref<8x128xf32, #tpu.memory_space<hbm>>
        %dma_start3A_1096 = arith.constant 8 : i32
        %dma_start3A_1097 = arith.constant 0 : i32
        %dma_start3A_1098 = tpu.memref_slice %arg8[%dma_start3A_1096, %dma_start3A_1097] : memref<32x128xf32, #tpu.memory_space<vmem>> -> memref<8x128xf32, #tpu.memory_space<vmem>>
        %dma_start3A_1099 = arith.constant 8 : i32
        %dma_start3A_1100 = tpu.memref_slice %arg2[%dma_start3A_1099, %multiple_of3A_1080] : memref<32x1000000xf32, #tpu.memory_space<hbm>> -> memref<8x128xf32, #tpu.memory_space<hbm>>
        tpu.enqueue_dma source(%dma_start3A_1100 : memref<8x128xf32, #tpu.memory_space<hbm>>) target(%dma_start3A_1098 : memref<8x128xf32, #tpu.memory_space<vmem>>) target_semaphore(%arg16 : memref<!tpu.dma_semaphore, #tpu.memory_space<semaphore_mem>>)
        %dma_start3A_1101 = arith.constant 16 : i32
        %dma_start3A_1102 = arith.constant 0 : i32
        %dma_start3A_1103 = tpu.memref_slice %arg8[%dma_start3A_1101, %dma_start3A_1102] : memref<32x128xf32, #tpu.memory_space<vmem>> -> memref<8x128xf32, #tpu.memory_space<vmem>>
        %dma_start3A_1104 = arith.constant 16 : i32
        %dma_start3A_1105 = tpu.memref_slice %arg2[%dma_start3A_1104, %multiple_of3A_1080] : memref<32x1000000xf32, #tpu.memory_space<hbm>> -> memref<8x128xf32, #tpu.memory_space<hbm>>
        %dma_start3A_1106 = arith.constant 16 : i32
        %dma_start3A_1107 = arith.constant 0 : i32
        %dma_start3A_1108 = tpu.memref_slice %arg8[%dma_start3A_1106, %dma_start3A_1107] : memref<32x128xf32, #tpu.memory_space<vmem>> -> memref<8x128xf32, #tpu.memory_space<vmem>>
        %dma_start3A_1109 = arith.constant 16 : i32
        %dma_start3A_1110 = tpu.memref_slice %arg2[%dma_start3A_1109, %multiple_of3A_1080] : memref<32x1000000xf32, #tpu.memory_space<hbm>> -> memref<8x128xf32, #tpu.memory_space<hbm>>
        tpu.enqueue_dma source(%dma_start3A_1110 : memref<8x128xf32, #tpu.memory_space<hbm>>) target(%dma_start3A_1108 : memref<8x128xf32, #tpu.memory_space<vmem>>) target_semaphore(%arg16 : memref<!tpu.dma_semaphore, #tpu.memory_space<semaphore_mem>>)
        %dma_start3A_1111 = arith.constant 24 : i32
        %dma_start3A_1112 = arith.constant 0 : i32
        %dma_start3A_1113 = tpu.memref_slice %arg8[%dma_start3A_1111, %dma_start3A_1112] : memref<32x128xf32, #tpu.memory_space<vmem>> -> memref<8x128xf32, #tpu.memory_space<vmem>>
        %dma_start3A_1114 = arith.constant 24 : i32
        %dma_start3A_1115 = tpu.memref_slice %arg2[%dma_start3A_1114, %multiple_of3A_1080] : memref<32x1000000xf32, #tpu.memory_space<hbm>> -> memref<8x128xf32, #tpu.memory_space<hbm>>
        %dma_start3A_1116 = arith.constant 24 : i32
        %dma_start3A_1117 = arith.constant 0 : i32
        %dma_start3A_1118 = tpu.memref_slice %arg8[%dma_start3A_1116, %dma_start3A_1117] : memref<32x128xf32, #tpu.memory_space<vmem>> -> memref<8x128xf32, #tpu.memory_space<vmem>>
        %dma_start3A_1119 = arith.constant 24 : i32
        %dma_start3A_1120 = tpu.memref_slice %arg2[%dma_start3A_1119, %multiple_of3A_1080] : memref<32x1000000xf32, #tpu.memory_space<hbm>> -> memref<8x128xf32, #tpu.memory_space<hbm>>
        tpu.enqueue_dma source(%dma_start3A_1120 : memref<8x128xf32, #tpu.memory_space<hbm>>) target(%dma_start3A_1118 : memref<8x128xf32, #tpu.memory_space<vmem>>) target_semaphore(%arg16 : memref<!tpu.dma_semaphore, #tpu.memory_space<semaphore_mem>>)
      } else {
      }
      %add3A_616 = arith.constant 1 : i32
      %add3A_617 = arith.addi %add3A_560, %add3A_616 : i32
      %dma_wait3A_618 = arith.constant 0 : i32
      %dma_wait3A_619 = arith.constant 0 : i32
      %dma_wait3A_620 = tpu.memref_slice %arg2[%dma_wait3A_618, %dma_wait3A_619] : memref<32x1000000xf32, #tpu.memory_space<hbm>> -> memref<32x128xf32, #tpu.memory_space<hbm>>
      %dma_wait3A_621 = arith.constant 0 : i32
      %dma_wait3A_622 = arith.constant 0 : i32
      %dma_wait3A_623 = tpu.memref_slice %arg2[%dma_wait3A_621, %dma_wait3A_622] : memref<32x1000000xf32, #tpu.memory_space<hbm>> -> memref<32x128xf32, #tpu.memory_space<hbm>>
      tpu.wait_dma2 semaphore(%arg17 : memref<!tpu.dma_semaphore, #tpu.memory_space<semaphore_mem>>) src(%dma_wait3A_623 : memref<32x128xf32, #tpu.memory_space<hbm>>) dst(%arg9 : memref<32x128xf32, #tpu.memory_space<vmem>>)
      %get3A_624 = arith.index_cast %add3A_617 : i32 to index
      %get3A_625 = memref.load %arg6[%get3A_624] : memref<512xi32, #tpu.memory_space<smem>>
      %jit3A_626 = arith.constant 128 : i32
      %div3A_627 = arith.divsi %get3A_625, %jit3A_626 : i32
      %sign3A_628 = arith.constant 0 : i32
      %sign3A_629 = arith.cmpi sgt, %get3A_625, %sign3A_628 : i32
      %sign3A_630 = arith.extui %sign3A_629 : i1 to i32
      %sign3A_631 = arith.constant 0 : i32
      %sign3A_632 = arith.cmpi slt, %get3A_625, %sign3A_631 : i32
      %sign3A_633 = arith.extui %sign3A_632 : i1 to i32
      %sign3A_634 = arith.subi %sign3A_630, %sign3A_633 : i32
      %sign3A_635 = arith.constant 0 : i32
      %sign3A_636 = arith.cmpi sgt, %jit3A_626, %sign3A_635 : i32
      %sign3A_637 = arith.extui %sign3A_636 : i1 to i32
      %sign3A_638 = arith.constant 0 : i32
      %sign3A_639 = arith.cmpi slt, %jit3A_626, %sign3A_638 : i32
      %sign3A_640 = arith.extui %sign3A_639 : i1 to i32
      %sign3A_641 = arith.subi %sign3A_637, %sign3A_640 : i32
      %ne3A_642 = arith.cmpi ne, %sign3A_634, %sign3A_641 : i32
      %rem3A_643 = arith.remsi %get3A_625, %jit3A_626 : i32
      %ne3A_644 = arith.constant 0 : i32
      %ne3A_645 = arith.cmpi ne, %rem3A_643, %ne3A_644 : i32
      %and3A_646 = arith.andi %ne3A_642, %ne3A_645 : i1
      %sub3A_647 = arith.constant 1 : i32
      %sub3A_648 = arith.subi %div3A_627, %sub3A_647 : i32
      %select_n3A_649 = arith.select %and3A_646, %sub3A_648, %div3A_627 : i32
      %mul3A_650 = arith.constant 128 : i32
      %mul3A_651 = arith.muli %select_n3A_649, %mul3A_650 : i32
      %sub3A_652 = arith.subi %get3A_625, %mul3A_651 : i32
      %broadcast_in_dim3A_653 = arith.constant 0 : i32
      %broadcast_in_dim3A_654 = vector.broadcast %broadcast_in_dim3A_653 : i32 to vector<16xi32>
      %add3A_655 = vector.broadcast %sub3A_652 : i32 to vector<16xi32>
      %add3A_656 = arith.addi %broadcast_in_dim3A_654, %add3A_655 : vector<16xi32>
      %broadcast_in_dim3A_657 = arith.constant 0 : i32
      %broadcast_in_dim3A_658 = vector.broadcast %broadcast_in_dim3A_657 : i32 to vector<16xi32>
      %add3A_659 = vector.broadcast %add3A_617 : i32 to vector<16xi32>
      %add3A_660 = arith.addi %broadcast_in_dim3A_658, %add3A_659 : vector<16xi32>
      %iota3A_661 = tpu.iota {dimensions = array<i32: 0>} : vector<16xi32>
      %add3A_662 = arith.constant 0 : i32
      %add3A_663 = vector.broadcast %add3A_662 : i32 to vector<16xi32>
      %add3A_664 = arith.addi %iota3A_661, %add3A_663 : vector<16xi32>
      %gather3A_665 = tpu.vector_load_idx %arg9[%add3A_664, %add3A_656] : memref<32x128xf32, #tpu.memory_space<vmem>>[vector<16xi32>, vector<16xi32>], vector<16xf32>,
      tpu.vector_store_idx %arg7[%add3A_664, %add3A_660], %gather3A_665 : memref<32x512xf32, #tpu.memory_space<vmem>>[vector<16xi32>, vector<16xi32>], vector<16xf32>,
      %iota3A_666 = tpu.iota {dimensions = array<i32: 0>} : vector<16xi32>
      %add3A_667 = arith.constant 16 : i32
      %add3A_668 = vector.broadcast %add3A_667 : i32 to vector<16xi32>
      %add3A_669 = arith.addi %iota3A_666, %add3A_668 : vector<16xi32>
      %gather3A_670 = tpu.vector_load_idx %arg9[%add3A_669, %add3A_656] : memref<32x128xf32, #tpu.memory_space<vmem>>[vector<16xi32>, vector<16xi32>], vector<16xf32>,
      tpu.vector_store_idx %arg7[%add3A_669, %add3A_660], %gather3A_670 : memref<32x512xf32, #tpu.memory_space<vmem>>[vector<16xi32>, vector<16xi32>], vector<16xf32>,
      %add3A_671 = arith.constant 8 : i32
      %add3A_672 = arith.addi %add3A_617, %add3A_671 : i32
      %lt3A_673 = arith.constant 512 : i32
      %lt3A_674 = arith.cmpi slt, %add3A_672, %lt3A_673 : i32
      %convert_element_type3A_675 = arith.extui %lt3A_674 : i1 to i32
      %cond3A_676 = arith.constant 0 : i32
      %cond3A_677 = arith.cmpi ne, %convert_element_type3A_675, %cond3A_676 : i32
      scf.if %cond3A_677 {
        %add3A_1050 = arith.constant 8 : i32
        %add3A_1051 = arith.addi %add3A_617, %add3A_1050 : i32
        %get3A_1052 = arith.index_cast %add3A_1051 : i32 to index
        %get3A_1053 = memref.load %arg6[%get3A_1052] : memref<512xi32, #tpu.memory_space<smem>>
        %jit3A_1054 = arith.constant 128 : i32
        %div3A_1055 = arith.divsi %get3A_1053, %jit3A_1054 : i32
        %sign3A_1056 = arith.constant 0 : i32
        %sign3A_1057 = arith.cmpi sgt, %get3A_1053, %sign3A_1056 : i32
        %sign3A_1058 = arith.extui %sign3A_1057 : i1 to i32
        %sign3A_1059 = arith.constant 0 : i32
        %sign3A_1060 = arith.cmpi slt, %get3A_1053, %sign3A_1059 : i32
        %sign3A_1061 = arith.extui %sign3A_1060 : i1 to i32
        %sign3A_1062 = arith.subi %sign3A_1058, %sign3A_1061 : i32
        %sign3A_1063 = arith.constant 0 : i32
        %sign3A_1064 = arith.cmpi sgt, %jit3A_1054, %sign3A_1063 : i32
        %sign3A_1065 = arith.extui %sign3A_1064 : i1 to i32
        %sign3A_1066 = arith.constant 0 : i32
        %sign3A_1067 = arith.cmpi slt, %jit3A_1054, %sign3A_1066 : i32
        %sign3A_1068 = arith.extui %sign3A_1067 : i1 to i32
        %sign3A_1069 = arith.subi %sign3A_1065, %sign3A_1068 : i32
        %ne3A_1070 = arith.cmpi ne, %sign3A_1062, %sign3A_1069 : i32
        %rem3A_1071 = arith.remsi %get3A_1053, %jit3A_1054 : i32
        %ne3A_1072 = arith.constant 0 : i32
        %ne3A_1073 = arith.cmpi ne, %rem3A_1071, %ne3A_1072 : i32
        %and3A_1074 = arith.andi %ne3A_1070, %ne3A_1073 : i1
        %sub3A_1075 = arith.constant 1 : i32
        %sub3A_1076 = arith.subi %div3A_1055, %sub3A_1075 : i32
        %select_n3A_1077 = arith.select %and3A_1074, %sub3A_1076, %div3A_1055 : i32
        %mul3A_1078 = arith.constant 128 : i32
        %mul3A_1079 = arith.muli %select_n3A_1077, %mul3A_1078 : i32
        %multiple_of3A_1080 = tpu.assume_multiple %mul3A_1079, 128 : i32
        %dma_start3A_1081 = arith.constant 0 : i32
        %dma_start3A_1082 = arith.constant 0 : i32
        %dma_start3A_1083 = tpu.memref_slice %arg9[%dma_start3A_1081, %dma_start3A_1082] : memref<32x128xf32, #tpu.memory_space<vmem>> -> memref<8x128xf32, #tpu.memory_space<vmem>>
        %dma_start3A_1084 = arith.constant 0 : i32
        %dma_start3A_1085 = tpu.memref_slice %arg2[%dma_start3A_1084, %multiple_of3A_1080] : memref<32x1000000xf32, #tpu.memory_space<hbm>> -> memref<8x128xf32, #tpu.memory_space<hbm>>
        %dma_start3A_1086 = arith.constant 0 : i32
        %dma_start3A_1087 = arith.constant 0 : i32
        %dma_start3A_1088 = tpu.memref_slice %arg9[%dma_start3A_1086, %dma_start3A_1087] : memref<32x128xf32, #tpu.memory_space<vmem>> -> memref<8x128xf32, #tpu.memory_space<vmem>>
        %dma_start3A_1089 = arith.constant 0 : i32
        %dma_start3A_1090 = tpu.memref_slice %arg2[%dma_start3A_1089, %multiple_of3A_1080] : memref<32x1000000xf32, #tpu.memory_space<hbm>> -> memref<8x128xf32, #tpu.memory_space<hbm>>
        tpu.enqueue_dma source(%dma_start3A_1090 : memref<8x128xf32, #tpu.memory_space<hbm>>) target(%dma_start3A_1088 : memref<8x128xf32, #tpu.memory_space<vmem>>) target_semaphore(%arg17 : memref<!tpu.dma_semaphore, #tpu.memory_space<semaphore_mem>>)
        %dma_start3A_1091 = arith.constant 8 : i32
        %dma_start3A_1092 = arith.constant 0 : i32
        %dma_start3A_1093 = tpu.memref_slice %arg9[%dma_start3A_1091, %dma_start3A_1092] : memref<32x128xf32, #tpu.memory_space<vmem>> -> memref<8x128xf32, #tpu.memory_space<vmem>>
        %dma_start3A_1094 = arith.constant 8 : i32
        %dma_start3A_1095 = tpu.memref_slice %arg2[%dma_start3A_1094, %multiple_of3A_1080] : memref<32x1000000xf32, #tpu.memory_space<hbm>> -> memref<8x128xf32, #tpu.memory_space<hbm>>
        %dma_start3A_1096 = arith.constant 8 : i32
        %dma_start3A_1097 = arith.constant 0 : i32
        %dma_start3A_1098 = tpu.memref_slice %arg9[%dma_start3A_1096, %dma_start3A_1097] : memref<32x128xf32, #tpu.memory_space<vmem>> -> memref<8x128xf32, #tpu.memory_space<vmem>>
        %dma_start3A_1099 = arith.constant 8 : i32
        %dma_start3A_1100 = tpu.memref_slice %arg2[%dma_start3A_1099, %multiple_of3A_1080] : memref<32x1000000xf32, #tpu.memory_space<hbm>> -> memref<8x128xf32, #tpu.memory_space<hbm>>
        tpu.enqueue_dma source(%dma_start3A_1100 : memref<8x128xf32, #tpu.memory_space<hbm>>) target(%dma_start3A_1098 : memref<8x128xf32, #tpu.memory_space<vmem>>) target_semaphore(%arg17 : memref<!tpu.dma_semaphore, #tpu.memory_space<semaphore_mem>>)
        %dma_start3A_1101 = arith.constant 16 : i32
        %dma_start3A_1102 = arith.constant 0 : i32
        %dma_start3A_1103 = tpu.memref_slice %arg9[%dma_start3A_1101, %dma_start3A_1102] : memref<32x128xf32, #tpu.memory_space<vmem>> -> memref<8x128xf32, #tpu.memory_space<vmem>>
        %dma_start3A_1104 = arith.constant 16 : i32
        %dma_start3A_1105 = tpu.memref_slice %arg2[%dma_start3A_1104, %multiple_of3A_1080] : memref<32x1000000xf32, #tpu.memory_space<hbm>> -> memref<8x128xf32, #tpu.memory_space<hbm>>
        %dma_start3A_1106 = arith.constant 16 : i32
        %dma_start3A_1107 = arith.constant 0 : i32
        %dma_start3A_1108 = tpu.memref_slice %arg9[%dma_start3A_1106, %dma_start3A_1107] : memref<32x128xf32, #tpu.memory_space<vmem>> -> memref<8x128xf32, #tpu.memory_space<vmem>>
        %dma_start3A_1109 = arith.constant 16 : i32
        %dma_start3A_1110 = tpu.memref_slice %arg2[%dma_start3A_1109, %multiple_of3A_1080] : memref<32x1000000xf32, #tpu.memory_space<hbm>> -> memref<8x128xf32, #tpu.memory_space<hbm>>
        tpu.enqueue_dma source(%dma_start3A_1110 : memref<8x128xf32, #tpu.memory_space<hbm>>) target(%dma_start3A_1108 : memref<8x128xf32, #tpu.memory_space<vmem>>) target_semaphore(%arg17 : memref<!tpu.dma_semaphore, #tpu.memory_space<semaphore_mem>>)
        %dma_start3A_1111 = arith.constant 24 : i32
        %dma_start3A_1112 = arith.constant 0 : i32
        %dma_start3A_1113 = tpu.memref_slice %arg9[%dma_start3A_1111, %dma_start3A_1112] : memref<32x128xf32, #tpu.memory_space<vmem>> -> memref<8x128xf32, #tpu.memory_space<vmem>>
        %dma_start3A_1114 = arith.constant 24 : i32
        %dma_start3A_1115 = tpu.memref_slice %arg2[%dma_start3A_1114, %multiple_of3A_1080] : memref<32x1000000xf32, #tpu.memory_space<hbm>> -> memref<8x128xf32, #tpu.memory_space<hbm>>
        %dma_start3A_1116 = arith.constant 24 : i32
        %dma_start3A_1117 = arith.constant 0 : i32
        %dma_start3A_1118 = tpu.memref_slice %arg9[%dma_start3A_1116, %dma_start3A_1117] : memref<32x128xf32, #tpu.memory_space<vmem>> -> memref<8x128xf32, #tpu.memory_space<vmem>>
        %dma_start3A_1119 = arith.constant 24 : i32
        %dma_start3A_1120 = tpu.memref_slice %arg2[%dma_start3A_1119, %multiple_of3A_1080] : memref<32x1000000xf32, #tpu.memory_space<hbm>> -> memref<8x128xf32, #tpu.memory_space<hbm>>
        tpu.enqueue_dma source(%dma_start3A_1120 : memref<8x128xf32, #tpu.memory_space<hbm>>) target(%dma_start3A_1118 : memref<8x128xf32, #tpu.memory_space<vmem>>) target_semaphore(%arg17 : memref<!tpu.dma_semaphore, #tpu.memory_space<semaphore_mem>>)
      } else {
      }
      %add3A_678 = arith.constant 2 : i32
      %add3A_679 = arith.addi %add3A_560, %add3A_678 : i32
      %dma_wait3A_680 = arith.constant 0 : i32
      %dma_wait3A_681 = arith.constant 0 : i32
      %dma_wait3A_682 = tpu.memref_slice %arg2[%dma_wait3A_680, %dma_wait3A_681] : memref<32x1000000xf32, #tpu.memory_space<hbm>> -> memref<32x128xf32, #tpu.memory_space<hbm>>
      %dma_wait3A_683 = arith.constant 0 : i32
      %dma_wait3A_684 = arith.constant 0 : i32
      %dma_wait3A_685 = tpu.memref_slice %arg2[%dma_wait3A_683, %dma_wait3A_684] : memref<32x1000000xf32, #tpu.memory_space<hbm>> -> memref<32x128xf32, #tpu.memory_space<hbm>>
      tpu.wait_dma2 semaphore(%arg18 : memref<!tpu.dma_semaphore, #tpu.memory_space<semaphore_mem>>) src(%dma_wait3A_685 : memref<32x128xf32, #tpu.memory_space<hbm>>) dst(%arg10 : memref<32x128xf32, #tpu.memory_space<vmem>>)
      %get3A_686 = arith.index_cast %add3A_679 : i32 to index
      %get3A_687 = memref.load %arg6[%get3A_686] : memref<512xi32, #tpu.memory_space<smem>>
      %jit3A_688 = arith.constant 128 : i32
      %div3A_689 = arith.divsi %get3A_687, %jit3A_688 : i32
      %sign3A_690 = arith.constant 0 : i32
      %sign3A_691 = arith.cmpi sgt, %get3A_687, %sign3A_690 : i32
      %sign3A_692 = arith.extui %sign3A_691 : i1 to i32
      %sign3A_693 = arith.constant 0 : i32
      %sign3A_694 = arith.cmpi slt, %get3A_687, %sign3A_693 : i32
      %sign3A_695 = arith.extui %sign3A_694 : i1 to i32
      %sign3A_696 = arith.subi %sign3A_692, %sign3A_695 : i32
      %sign3A_697 = arith.constant 0 : i32
      %sign3A_698 = arith.cmpi sgt, %jit3A_688, %sign3A_697 : i32
      %sign3A_699 = arith.extui %sign3A_698 : i1 to i32
      %sign3A_700 = arith.constant 0 : i32
      %sign3A_701 = arith.cmpi slt, %jit3A_688, %sign3A_700 : i32
      %sign3A_702 = arith.extui %sign3A_701 : i1 to i32
      %sign3A_703 = arith.subi %sign3A_699, %sign3A_702 : i32
      %ne3A_704 = arith.cmpi ne, %sign3A_696, %sign3A_703 : i32
      %rem3A_705 = arith.remsi %get3A_687, %jit3A_688 : i32
      %ne3A_706 = arith.constant 0 : i32
      %ne3A_707 = arith.cmpi ne, %rem3A_705, %ne3A_706 : i32
      %and3A_708 = arith.andi %ne3A_704, %ne3A_707 : i1
      %sub3A_709 = arith.constant 1 : i32
      %sub3A_710 = arith.subi %div3A_689, %sub3A_709 : i32
      %select_n3A_711 = arith.select %and3A_708, %sub3A_710, %div3A_689 : i32
      %mul3A_712 = arith.constant 128 : i32
      %mul3A_713 = arith.muli %select_n3A_711, %mul3A_712 : i32
      %sub3A_714 = arith.subi %get3A_687, %mul3A_713 : i32
      %broadcast_in_dim3A_715 = arith.constant 0 : i32
      %broadcast_in_dim3A_716 = vector.broadcast %broadcast_in_dim3A_715 : i32 to vector<16xi32>
      %add3A_717 = vector.broadcast %sub3A_714 : i32 to vector<16xi32>
      %add3A_718 = arith.addi %broadcast_in_dim3A_716, %add3A_717 : vector<16xi32>
      %broadcast_in_dim3A_719 = arith.constant 0 : i32
      %broadcast_in_dim3A_720 = vector.broadcast %broadcast_in_dim3A_719 : i32 to vector<16xi32>
      %add3A_721 = vector.broadcast %add3A_679 : i32 to vector<16xi32>
      %add3A_722 = arith.addi %broadcast_in_dim3A_720, %add3A_721 : vector<16xi32>
      %iota3A_723 = tpu.iota {dimensions = array<i32: 0>} : vector<16xi32>
      %add3A_724 = arith.constant 0 : i32
      %add3A_725 = vector.broadcast %add3A_724 : i32 to vector<16xi32>
      %add3A_726 = arith.addi %iota3A_723, %add3A_725 : vector<16xi32>
      %gather3A_727 = tpu.vector_load_idx %arg10[%add3A_726, %add3A_718] : memref<32x128xf32, #tpu.memory_space<vmem>>[vector<16xi32>, vector<16xi32>], vector<16xf32>,
      tpu.vector_store_idx %arg7[%add3A_726, %add3A_722], %gather3A_727 : memref<32x512xf32, #tpu.memory_space<vmem>>[vector<16xi32>, vector<16xi32>], vector<16xf32>,
      %iota3A_728 = tpu.iota {dimensions = array<i32: 0>} : vector<16xi32>
      %add3A_729 = arith.constant 16 : i32
      %add3A_730 = vector.broadcast %add3A_729 : i32 to vector<16xi32>
      %add3A_731 = arith.addi %iota3A_728, %add3A_730 : vector<16xi32>
      %gather3A_732 = tpu.vector_load_idx %arg10[%add3A_731, %add3A_718] : memref<32x128xf32, #tpu.memory_space<vmem>>[vector<16xi32>, vector<16xi32>], vector<16xf32>,
      tpu.vector_store_idx %arg7[%add3A_731, %add3A_722], %gather3A_732 : memref<32x512xf32, #tpu.memory_space<vmem>>[vector<16xi32>, vector<16xi32>], vector<16xf32>,
      %add3A_733 = arith.constant 8 : i32
      %add3A_734 = arith.addi %add3A_679, %add3A_733 : i32
      %lt3A_735 = arith.constant 512 : i32
      %lt3A_736 = arith.cmpi slt, %add3A_734, %lt3A_735 : i32
      %convert_element_type3A_737 = arith.extui %lt3A_736 : i1 to i32
      %cond3A_738 = arith.constant 0 : i32
      %cond3A_739 = arith.cmpi ne, %convert_element_type3A_737, %cond3A_738 : i32
      scf.if %cond3A_739 {
        %add3A_1050 = arith.constant 8 : i32
        %add3A_1051 = arith.addi %add3A_679, %add3A_1050 : i32
        %get3A_1052 = arith.index_cast %add3A_1051 : i32 to index
        %get3A_1053 = memref.load %arg6[%get3A_1052] : memref<512xi32, #tpu.memory_space<smem>>
        %jit3A_1054 = arith.constant 128 : i32
        %div3A_1055 = arith.divsi %get3A_1053, %jit3A_1054 : i32
        %sign3A_1056 = arith.constant 0 : i32
        %sign3A_1057 = arith.cmpi sgt, %get3A_1053, %sign3A_1056 : i32
        %sign3A_1058 = arith.extui %sign3A_1057 : i1 to i32
        %sign3A_1059 = arith.constant 0 : i32
        %sign3A_1060 = arith.cmpi slt, %get3A_1053, %sign3A_1059 : i32
        %sign3A_1061 = arith.extui %sign3A_1060 : i1 to i32
        %sign3A_1062 = arith.subi %sign3A_1058, %sign3A_1061 : i32
        %sign3A_1063 = arith.constant 0 : i32
        %sign3A_1064 = arith.cmpi sgt, %jit3A_1054, %sign3A_1063 : i32
        %sign3A_1065 = arith.extui %sign3A_1064 : i1 to i32
        %sign3A_1066 = arith.constant 0 : i32
        %sign3A_1067 = arith.cmpi slt, %jit3A_1054, %sign3A_1066 : i32
        %sign3A_1068 = arith.extui %sign3A_1067 : i1 to i32
        %sign3A_1069 = arith.subi %sign3A_1065, %sign3A_1068 : i32
        %ne3A_1070 = arith.cmpi ne, %sign3A_1062, %sign3A_1069 : i32
        %rem3A_1071 = arith.remsi %get3A_1053, %jit3A_1054 : i32
        %ne3A_1072 = arith.constant 0 : i32
        %ne3A_1073 = arith.cmpi ne, %rem3A_1071, %ne3A_1072 : i32
        %and3A_1074 = arith.andi %ne3A_1070, %ne3A_1073 : i1
        %sub3A_1075 = arith.constant 1 : i32
        %sub3A_1076 = arith.subi %div3A_1055, %sub3A_1075 : i32
        %select_n3A_1077 = arith.select %and3A_1074, %sub3A_1076, %div3A_1055 : i32
        %mul3A_1078 = arith.constant 128 : i32
        %mul3A_1079 = arith.muli %select_n3A_1077, %mul3A_1078 : i32
        %multiple_of3A_1080 = tpu.assume_multiple %mul3A_1079, 128 : i32
        %dma_start3A_1081 = arith.constant 0 : i32
        %dma_start3A_1082 = arith.constant 0 : i32
        %dma_start3A_1083 = tpu.memref_slice %arg10[%dma_start3A_1081, %dma_start3A_1082] : memref<32x128xf32, #tpu.memory_space<vmem>> -> memref<8x128xf32, #tpu.memory_space<vmem>>
        %dma_start3A_1084 = arith.constant 0 : i32
        %dma_start3A_1085 = tpu.memref_slice %arg2[%dma_start3A_1084, %multiple_of3A_1080] : memref<32x1000000xf32, #tpu.memory_space<hbm>> -> memref<8x128xf32, #tpu.memory_space<hbm>>
        %dma_start3A_1086 = arith.constant 0 : i32
        %dma_start3A_1087 = arith.constant 0 : i32
        %dma_start3A_1088 = tpu.memref_slice %arg10[%dma_start3A_1086, %dma_start3A_1087] : memref<32x128xf32, #tpu.memory_space<vmem>> -> memref<8x128xf32, #tpu.memory_space<vmem>>
        %dma_start3A_1089 = arith.constant 0 : i32
        %dma_start3A_1090 = tpu.memref_slice %arg2[%dma_start3A_1089, %multiple_of3A_1080] : memref<32x1000000xf32, #tpu.memory_space<hbm>> -> memref<8x128xf32, #tpu.memory_space<hbm>>
        tpu.enqueue_dma source(%dma_start3A_1090 : memref<8x128xf32, #tpu.memory_space<hbm>>) target(%dma_start3A_1088 : memref<8x128xf32, #tpu.memory_space<vmem>>) target_semaphore(%arg18 : memref<!tpu.dma_semaphore, #tpu.memory_space<semaphore_mem>>)
        %dma_start3A_1091 = arith.constant 8 : i32
        %dma_start3A_1092 = arith.constant 0 : i32
        %dma_start3A_1093 = tpu.memref_slice %arg10[%dma_start3A_1091, %dma_start3A_1092] : memref<32x128xf32, #tpu.memory_space<vmem>> -> memref<8x128xf32, #tpu.memory_space<vmem>>
        %dma_start3A_1094 = arith.constant 8 : i32
        %dma_start3A_1095 = tpu.memref_slice %arg2[%dma_start3A_1094, %multiple_of3A_1080] : memref<32x1000000xf32, #tpu.memory_space<hbm>> -> memref<8x128xf32, #tpu.memory_space<hbm>>
        %dma_start3A_1096 = arith.constant 8 : i32
        %dma_start3A_1097 = arith.constant 0 : i32
        %dma_start3A_1098 = tpu.memref_slice %arg10[%dma_start3A_1096, %dma_start3A_1097] : memref<32x128xf32, #tpu.memory_space<vmem>> -> memref<8x128xf32, #tpu.memory_space<vmem>>
        %dma_start3A_1099 = arith.constant 8 : i32
        %dma_start3A_1100 = tpu.memref_slice %arg2[%dma_start3A_1099, %multiple_of3A_1080] : memref<32x1000000xf32, #tpu.memory_space<hbm>> -> memref<8x128xf32, #tpu.memory_space<hbm>>
        tpu.enqueue_dma source(%dma_start3A_1100 : memref<8x128xf32, #tpu.memory_space<hbm>>) target(%dma_start3A_1098 : memref<8x128xf32, #tpu.memory_space<vmem>>) target_semaphore(%arg18 : memref<!tpu.dma_semaphore, #tpu.memory_space<semaphore_mem>>)
        %dma_start3A_1101 = arith.constant 16 : i32
        %dma_start3A_1102 = arith.constant 0 : i32
        %dma_start3A_1103 = tpu.memref_slice %arg10[%dma_start3A_1101, %dma_start3A_1102] : memref<32x128xf32, #tpu.memory_space<vmem>> -> memref<8x128xf32, #tpu.memory_space<vmem>>
        %dma_start3A_1104 = arith.constant 16 : i32
        %dma_start3A_1105 = tpu.memref_slice %arg2[%dma_start3A_1104, %multiple_of3A_1080] : memref<32x1000000xf32, #tpu.memory_space<hbm>> -> memref<8x128xf32, #tpu.memory_space<hbm>>
        %dma_start3A_1106 = arith.constant 16 : i32
        %dma_start3A_1107 = arith.constant 0 : i32
        %dma_start3A_1108 = tpu.memref_slice %arg10[%dma_start3A_1106, %dma_start3A_1107] : memref<32x128xf32, #tpu.memory_space<vmem>> -> memref<8x128xf32, #tpu.memory_space<vmem>>
        %dma_start3A_1109 = arith.constant 16 : i32
        %dma_start3A_1110 = tpu.memref_slice %arg2[%dma_start3A_1109, %multiple_of3A_1080] : memref<32x1000000xf32, #tpu.memory_space<hbm>> -> memref<8x128xf32, #tpu.memory_space<hbm>>
        tpu.enqueue_dma source(%dma_start3A_1110 : memref<8x128xf32, #tpu.memory_space<hbm>>) target(%dma_start3A_1108 : memref<8x128xf32, #tpu.memory_space<vmem>>) target_semaphore(%arg18 : memref<!tpu.dma_semaphore, #tpu.memory_space<semaphore_mem>>)
        %dma_start3A_1111 = arith.constant 24 : i32
        %dma_start3A_1112 = arith.constant 0 : i32
        %dma_start3A_1113 = tpu.memref_slice %arg10[%dma_start3A_1111, %dma_start3A_1112] : memref<32x128xf32, #tpu.memory_space<vmem>> -> memref<8x128xf32, #tpu.memory_space<vmem>>
        %dma_start3A_1114 = arith.constant 24 : i32
        %dma_start3A_1115 = tpu.memref_slice %arg2[%dma_start3A_1114, %multiple_of3A_1080] : memref<32x1000000xf32, #tpu.memory_space<hbm>> -> memref<8x128xf32, #tpu.memory_space<hbm>>
        %dma_start3A_1116 = arith.constant 24 : i32
        %dma_start3A_1117 = arith.constant 0 : i32
        %dma_start3A_1118 = tpu.memref_slice %arg10[%dma_start3A_1116, %dma_start3A_1117] : memref<32x128xf32, #tpu.memory_space<vmem>> -> memref<8x128xf32, #tpu.memory_space<vmem>>
        %dma_start3A_1119 = arith.constant 24 : i32
        %dma_start3A_1120 = tpu.memref_slice %arg2[%dma_start3A_1119, %multiple_of3A_1080] : memref<32x1000000xf32, #tpu.memory_space<hbm>> -> memref<8x128xf32, #tpu.memory_space<hbm>>
        tpu.enqueue_dma source(%dma_start3A_1120 : memref<8x128xf32, #tpu.memory_space<hbm>>) target(%dma_start3A_1118 : memref<8x128xf32, #tpu.memory_space<vmem>>) target_semaphore(%arg18 : memref<!tpu.dma_semaphore, #tpu.memory_space<semaphore_mem>>)
      } else {
      }
      %add3A_740 = arith.constant 3 : i32
      %add3A_741 = arith.addi %add3A_560, %add3A_740 : i32
      %dma_wait3A_742 = arith.constant 0 : i32
      %dma_wait3A_743 = arith.constant 0 : i32
      %dma_wait3A_744 = tpu.memref_slice %arg2[%dma_wait3A_742, %dma_wait3A_743] : memref<32x1000000xf32, #tpu.memory_space<hbm>> -> memref<32x128xf32, #tpu.memory_space<hbm>>
      %dma_wait3A_745 = arith.constant 0 : i32
      %dma_wait3A_746 = arith.constant 0 : i32
      %dma_wait3A_747 = tpu.memref_slice %arg2[%dma_wait3A_745, %dma_wait3A_746] : memref<32x1000000xf32, #tpu.memory_space<hbm>> -> memref<32x128xf32, #tpu.memory_space<hbm>>
      tpu.wait_dma2 semaphore(%arg19 : memref<!tpu.dma_semaphore, #tpu.memory_space<semaphore_mem>>) src(%dma_wait3A_747 : memref<32x128xf32, #tpu.memory_space<hbm>>) dst(%arg11 : memref<32x128xf32, #tpu.memory_space<vmem>>)
      %get3A_748 = arith.index_cast %add3A_741 : i32 to index
      %get3A_749 = memref.load %arg6[%get3A_748] : memref<512xi32, #tpu.memory_space<smem>>
      %jit3A_750 = arith.constant 128 : i32
      %div3A_751 = arith.divsi %get3A_749, %jit3A_750 : i32
      %sign3A_752 = arith.constant 0 : i32
      %sign3A_753 = arith.cmpi sgt, %get3A_749, %sign3A_752 : i32
      %sign3A_754 = arith.extui %sign3A_753 : i1 to i32
      %sign3A_755 = arith.constant 0 : i32
      %sign3A_756 = arith.cmpi slt, %get3A_749, %sign3A_755 : i32
      %sign3A_757 = arith.extui %sign3A_756 : i1 to i32
      %sign3A_758 = arith.subi %sign3A_754, %sign3A_757 : i32
      %sign3A_759 = arith.constant 0 : i32
      %sign3A_760 = arith.cmpi sgt, %jit3A_750, %sign3A_759 : i32
      %sign3A_761 = arith.extui %sign3A_760 : i1 to i32
      %sign3A_762 = arith.constant 0 : i32
      %sign3A_763 = arith.cmpi slt, %jit3A_750, %sign3A_762 : i32
      %sign3A_764 = arith.extui %sign3A_763 : i1 to i32
      %sign3A_765 = arith.subi %sign3A_761, %sign3A_764 : i32
      %ne3A_766 = arith.cmpi ne, %sign3A_758, %sign3A_765 : i32
      %rem3A_767 = arith.remsi %get3A_749, %jit3A_750 : i32
      %ne3A_768 = arith.constant 0 : i32
      %ne3A_769 = arith.cmpi ne, %rem3A_767, %ne3A_768 : i32
      %and3A_770 = arith.andi %ne3A_766, %ne3A_769 : i1
      %sub3A_771 = arith.constant 1 : i32
      %sub3A_772 = arith.subi %div3A_751, %sub3A_771 : i32
      %select_n3A_773 = arith.select %and3A_770, %sub3A_772, %div3A_751 : i32
      %mul3A_774 = arith.constant 128 : i32
      %mul3A_775 = arith.muli %select_n3A_773, %mul3A_774 : i32
      %sub3A_776 = arith.subi %get3A_749, %mul3A_775 : i32
      %broadcast_in_dim3A_777 = arith.constant 0 : i32
      %broadcast_in_dim3A_778 = vector.broadcast %broadcast_in_dim3A_777 : i32 to vector<16xi32>
      %add3A_779 = vector.broadcast %sub3A_776 : i32 to vector<16xi32>
      %add3A_780 = arith.addi %broadcast_in_dim3A_778, %add3A_779 : vector<16xi32>
      %broadcast_in_dim3A_781 = arith.constant 0 : i32
      %broadcast_in_dim3A_782 = vector.broadcast %broadcast_in_dim3A_781 : i32 to vector<16xi32>
      %add3A_783 = vector.broadcast %add3A_741 : i32 to vector<16xi32>
      %add3A_784 = arith.addi %broadcast_in_dim3A_782, %add3A_783 : vector<16xi32>
      %iota3A_785 = tpu.iota {dimensions = array<i32: 0>} : vector<16xi32>
      %add3A_786 = arith.constant 0 : i32
      %add3A_787 = vector.broadcast %add3A_786 : i32 to vector<16xi32>
      %add3A_788 = arith.addi %iota3A_785, %add3A_787 : vector<16xi32>
      %gather3A_789 = tpu.vector_load_idx %arg11[%add3A_788, %add3A_780] : memref<32x128xf32, #tpu.memory_space<vmem>>[vector<16xi32>, vector<16xi32>], vector<16xf32>,
      tpu.vector_store_idx %arg7[%add3A_788, %add3A_784], %gather3A_789 : memref<32x512xf32, #tpu.memory_space<vmem>>[vector<16xi32>, vector<16xi32>], vector<16xf32>,
      %iota3A_790 = tpu.iota {dimensions = array<i32: 0>} : vector<16xi32>
      %add3A_791 = arith.constant 16 : i32
      %add3A_792 = vector.broadcast %add3A_791 : i32 to vector<16xi32>
      %add3A_793 = arith.addi %iota3A_790, %add3A_792 : vector<16xi32>
      %gather3A_794 = tpu.vector_load_idx %arg11[%add3A_793, %add3A_780] : memref<32x128xf32, #tpu.memory_space<vmem>>[vector<16xi32>, vector<16xi32>], vector<16xf32>,
      tpu.vector_store_idx %arg7[%add3A_793, %add3A_784], %gather3A_794 : memref<32x512xf32, #tpu.memory_space<vmem>>[vector<16xi32>, vector<16xi32>], vector<16xf32>,
      %add3A_795 = arith.constant 8 : i32
      %add3A_796 = arith.addi %add3A_741, %add3A_795 : i32
      %lt3A_797 = arith.constant 512 : i32
      %lt3A_798 = arith.cmpi slt, %add3A_796, %lt3A_797 : i32
      %convert_element_type3A_799 = arith.extui %lt3A_798 : i1 to i32
      %cond3A_800 = arith.constant 0 : i32
      %cond3A_801 = arith.cmpi ne, %convert_element_type3A_799, %cond3A_800 : i32
      scf.if %cond3A_801 {
        %add3A_1050 = arith.constant 8 : i32
        %add3A_1051 = arith.addi %add3A_741, %add3A_1050 : i32
        %get3A_1052 = arith.index_cast %add3A_1051 : i32 to index
        %get3A_1053 = memref.load %arg6[%get3A_1052] : memref<512xi32, #tpu.memory_space<smem>>
        %jit3A_1054 = arith.constant 128 : i32
        %div3A_1055 = arith.divsi %get3A_1053, %jit3A_1054 : i32
        %sign3A_1056 = arith.constant 0 : i32
        %sign3A_1057 = arith.cmpi sgt, %get3A_1053, %sign3A_1056 : i32
        %sign3A_1058 = arith.extui %sign3A_1057 : i1 to i32
        %sign3A_1059 = arith.constant 0 : i32
        %sign3A_1060 = arith.cmpi slt, %get3A_1053, %sign3A_1059 : i32
        %sign3A_1061 = arith.extui %sign3A_1060 : i1 to i32
        %sign3A_1062 = arith.subi %sign3A_1058, %sign3A_1061 : i32
        %sign3A_1063 = arith.constant 0 : i32
        %sign3A_1064 = arith.cmpi sgt, %jit3A_1054, %sign3A_1063 : i32
        %sign3A_1065 = arith.extui %sign3A_1064 : i1 to i32
        %sign3A_1066 = arith.constant 0 : i32
        %sign3A_1067 = arith.cmpi slt, %jit3A_1054, %sign3A_1066 : i32
        %sign3A_1068 = arith.extui %sign3A_1067 : i1 to i32
        %sign3A_1069 = arith.subi %sign3A_1065, %sign3A_1068 : i32
        %ne3A_1070 = arith.cmpi ne, %sign3A_1062, %sign3A_1069 : i32
        %rem3A_1071 = arith.remsi %get3A_1053, %jit3A_1054 : i32
        %ne3A_1072 = arith.constant 0 : i32
        %ne3A_1073 = arith.cmpi ne, %rem3A_1071, %ne3A_1072 : i32
        %and3A_1074 = arith.andi %ne3A_1070, %ne3A_1073 : i1
        %sub3A_1075 = arith.constant 1 : i32
        %sub3A_1076 = arith.subi %div3A_1055, %sub3A_1075 : i32
        %select_n3A_1077 = arith.select %and3A_1074, %sub3A_1076, %div3A_1055 : i32
        %mul3A_1078 = arith.constant 128 : i32
        %mul3A_1079 = arith.muli %select_n3A_1077, %mul3A_1078 : i32
        %multiple_of3A_1080 = tpu.assume_multiple %mul3A_1079, 128 : i32
        %dma_start3A_1081 = arith.constant 0 : i32
        %dma_start3A_1082 = arith.constant 0 : i32
        %dma_start3A_1083 = tpu.memref_slice %arg11[%dma_start3A_1081, %dma_start3A_1082] : memref<32x128xf32, #tpu.memory_space<vmem>> -> memref<8x128xf32, #tpu.memory_space<vmem>>
        %dma_start3A_1084 = arith.constant 0 : i32
        %dma_start3A_1085 = tpu.memref_slice %arg2[%dma_start3A_1084, %multiple_of3A_1080] : memref<32x1000000xf32, #tpu.memory_space<hbm>> -> memref<8x128xf32, #tpu.memory_space<hbm>>
        %dma_start3A_1086 = arith.constant 0 : i32
        %dma_start3A_1087 = arith.constant 0 : i32
        %dma_start3A_1088 = tpu.memref_slice %arg11[%dma_start3A_1086, %dma_start3A_1087] : memref<32x128xf32, #tpu.memory_space<vmem>> -> memref<8x128xf32, #tpu.memory_space<vmem>>
        %dma_start3A_1089 = arith.constant 0 : i32
        %dma_start3A_1090 = tpu.memref_slice %arg2[%dma_start3A_1089, %multiple_of3A_1080] : memref<32x1000000xf32, #tpu.memory_space<hbm>> -> memref<8x128xf32, #tpu.memory_space<hbm>>
        tpu.enqueue_dma source(%dma_start3A_1090 : memref<8x128xf32, #tpu.memory_space<hbm>>) target(%dma_start3A_1088 : memref<8x128xf32, #tpu.memory_space<vmem>>) target_semaphore(%arg19 : memref<!tpu.dma_semaphore, #tpu.memory_space<semaphore_mem>>)
        %dma_start3A_1091 = arith.constant 8 : i32
        %dma_start3A_1092 = arith.constant 0 : i32
        %dma_start3A_1093 = tpu.memref_slice %arg11[%dma_start3A_1091, %dma_start3A_1092] : memref<32x128xf32, #tpu.memory_space<vmem>> -> memref<8x128xf32, #tpu.memory_space<vmem>>
        %dma_start3A_1094 = arith.constant 8 : i32
        %dma_start3A_1095 = tpu.memref_slice %arg2[%dma_start3A_1094, %multiple_of3A_1080] : memref<32x1000000xf32, #tpu.memory_space<hbm>> -> memref<8x128xf32, #tpu.memory_space<hbm>>
        %dma_start3A_1096 = arith.constant 8 : i32
        %dma_start3A_1097 = arith.constant 0 : i32
        %dma_start3A_1098 = tpu.memref_slice %arg11[%dma_start3A_1096, %dma_start3A_1097] : memref<32x128xf32, #tpu.memory_space<vmem>> -> memref<8x128xf32, #tpu.memory_space<vmem>>
        %dma_start3A_1099 = arith.constant 8 : i32
        %dma_start3A_1100 = tpu.memref_slice %arg2[%dma_start3A_1099, %multiple_of3A_1080] : memref<32x1000000xf32, #tpu.memory_space<hbm>> -> memref<8x128xf32, #tpu.memory_space<hbm>>
        tpu.enqueue_dma source(%dma_start3A_1100 : memref<8x128xf32, #tpu.memory_space<hbm>>) target(%dma_start3A_1098 : memref<8x128xf32, #tpu.memory_space<vmem>>) target_semaphore(%arg19 : memref<!tpu.dma_semaphore, #tpu.memory_space<semaphore_mem>>)
        %dma_start3A_1101 = arith.constant 16 : i32
        %dma_start3A_1102 = arith.constant 0 : i32
        %dma_start3A_1103 = tpu.memref_slice %arg11[%dma_start3A_1101, %dma_start3A_1102] : memref<32x128xf32, #tpu.memory_space<vmem>> -> memref<8x128xf32, #tpu.memory_space<vmem>>
        %dma_start3A_1104 = arith.constant 16 : i32
        %dma_start3A_1105 = tpu.memref_slice %arg2[%dma_start3A_1104, %multiple_of3A_1080] : memref<32x1000000xf32, #tpu.memory_space<hbm>> -> memref<8x128xf32, #tpu.memory_space<hbm>>
        %dma_start3A_1106 = arith.constant 16 : i32
        %dma_start3A_1107 = arith.constant 0 : i32
        %dma_start3A_1108 = tpu.memref_slice %arg11[%dma_start3A_1106, %dma_start3A_1107] : memref<32x128xf32, #tpu.memory_space<vmem>> -> memref<8x128xf32, #tpu.memory_space<vmem>>
        %dma_start3A_1109 = arith.constant 16 : i32
        %dma_start3A_1110 = tpu.memref_slice %arg2[%dma_start3A_1109, %multiple_of3A_1080] : memref<32x1000000xf32, #tpu.memory_space<hbm>> -> memref<8x128xf32, #tpu.memory_space<hbm>>
        tpu.enqueue_dma source(%dma_start3A_1110 : memref<8x128xf32, #tpu.memory_space<hbm>>) target(%dma_start3A_1108 : memref<8x128xf32, #tpu.memory_space<vmem>>) target_semaphore(%arg19 : memref<!tpu.dma_semaphore, #tpu.memory_space<semaphore_mem>>)
        %dma_start3A_1111 = arith.constant 24 : i32
        %dma_start3A_1112 = arith.constant 0 : i32
        %dma_start3A_1113 = tpu.memref_slice %arg11[%dma_start3A_1111, %dma_start3A_1112] : memref<32x128xf32, #tpu.memory_space<vmem>> -> memref<8x128xf32, #tpu.memory_space<vmem>>
        %dma_start3A_1114 = arith.constant 24 : i32
        %dma_start3A_1115 = tpu.memref_slice %arg2[%dma_start3A_1114, %multiple_of3A_1080] : memref<32x1000000xf32, #tpu.memory_space<hbm>> -> memref<8x128xf32, #tpu.memory_space<hbm>>
        %dma_start3A_1116 = arith.constant 24 : i32
        %dma_start3A_1117 = arith.constant 0 : i32
        %dma_start3A_1118 = tpu.memref_slice %arg11[%dma_start3A_1116, %dma_start3A_1117] : memref<32x128xf32, #tpu.memory_space<vmem>> -> memref<8x128xf32, #tpu.memory_space<vmem>>
        %dma_start3A_1119 = arith.constant 24 : i32
        %dma_start3A_1120 = tpu.memref_slice %arg2[%dma_start3A_1119, %multiple_of3A_1080] : memref<32x1000000xf32, #tpu.memory_space<hbm>> -> memref<8x128xf32, #tpu.memory_space<hbm>>
        tpu.enqueue_dma source(%dma_start3A_1120 : memref<8x128xf32, #tpu.memory_space<hbm>>) target(%dma_start3A_1118 : memref<8x128xf32, #tpu.memory_space<vmem>>) target_semaphore(%arg19 : memref<!tpu.dma_semaphore, #tpu.memory_space<semaphore_mem>>)
      } else {
      }
      %add3A_802 = arith.constant 4 : i32
      %add3A_803 = arith.addi %add3A_560, %add3A_802 : i32
      %dma_wait3A_804 = arith.constant 0 : i32
      %dma_wait3A_805 = arith.constant 0 : i32
      %dma_wait3A_806 = tpu.memref_slice %arg2[%dma_wait3A_804, %dma_wait3A_805] : memref<32x1000000xf32, #tpu.memory_space<hbm>> -> memref<32x128xf32, #tpu.memory_space<hbm>>
      %dma_wait3A_807 = arith.constant 0 : i32
      %dma_wait3A_808 = arith.constant 0 : i32
      %dma_wait3A_809 = tpu.memref_slice %arg2[%dma_wait3A_807, %dma_wait3A_808] : memref<32x1000000xf32, #tpu.memory_space<hbm>> -> memref<32x128xf32, #tpu.memory_space<hbm>>
      tpu.wait_dma2 semaphore(%arg20 : memref<!tpu.dma_semaphore, #tpu.memory_space<semaphore_mem>>) src(%dma_wait3A_809 : memref<32x128xf32, #tpu.memory_space<hbm>>) dst(%arg12 : memref<32x128xf32, #tpu.memory_space<vmem>>)
      %get3A_810 = arith.index_cast %add3A_803 : i32 to index
      %get3A_811 = memref.load %arg6[%get3A_810] : memref<512xi32, #tpu.memory_space<smem>>
      %jit3A_812 = arith.constant 128 : i32
      %div3A_813 = arith.divsi %get3A_811, %jit3A_812 : i32
      %sign3A_814 = arith.constant 0 : i32
      %sign3A_815 = arith.cmpi sgt, %get3A_811, %sign3A_814 : i32
      %sign3A_816 = arith.extui %sign3A_815 : i1 to i32
      %sign3A_817 = arith.constant 0 : i32
      %sign3A_818 = arith.cmpi slt, %get3A_811, %sign3A_817 : i32
      %sign3A_819 = arith.extui %sign3A_818 : i1 to i32
      %sign3A_820 = arith.subi %sign3A_816, %sign3A_819 : i32
      %sign3A_821 = arith.constant 0 : i32
      %sign3A_822 = arith.cmpi sgt, %jit3A_812, %sign3A_821 : i32
      %sign3A_823 = arith.extui %sign3A_822 : i1 to i32
      %sign3A_824 = arith.constant 0 : i32
      %sign3A_825 = arith.cmpi slt, %jit3A_812, %sign3A_824 : i32
      %sign3A_826 = arith.extui %sign3A_825 : i1 to i32
      %sign3A_827 = arith.subi %sign3A_823, %sign3A_826 : i32
      %ne3A_828 = arith.cmpi ne, %sign3A_820, %sign3A_827 : i32
      %rem3A_829 = arith.remsi %get3A_811, %jit3A_812 : i32
      %ne3A_830 = arith.constant 0 : i32
      %ne3A_831 = arith.cmpi ne, %rem3A_829, %ne3A_830 : i32
      %and3A_832 = arith.andi %ne3A_828, %ne3A_831 : i1
      %sub3A_833 = arith.constant 1 : i32
      %sub3A_834 = arith.subi %div3A_813, %sub3A_833 : i32
      %select_n3A_835 = arith.select %and3A_832, %sub3A_834, %div3A_813 : i32
      %mul3A_836 = arith.constant 128 : i32
      %mul3A_837 = arith.muli %select_n3A_835, %mul3A_836 : i32
      %sub3A_838 = arith.subi %get3A_811, %mul3A_837 : i32
      %broadcast_in_dim3A_839 = arith.constant 0 : i32
      %broadcast_in_dim3A_840 = vector.broadcast %broadcast_in_dim3A_839 : i32 to vector<16xi32>
      %add3A_841 = vector.broadcast %sub3A_838 : i32 to vector<16xi32>
      %add3A_842 = arith.addi %broadcast_in_dim3A_840, %add3A_841 : vector<16xi32>
      %broadcast_in_dim3A_843 = arith.constant 0 : i32
      %broadcast_in_dim3A_844 = vector.broadcast %broadcast_in_dim3A_843 : i32 to vector<16xi32>
      %add3A_845 = vector.broadcast %add3A_803 : i32 to vector<16xi32>
      %add3A_846 = arith.addi %broadcast_in_dim3A_844, %add3A_845 : vector<16xi32>
      %iota3A_847 = tpu.iota {dimensions = array<i32: 0>} : vector<16xi32>
      %add3A_848 = arith.constant 0 : i32
      %add3A_849 = vector.broadcast %add3A_848 : i32 to vector<16xi32>
      %add3A_850 = arith.addi %iota3A_847, %add3A_849 : vector<16xi32>
      %gather3A_851 = tpu.vector_load_idx %arg12[%add3A_850, %add3A_842] : memref<32x128xf32, #tpu.memory_space<vmem>>[vector<16xi32>, vector<16xi32>], vector<16xf32>,
      tpu.vector_store_idx %arg7[%add3A_850, %add3A_846], %gather3A_851 : memref<32x512xf32, #tpu.memory_space<vmem>>[vector<16xi32>, vector<16xi32>], vector<16xf32>,
      %iota3A_852 = tpu.iota {dimensions = array<i32: 0>} : vector<16xi32>
      %add3A_853 = arith.constant 16 : i32
      %add3A_854 = vector.broadcast %add3A_853 : i32 to vector<16xi32>
      %add3A_855 = arith.addi %iota3A_852, %add3A_854 : vector<16xi32>
      %gather3A_856 = tpu.vector_load_idx %arg12[%add3A_855, %add3A_842] : memref<32x128xf32, #tpu.memory_space<vmem>>[vector<16xi32>, vector<16xi32>], vector<16xf32>,
      tpu.vector_store_idx %arg7[%add3A_855, %add3A_846], %gather3A_856 : memref<32x512xf32, #tpu.memory_space<vmem>>[vector<16xi32>, vector<16xi32>], vector<16xf32>,
      %add3A_857 = arith.constant 8 : i32
      %add3A_858 = arith.addi %add3A_803, %add3A_857 : i32
      %lt3A_859 = arith.constant 512 : i32
      %lt3A_860 = arith.cmpi slt, %add3A_858, %lt3A_859 : i32
      %convert_element_type3A_861 = arith.extui %lt3A_860 : i1 to i32
      %cond3A_862 = arith.constant 0 : i32
      %cond3A_863 = arith.cmpi ne, %convert_element_type3A_861, %cond3A_862 : i32
      scf.if %cond3A_863 {
        %add3A_1050 = arith.constant 8 : i32
        %add3A_1051 = arith.addi %add3A_803, %add3A_1050 : i32
        %get3A_1052 = arith.index_cast %add3A_1051 : i32 to index
        %get3A_1053 = memref.load %arg6[%get3A_1052] : memref<512xi32, #tpu.memory_space<smem>>
        %jit3A_1054 = arith.constant 128 : i32
        %div3A_1055 = arith.divsi %get3A_1053, %jit3A_1054 : i32
        %sign3A_1056 = arith.constant 0 : i32
        %sign3A_1057 = arith.cmpi sgt, %get3A_1053, %sign3A_1056 : i32
        %sign3A_1058 = arith.extui %sign3A_1057 : i1 to i32
        %sign3A_1059 = arith.constant 0 : i32
        %sign3A_1060 = arith.cmpi slt, %get3A_1053, %sign3A_1059 : i32
        %sign3A_1061 = arith.extui %sign3A_1060 : i1 to i32
        %sign3A_1062 = arith.subi %sign3A_1058, %sign3A_1061 : i32
        %sign3A_1063 = arith.constant 0 : i32
        %sign3A_1064 = arith.cmpi sgt, %jit3A_1054, %sign3A_1063 : i32
        %sign3A_1065 = arith.extui %sign3A_1064 : i1 to i32
        %sign3A_1066 = arith.constant 0 : i32
        %sign3A_1067 = arith.cmpi slt, %jit3A_1054, %sign3A_1066 : i32
        %sign3A_1068 = arith.extui %sign3A_1067 : i1 to i32
        %sign3A_1069 = arith.subi %sign3A_1065, %sign3A_1068 : i32
        %ne3A_1070 = arith.cmpi ne, %sign3A_1062, %sign3A_1069 : i32
        %rem3A_1071 = arith.remsi %get3A_1053, %jit3A_1054 : i32
        %ne3A_1072 = arith.constant 0 : i32
        %ne3A_1073 = arith.cmpi ne, %rem3A_1071, %ne3A_1072 : i32
        %and3A_1074 = arith.andi %ne3A_1070, %ne3A_1073 : i1
        %sub3A_1075 = arith.constant 1 : i32
        %sub3A_1076 = arith.subi %div3A_1055, %sub3A_1075 : i32
        %select_n3A_1077 = arith.select %and3A_1074, %sub3A_1076, %div3A_1055 : i32
        %mul3A_1078 = arith.constant 128 : i32
        %mul3A_1079 = arith.muli %select_n3A_1077, %mul3A_1078 : i32
        %multiple_of3A_1080 = tpu.assume_multiple %mul3A_1079, 128 : i32
        %dma_start3A_1081 = arith.constant 0 : i32
        %dma_start3A_1082 = arith.constant 0 : i32
        %dma_start3A_1083 = tpu.memref_slice %arg12[%dma_start3A_1081, %dma_start3A_1082] : memref<32x128xf32, #tpu.memory_space<vmem>> -> memref<8x128xf32, #tpu.memory_space<vmem>>
        %dma_start3A_1084 = arith.constant 0 : i32
        %dma_start3A_1085 = tpu.memref_slice %arg2[%dma_start3A_1084, %multiple_of3A_1080] : memref<32x1000000xf32, #tpu.memory_space<hbm>> -> memref<8x128xf32, #tpu.memory_space<hbm>>
        %dma_start3A_1086 = arith.constant 0 : i32
        %dma_start3A_1087 = arith.constant 0 : i32
        %dma_start3A_1088 = tpu.memref_slice %arg12[%dma_start3A_1086, %dma_start3A_1087] : memref<32x128xf32, #tpu.memory_space<vmem>> -> memref<8x128xf32, #tpu.memory_space<vmem>>
        %dma_start3A_1089 = arith.constant 0 : i32
        %dma_start3A_1090 = tpu.memref_slice %arg2[%dma_start3A_1089, %multiple_of3A_1080] : memref<32x1000000xf32, #tpu.memory_space<hbm>> -> memref<8x128xf32, #tpu.memory_space<hbm>>
        tpu.enqueue_dma source(%dma_start3A_1090 : memref<8x128xf32, #tpu.memory_space<hbm>>) target(%dma_start3A_1088 : memref<8x128xf32, #tpu.memory_space<vmem>>) target_semaphore(%arg20 : memref<!tpu.dma_semaphore, #tpu.memory_space<semaphore_mem>>)
        %dma_start3A_1091 = arith.constant 8 : i32
        %dma_start3A_1092 = arith.constant 0 : i32
        %dma_start3A_1093 = tpu.memref_slice %arg12[%dma_start3A_1091, %dma_start3A_1092] : memref<32x128xf32, #tpu.memory_space<vmem>> -> memref<8x128xf32, #tpu.memory_space<vmem>>
        %dma_start3A_1094 = arith.constant 8 : i32
        %dma_start3A_1095 = tpu.memref_slice %arg2[%dma_start3A_1094, %multiple_of3A_1080] : memref<32x1000000xf32, #tpu.memory_space<hbm>> -> memref<8x128xf32, #tpu.memory_space<hbm>>
        %dma_start3A_1096 = arith.constant 8 : i32
        %dma_start3A_1097 = arith.constant 0 : i32
        %dma_start3A_1098 = tpu.memref_slice %arg12[%dma_start3A_1096, %dma_start3A_1097] : memref<32x128xf32, #tpu.memory_space<vmem>> -> memref<8x128xf32, #tpu.memory_space<vmem>>
        %dma_start3A_1099 = arith.constant 8 : i32
        %dma_start3A_1100 = tpu.memref_slice %arg2[%dma_start3A_1099, %multiple_of3A_1080] : memref<32x1000000xf32, #tpu.memory_space<hbm>> -> memref<8x128xf32, #tpu.memory_space<hbm>>
        tpu.enqueue_dma source(%dma_start3A_1100 : memref<8x128xf32, #tpu.memory_space<hbm>>) target(%dma_start3A_1098 : memref<8x128xf32, #tpu.memory_space<vmem>>) target_semaphore(%arg20 : memref<!tpu.dma_semaphore, #tpu.memory_space<semaphore_mem>>)
        %dma_start3A_1101 = arith.constant 16 : i32
        %dma_start3A_1102 = arith.constant 0 : i32
        %dma_start3A_1103 = tpu.memref_slice %arg12[%dma_start3A_1101, %dma_start3A_1102] : memref<32x128xf32, #tpu.memory_space<vmem>> -> memref<8x128xf32, #tpu.memory_space<vmem>>
        %dma_start3A_1104 = arith.constant 16 : i32
        %dma_start3A_1105 = tpu.memref_slice %arg2[%dma_start3A_1104, %multiple_of3A_1080] : memref<32x1000000xf32, #tpu.memory_space<hbm>> -> memref<8x128xf32, #tpu.memory_space<hbm>>
        %dma_start3A_1106 = arith.constant 16 : i32
        %dma_start3A_1107 = arith.constant 0 : i32
        %dma_start3A_1108 = tpu.memref_slice %arg12[%dma_start3A_1106, %dma_start3A_1107] : memref<32x128xf32, #tpu.memory_space<vmem>> -> memref<8x128xf32, #tpu.memory_space<vmem>>
        %dma_start3A_1109 = arith.constant 16 : i32
        %dma_start3A_1110 = tpu.memref_slice %arg2[%dma_start3A_1109, %multiple_of3A_1080] : memref<32x1000000xf32, #tpu.memory_space<hbm>> -> memref<8x128xf32, #tpu.memory_space<hbm>>
        tpu.enqueue_dma source(%dma_start3A_1110 : memref<8x128xf32, #tpu.memory_space<hbm>>) target(%dma_start3A_1108 : memref<8x128xf32, #tpu.memory_space<vmem>>) target_semaphore(%arg20 : memref<!tpu.dma_semaphore, #tpu.memory_space<semaphore_mem>>)
        %dma_start3A_1111 = arith.constant 24 : i32
        %dma_start3A_1112 = arith.constant 0 : i32
        %dma_start3A_1113 = tpu.memref_slice %arg12[%dma_start3A_1111, %dma_start3A_1112] : memref<32x128xf32, #tpu.memory_space<vmem>> -> memref<8x128xf32, #tpu.memory_space<vmem>>
        %dma_start3A_1114 = arith.constant 24 : i32
        %dma_start3A_1115 = tpu.memref_slice %arg2[%dma_start3A_1114, %multiple_of3A_1080] : memref<32x1000000xf32, #tpu.memory_space<hbm>> -> memref<8x128xf32, #tpu.memory_space<hbm>>
        %dma_start3A_1116 = arith.constant 24 : i32
        %dma_start3A_1117 = arith.constant 0 : i32
        %dma_start3A_1118 = tpu.memref_slice %arg12[%dma_start3A_1116, %dma_start3A_1117] : memref<32x128xf32, #tpu.memory_space<vmem>> -> memref<8x128xf32, #tpu.memory_space<vmem>>
        %dma_start3A_1119 = arith.constant 24 : i32
        %dma_start3A_1120 = tpu.memref_slice %arg2[%dma_start3A_1119, %multiple_of3A_1080] : memref<32x1000000xf32, #tpu.memory_space<hbm>> -> memref<8x128xf32, #tpu.memory_space<hbm>>
        tpu.enqueue_dma source(%dma_start3A_1120 : memref<8x128xf32, #tpu.memory_space<hbm>>) target(%dma_start3A_1118 : memref<8x128xf32, #tpu.memory_space<vmem>>) target_semaphore(%arg20 : memref<!tpu.dma_semaphore, #tpu.memory_space<semaphore_mem>>)
      } else {
      }
      %add3A_864 = arith.constant 5 : i32
      %add3A_865 = arith.addi %add3A_560, %add3A_864 : i32
      %dma_wait3A_866 = arith.constant 0 : i32
      %dma_wait3A_867 = arith.constant 0 : i32
      %dma_wait3A_868 = tpu.memref_slice %arg2[%dma_wait3A_866, %dma_wait3A_867] : memref<32x1000000xf32, #tpu.memory_space<hbm>> -> memref<32x128xf32, #tpu.memory_space<hbm>>
      %dma_wait3A_869 = arith.constant 0 : i32
      %dma_wait3A_870 = arith.constant 0 : i32
      %dma_wait3A_871 = tpu.memref_slice %arg2[%dma_wait3A_869, %dma_wait3A_870] : memref<32x1000000xf32, #tpu.memory_space<hbm>> -> memref<32x128xf32, #tpu.memory_space<hbm>>
      tpu.wait_dma2 semaphore(%arg21 : memref<!tpu.dma_semaphore, #tpu.memory_space<semaphore_mem>>) src(%dma_wait3A_871 : memref<32x128xf32, #tpu.memory_space<hbm>>) dst(%arg13 : memref<32x128xf32, #tpu.memory_space<vmem>>)
      %get3A_872 = arith.index_cast %add3A_865 : i32 to index
      %get3A_873 = memref.load %arg6[%get3A_872] : memref<512xi32, #tpu.memory_space<smem>>
      %jit3A_874 = arith.constant 128 : i32
      %div3A_875 = arith.divsi %get3A_873, %jit3A_874 : i32
      %sign3A_876 = arith.constant 0 : i32
      %sign3A_877 = arith.cmpi sgt, %get3A_873, %sign3A_876 : i32
      %sign3A_878 = arith.extui %sign3A_877 : i1 to i32
      %sign3A_879 = arith.constant 0 : i32
      %sign3A_880 = arith.cmpi slt, %get3A_873, %sign3A_879 : i32
      %sign3A_881 = arith.extui %sign3A_880 : i1 to i32
      %sign3A_882 = arith.subi %sign3A_878, %sign3A_881 : i32
      %sign3A_883 = arith.constant 0 : i32
      %sign3A_884 = arith.cmpi sgt, %jit3A_874, %sign3A_883 : i32
      %sign3A_885 = arith.extui %sign3A_884 : i1 to i32
      %sign3A_886 = arith.constant 0 : i32
      %sign3A_887 = arith.cmpi slt, %jit3A_874, %sign3A_886 : i32
      %sign3A_888 = arith.extui %sign3A_887 : i1 to i32
      %sign3A_889 = arith.subi %sign3A_885, %sign3A_888 : i32
      %ne3A_890 = arith.cmpi ne, %sign3A_882, %sign3A_889 : i32
      %rem3A_891 = arith.remsi %get3A_873, %jit3A_874 : i32
      %ne3A_892 = arith.constant 0 : i32
      %ne3A_893 = arith.cmpi ne, %rem3A_891, %ne3A_892 : i32
      %and3A_894 = arith.andi %ne3A_890, %ne3A_893 : i1
      %sub3A_895 = arith.constant 1 : i32
      %sub3A_896 = arith.subi %div3A_875, %sub3A_895 : i32
      %select_n3A_897 = arith.select %and3A_894, %sub3A_896, %div3A_875 : i32
      %mul3A_898 = arith.constant 128 : i32
      %mul3A_899 = arith.muli %select_n3A_897, %mul3A_898 : i32
      %sub3A_900 = arith.subi %get3A_873, %mul3A_899 : i32
      %broadcast_in_dim3A_901 = arith.constant 0 : i32
      %broadcast_in_dim3A_902 = vector.broadcast %broadcast_in_dim3A_901 : i32 to vector<16xi32>
      %add3A_903 = vector.broadcast %sub3A_900 : i32 to vector<16xi32>
      %add3A_904 = arith.addi %broadcast_in_dim3A_902, %add3A_903 : vector<16xi32>
      %broadcast_in_dim3A_905 = arith.constant 0 : i32
      %broadcast_in_dim3A_906 = vector.broadcast %broadcast_in_dim3A_905 : i32 to vector<16xi32>
      %add3A_907 = vector.broadcast %add3A_865 : i32 to vector<16xi32>
      %add3A_908 = arith.addi %broadcast_in_dim3A_906, %add3A_907 : vector<16xi32>
      %iota3A_909 = tpu.iota {dimensions = array<i32: 0>} : vector<16xi32>
      %add3A_910 = arith.constant 0 : i32
      %add3A_911 = vector.broadcast %add3A_910 : i32 to vector<16xi32>
      %add3A_912 = arith.addi %iota3A_909, %add3A_911 : vector<16xi32>
      %gather3A_913 = tpu.vector_load_idx %arg13[%add3A_912, %add3A_904] : memref<32x128xf32, #tpu.memory_space<vmem>>[vector<16xi32>, vector<16xi32>], vector<16xf32>,
      tpu.vector_store_idx %arg7[%add3A_912, %add3A_908], %gather3A_913 : memref<32x512xf32, #tpu.memory_space<vmem>>[vector<16xi32>, vector<16xi32>], vector<16xf32>,
      %iota3A_914 = tpu.iota {dimensions = array<i32: 0>} : vector<16xi32>
      %add3A_915 = arith.constant 16 : i32
      %add3A_916 = vector.broadcast %add3A_915 : i32 to vector<16xi32>
      %add3A_917 = arith.addi %iota3A_914, %add3A_916 : vector<16xi32>
      %gather3A_918 = tpu.vector_load_idx %arg13[%add3A_917, %add3A_904] : memref<32x128xf32, #tpu.memory_space<vmem>>[vector<16xi32>, vector<16xi32>], vector<16xf32>,
      tpu.vector_store_idx %arg7[%add3A_917, %add3A_908], %gather3A_918 : memref<32x512xf32, #tpu.memory_space<vmem>>[vector<16xi32>, vector<16xi32>], vector<16xf32>,
      %add3A_919 = arith.constant 8 : i32
      %add3A_920 = arith.addi %add3A_865, %add3A_919 : i32
      %lt3A_921 = arith.constant 512 : i32
      %lt3A_922 = arith.cmpi slt, %add3A_920, %lt3A_921 : i32
      %convert_element_type3A_923 = arith.extui %lt3A_922 : i1 to i32
      %cond3A_924 = arith.constant 0 : i32
      %cond3A_925 = arith.cmpi ne, %convert_element_type3A_923, %cond3A_924 : i32
      scf.if %cond3A_925 {
        %add3A_1050 = arith.constant 8 : i32
        %add3A_1051 = arith.addi %add3A_865, %add3A_1050 : i32
        %get3A_1052 = arith.index_cast %add3A_1051 : i32 to index
        %get3A_1053 = memref.load %arg6[%get3A_1052] : memref<512xi32, #tpu.memory_space<smem>>
        %jit3A_1054 = arith.constant 128 : i32
        %div3A_1055 = arith.divsi %get3A_1053, %jit3A_1054 : i32
        %sign3A_1056 = arith.constant 0 : i32
        %sign3A_1057 = arith.cmpi sgt, %get3A_1053, %sign3A_1056 : i32
        %sign3A_1058 = arith.extui %sign3A_1057 : i1 to i32
        %sign3A_1059 = arith.constant 0 : i32
        %sign3A_1060 = arith.cmpi slt, %get3A_1053, %sign3A_1059 : i32
        %sign3A_1061 = arith.extui %sign3A_1060 : i1 to i32
        %sign3A_1062 = arith.subi %sign3A_1058, %sign3A_1061 : i32
        %sign3A_1063 = arith.constant 0 : i32
        %sign3A_1064 = arith.cmpi sgt, %jit3A_1054, %sign3A_1063 : i32
        %sign3A_1065 = arith.extui %sign3A_1064 : i1 to i32
        %sign3A_1066 = arith.constant 0 : i32
        %sign3A_1067 = arith.cmpi slt, %jit3A_1054, %sign3A_1066 : i32
        %sign3A_1068 = arith.extui %sign3A_1067 : i1 to i32
        %sign3A_1069 = arith.subi %sign3A_1065, %sign3A_1068 : i32
        %ne3A_1070 = arith.cmpi ne, %sign3A_1062, %sign3A_1069 : i32
        %rem3A_1071 = arith.remsi %get3A_1053, %jit3A_1054 : i32
        %ne3A_1072 = arith.constant 0 : i32
        %ne3A_1073 = arith.cmpi ne, %rem3A_1071, %ne3A_1072 : i32
        %and3A_1074 = arith.andi %ne3A_1070, %ne3A_1073 : i1
        %sub3A_1075 = arith.constant 1 : i32
        %sub3A_1076 = arith.subi %div3A_1055, %sub3A_1075 : i32
        %select_n3A_1077 = arith.select %and3A_1074, %sub3A_1076, %div3A_1055 : i32
        %mul3A_1078 = arith.constant 128 : i32
        %mul3A_1079 = arith.muli %select_n3A_1077, %mul3A_1078 : i32
        %multiple_of3A_1080 = tpu.assume_multiple %mul3A_1079, 128 : i32
        %dma_start3A_1081 = arith.constant 0 : i32
        %dma_start3A_1082 = arith.constant 0 : i32
        %dma_start3A_1083 = tpu.memref_slice %arg13[%dma_start3A_1081, %dma_start3A_1082] : memref<32x128xf32, #tpu.memory_space<vmem>> -> memref<8x128xf32, #tpu.memory_space<vmem>>
        %dma_start3A_1084 = arith.constant 0 : i32
        %dma_start3A_1085 = tpu.memref_slice %arg2[%dma_start3A_1084, %multiple_of3A_1080] : memref<32x1000000xf32, #tpu.memory_space<hbm>> -> memref<8x128xf32, #tpu.memory_space<hbm>>
        %dma_start3A_1086 = arith.constant 0 : i32
        %dma_start3A_1087 = arith.constant 0 : i32
        %dma_start3A_1088 = tpu.memref_slice %arg13[%dma_start3A_1086, %dma_start3A_1087] : memref<32x128xf32, #tpu.memory_space<vmem>> -> memref<8x128xf32, #tpu.memory_space<vmem>>
        %dma_start3A_1089 = arith.constant 0 : i32
        %dma_start3A_1090 = tpu.memref_slice %arg2[%dma_start3A_1089, %multiple_of3A_1080] : memref<32x1000000xf32, #tpu.memory_space<hbm>> -> memref<8x128xf32, #tpu.memory_space<hbm>>
        tpu.enqueue_dma source(%dma_start3A_1090 : memref<8x128xf32, #tpu.memory_space<hbm>>) target(%dma_start3A_1088 : memref<8x128xf32, #tpu.memory_space<vmem>>) target_semaphore(%arg21 : memref<!tpu.dma_semaphore, #tpu.memory_space<semaphore_mem>>)
        %dma_start3A_1091 = arith.constant 8 : i32
        %dma_start3A_1092 = arith.constant 0 : i32
        %dma_start3A_1093 = tpu.memref_slice %arg13[%dma_start3A_1091, %dma_start3A_1092] : memref<32x128xf32, #tpu.memory_space<vmem>> -> memref<8x128xf32, #tpu.memory_space<vmem>>
        %dma_start3A_1094 = arith.constant 8 : i32
        %dma_start3A_1095 = tpu.memref_slice %arg2[%dma_start3A_1094, %multiple_of3A_1080] : memref<32x1000000xf32, #tpu.memory_space<hbm>> -> memref<8x128xf32, #tpu.memory_space<hbm>>
        %dma_start3A_1096 = arith.constant 8 : i32
        %dma_start3A_1097 = arith.constant 0 : i32
        %dma_start3A_1098 = tpu.memref_slice %arg13[%dma_start3A_1096, %dma_start3A_1097] : memref<32x128xf32, #tpu.memory_space<vmem>> -> memref<8x128xf32, #tpu.memory_space<vmem>>
        %dma_start3A_1099 = arith.constant 8 : i32
        %dma_start3A_1100 = tpu.memref_slice %arg2[%dma_start3A_1099, %multiple_of3A_1080] : memref<32x1000000xf32, #tpu.memory_space<hbm>> -> memref<8x128xf32, #tpu.memory_space<hbm>>
        tpu.enqueue_dma source(%dma_start3A_1100 : memref<8x128xf32, #tpu.memory_space<hbm>>) target(%dma_start3A_1098 : memref<8x128xf32, #tpu.memory_space<vmem>>) target_semaphore(%arg21 : memref<!tpu.dma_semaphore, #tpu.memory_space<semaphore_mem>>)
        %dma_start3A_1101 = arith.constant 16 : i32
        %dma_start3A_1102 = arith.constant 0 : i32
        %dma_start3A_1103 = tpu.memref_slice %arg13[%dma_start3A_1101, %dma_start3A_1102] : memref<32x128xf32, #tpu.memory_space<vmem>> -> memref<8x128xf32, #tpu.memory_space<vmem>>
        %dma_start3A_1104 = arith.constant 16 : i32
        %dma_start3A_1105 = tpu.memref_slice %arg2[%dma_start3A_1104, %multiple_of3A_1080] : memref<32x1000000xf32, #tpu.memory_space<hbm>> -> memref<8x128xf32, #tpu.memory_space<hbm>>
        %dma_start3A_1106 = arith.constant 16 : i32
        %dma_start3A_1107 = arith.constant 0 : i32
        %dma_start3A_1108 = tpu.memref_slice %arg13[%dma_start3A_1106, %dma_start3A_1107] : memref<32x128xf32, #tpu.memory_space<vmem>> -> memref<8x128xf32, #tpu.memory_space<vmem>>
        %dma_start3A_1109 = arith.constant 16 : i32
        %dma_start3A_1110 = tpu.memref_slice %arg2[%dma_start3A_1109, %multiple_of3A_1080] : memref<32x1000000xf32, #tpu.memory_space<hbm>> -> memref<8x128xf32, #tpu.memory_space<hbm>>
        tpu.enqueue_dma source(%dma_start3A_1110 : memref<8x128xf32, #tpu.memory_space<hbm>>) target(%dma_start3A_1108 : memref<8x128xf32, #tpu.memory_space<vmem>>) target_semaphore(%arg21 : memref<!tpu.dma_semaphore, #tpu.memory_space<semaphore_mem>>)
        %dma_start3A_1111 = arith.constant 24 : i32
        %dma_start3A_1112 = arith.constant 0 : i32
        %dma_start3A_1113 = tpu.memref_slice %arg13[%dma_start3A_1111, %dma_start3A_1112] : memref<32x128xf32, #tpu.memory_space<vmem>> -> memref<8x128xf32, #tpu.memory_space<vmem>>
        %dma_start3A_1114 = arith.constant 24 : i32
        %dma_start3A_1115 = tpu.memref_slice %arg2[%dma_start3A_1114, %multiple_of3A_1080] : memref<32x1000000xf32, #tpu.memory_space<hbm>> -> memref<8x128xf32, #tpu.memory_space<hbm>>
        %dma_start3A_1116 = arith.constant 24 : i32
        %dma_start3A_1117 = arith.constant 0 : i32
        %dma_start3A_1118 = tpu.memref_slice %arg13[%dma_start3A_1116, %dma_start3A_1117] : memref<32x128xf32, #tpu.memory_space<vmem>> -> memref<8x128xf32, #tpu.memory_space<vmem>>
        %dma_start3A_1119 = arith.constant 24 : i32
        %dma_start3A_1120 = tpu.memref_slice %arg2[%dma_start3A_1119, %multiple_of3A_1080] : memref<32x1000000xf32, #tpu.memory_space<hbm>> -> memref<8x128xf32, #tpu.memory_space<hbm>>
        tpu.enqueue_dma source(%dma_start3A_1120 : memref<8x128xf32, #tpu.memory_space<hbm>>) target(%dma_start3A_1118 : memref<8x128xf32, #tpu.memory_space<vmem>>) target_semaphore(%arg21 : memref<!tpu.dma_semaphore, #tpu.memory_space<semaphore_mem>>)
      } else {
      }
      %add3A_926 = arith.constant 6 : i32
      %add3A_927 = arith.addi %add3A_560, %add3A_926 : i32
      %dma_wait3A_928 = arith.constant 0 : i32
      %dma_wait3A_929 = arith.constant 0 : i32
      %dma_wait3A_930 = tpu.memref_slice %arg2[%dma_wait3A_928, %dma_wait3A_929] : memref<32x1000000xf32, #tpu.memory_space<hbm>> -> memref<32x128xf32, #tpu.memory_space<hbm>>
      %dma_wait3A_931 = arith.constant 0 : i32
      %dma_wait3A_932 = arith.constant 0 : i32
      %dma_wait3A_933 = tpu.memref_slice %arg2[%dma_wait3A_931, %dma_wait3A_932] : memref<32x1000000xf32, #tpu.memory_space<hbm>> -> memref<32x128xf32, #tpu.memory_space<hbm>>
      tpu.wait_dma2 semaphore(%arg22 : memref<!tpu.dma_semaphore, #tpu.memory_space<semaphore_mem>>) src(%dma_wait3A_933 : memref<32x128xf32, #tpu.memory_space<hbm>>) dst(%arg14 : memref<32x128xf32, #tpu.memory_space<vmem>>)
      %get3A_934 = arith.index_cast %add3A_927 : i32 to index
      %get3A_935 = memref.load %arg6[%get3A_934] : memref<512xi32, #tpu.memory_space<smem>>
      %jit3A_936 = arith.constant 128 : i32
      %div3A_937 = arith.divsi %get3A_935, %jit3A_936 : i32
      %sign3A_938 = arith.constant 0 : i32
      %sign3A_939 = arith.cmpi sgt, %get3A_935, %sign3A_938 : i32
      %sign3A_940 = arith.extui %sign3A_939 : i1 to i32
      %sign3A_941 = arith.constant 0 : i32
      %sign3A_942 = arith.cmpi slt, %get3A_935, %sign3A_941 : i32
      %sign3A_943 = arith.extui %sign3A_942 : i1 to i32
      %sign3A_944 = arith.subi %sign3A_940, %sign3A_943 : i32
      %sign3A_945 = arith.constant 0 : i32
      %sign3A_946 = arith.cmpi sgt, %jit3A_936, %sign3A_945 : i32
      %sign3A_947 = arith.extui %sign3A_946 : i1 to i32
      %sign3A_948 = arith.constant 0 : i32
      %sign3A_949 = arith.cmpi slt, %jit3A_936, %sign3A_948 : i32
      %sign3A_950 = arith.extui %sign3A_949 : i1 to i32
      %sign3A_951 = arith.subi %sign3A_947, %sign3A_950 : i32
      %ne3A_952 = arith.cmpi ne, %sign3A_944, %sign3A_951 : i32
      %rem3A_953 = arith.remsi %get3A_935, %jit3A_936 : i32
      %ne3A_954 = arith.constant 0 : i32
      %ne3A_955 = arith.cmpi ne, %rem3A_953, %ne3A_954 : i32
      %and3A_956 = arith.andi %ne3A_952, %ne3A_955 : i1
      %sub3A_957 = arith.constant 1 : i32
      %sub3A_958 = arith.subi %div3A_937, %sub3A_957 : i32
      %select_n3A_959 = arith.select %and3A_956, %sub3A_958, %div3A_937 : i32
      %mul3A_960 = arith.constant 128 : i32
      %mul3A_961 = arith.muli %select_n3A_959, %mul3A_960 : i32
      %sub3A_962 = arith.subi %get3A_935, %mul3A_961 : i32
      %broadcast_in_dim3A_963 = arith.constant 0 : i32
      %broadcast_in_dim3A_964 = vector.broadcast %broadcast_in_dim3A_963 : i32 to vector<16xi32>
      %add3A_965 = vector.broadcast %sub3A_962 : i32 to vector<16xi32>
      %add3A_966 = arith.addi %broadcast_in_dim3A_964, %add3A_965 : vector<16xi32>
      %broadcast_in_dim3A_967 = arith.constant 0 : i32
      %broadcast_in_dim3A_968 = vector.broadcast %broadcast_in_dim3A_967 : i32 to vector<16xi32>
      %add3A_969 = vector.broadcast %add3A_927 : i32 to vector<16xi32>
      %add3A_970 = arith.addi %broadcast_in_dim3A_968, %add3A_969 : vector<16xi32>
      %iota3A_971 = tpu.iota {dimensions = array<i32: 0>} : vector<16xi32>
      %add3A_972 = arith.constant 0 : i32
      %add3A_973 = vector.broadcast %add3A_972 : i32 to vector<16xi32>
      %add3A_974 = arith.addi %iota3A_971, %add3A_973 : vector<16xi32>
      %gather3A_975 = tpu.vector_load_idx %arg14[%add3A_974, %add3A_966] : memref<32x128xf32, #tpu.memory_space<vmem>>[vector<16xi32>, vector<16xi32>], vector<16xf32>,
      tpu.vector_store_idx %arg7[%add3A_974, %add3A_970], %gather3A_975 : memref<32x512xf32, #tpu.memory_space<vmem>>[vector<16xi32>, vector<16xi32>], vector<16xf32>,
      %iota3A_976 = tpu.iota {dimensions = array<i32: 0>} : vector<16xi32>
      %add3A_977 = arith.constant 16 : i32
      %add3A_978 = vector.broadcast %add3A_977 : i32 to vector<16xi32>
      %add3A_979 = arith.addi %iota3A_976, %add3A_978 : vector<16xi32>
      %gather3A_980 = tpu.vector_load_idx %arg14[%add3A_979, %add3A_966] : memref<32x128xf32, #tpu.memory_space<vmem>>[vector<16xi32>, vector<16xi32>], vector<16xf32>,
      tpu.vector_store_idx %arg7[%add3A_979, %add3A_970], %gather3A_980 : memref<32x512xf32, #tpu.memory_space<vmem>>[vector<16xi32>, vector<16xi32>], vector<16xf32>,
      %add3A_981 = arith.constant 8 : i32
      %add3A_982 = arith.addi %add3A_927, %add3A_981 : i32
      %lt3A_983 = arith.constant 512 : i32
      %lt3A_984 = arith.cmpi slt, %add3A_982, %lt3A_983 : i32
      %convert_element_type3A_985 = arith.extui %lt3A_984 : i1 to i32
      %cond3A_986 = arith.constant 0 : i32
      %cond3A_987 = arith.cmpi ne, %convert_element_type3A_985, %cond3A_986 : i32
      scf.if %cond3A_987 {
        %add3A_1050 = arith.constant 8 : i32
        %add3A_1051 = arith.addi %add3A_927, %add3A_1050 : i32
        %get3A_1052 = arith.index_cast %add3A_1051 : i32 to index
        %get3A_1053 = memref.load %arg6[%get3A_1052] : memref<512xi32, #tpu.memory_space<smem>>
        %jit3A_1054 = arith.constant 128 : i32
        %div3A_1055 = arith.divsi %get3A_1053, %jit3A_1054 : i32
        %sign3A_1056 = arith.constant 0 : i32
        %sign3A_1057 = arith.cmpi sgt, %get3A_1053, %sign3A_1056 : i32
        %sign3A_1058 = arith.extui %sign3A_1057 : i1 to i32
        %sign3A_1059 = arith.constant 0 : i32
        %sign3A_1060 = arith.cmpi slt, %get3A_1053, %sign3A_1059 : i32
        %sign3A_1061 = arith.extui %sign3A_1060 : i1 to i32
        %sign3A_1062 = arith.subi %sign3A_1058, %sign3A_1061 : i32
        %sign3A_1063 = arith.constant 0 : i32
        %sign3A_1064 = arith.cmpi sgt, %jit3A_1054, %sign3A_1063 : i32
        %sign3A_1065 = arith.extui %sign3A_1064 : i1 to i32
        %sign3A_1066 = arith.constant 0 : i32
        %sign3A_1067 = arith.cmpi slt, %jit3A_1054, %sign3A_1066 : i32
        %sign3A_1068 = arith.extui %sign3A_1067 : i1 to i32
        %sign3A_1069 = arith.subi %sign3A_1065, %sign3A_1068 : i32
        %ne3A_1070 = arith.cmpi ne, %sign3A_1062, %sign3A_1069 : i32
        %rem3A_1071 = arith.remsi %get3A_1053, %jit3A_1054 : i32
        %ne3A_1072 = arith.constant 0 : i32
        %ne3A_1073 = arith.cmpi ne, %rem3A_1071, %ne3A_1072 : i32
        %and3A_1074 = arith.andi %ne3A_1070, %ne3A_1073 : i1
        %sub3A_1075 = arith.constant 1 : i32
        %sub3A_1076 = arith.subi %div3A_1055, %sub3A_1075 : i32
        %select_n3A_1077 = arith.select %and3A_1074, %sub3A_1076, %div3A_1055 : i32
        %mul3A_1078 = arith.constant 128 : i32
        %mul3A_1079 = arith.muli %select_n3A_1077, %mul3A_1078 : i32
        %multiple_of3A_1080 = tpu.assume_multiple %mul3A_1079, 128 : i32
        %dma_start3A_1081 = arith.constant 0 : i32
        %dma_start3A_1082 = arith.constant 0 : i32
        %dma_start3A_1083 = tpu.memref_slice %arg14[%dma_start3A_1081, %dma_start3A_1082] : memref<32x128xf32, #tpu.memory_space<vmem>> -> memref<8x128xf32, #tpu.memory_space<vmem>>
        %dma_start3A_1084 = arith.constant 0 : i32
        %dma_start3A_1085 = tpu.memref_slice %arg2[%dma_start3A_1084, %multiple_of3A_1080] : memref<32x1000000xf32, #tpu.memory_space<hbm>> -> memref<8x128xf32, #tpu.memory_space<hbm>>
        %dma_start3A_1086 = arith.constant 0 : i32
        %dma_start3A_1087 = arith.constant 0 : i32
        %dma_start3A_1088 = tpu.memref_slice %arg14[%dma_start3A_1086, %dma_start3A_1087] : memref<32x128xf32, #tpu.memory_space<vmem>> -> memref<8x128xf32, #tpu.memory_space<vmem>>
        %dma_start3A_1089 = arith.constant 0 : i32
        %dma_start3A_1090 = tpu.memref_slice %arg2[%dma_start3A_1089, %multiple_of3A_1080] : memref<32x1000000xf32, #tpu.memory_space<hbm>> -> memref<8x128xf32, #tpu.memory_space<hbm>>
        tpu.enqueue_dma source(%dma_start3A_1090 : memref<8x128xf32, #tpu.memory_space<hbm>>) target(%dma_start3A_1088 : memref<8x128xf32, #tpu.memory_space<vmem>>) target_semaphore(%arg22 : memref<!tpu.dma_semaphore, #tpu.memory_space<semaphore_mem>>)
        %dma_start3A_1091 = arith.constant 8 : i32
        %dma_start3A_1092 = arith.constant 0 : i32
        %dma_start3A_1093 = tpu.memref_slice %arg14[%dma_start3A_1091, %dma_start3A_1092] : memref<32x128xf32, #tpu.memory_space<vmem>> -> memref<8x128xf32, #tpu.memory_space<vmem>>
        %dma_start3A_1094 = arith.constant 8 : i32
        %dma_start3A_1095 = tpu.memref_slice %arg2[%dma_start3A_1094, %multiple_of3A_1080] : memref<32x1000000xf32, #tpu.memory_space<hbm>> -> memref<8x128xf32, #tpu.memory_space<hbm>>
        %dma_start3A_1096 = arith.constant 8 : i32
        %dma_start3A_1097 = arith.constant 0 : i32
        %dma_start3A_1098 = tpu.memref_slice %arg14[%dma_start3A_1096, %dma_start3A_1097] : memref<32x128xf32, #tpu.memory_space<vmem>> -> memref<8x128xf32, #tpu.memory_space<vmem>>
        %dma_start3A_1099 = arith.constant 8 : i32
        %dma_start3A_1100 = tpu.memref_slice %arg2[%dma_start3A_1099, %multiple_of3A_1080] : memref<32x1000000xf32, #tpu.memory_space<hbm>> -> memref<8x128xf32, #tpu.memory_space<hbm>>
        tpu.enqueue_dma source(%dma_start3A_1100 : memref<8x128xf32, #tpu.memory_space<hbm>>) target(%dma_start3A_1098 : memref<8x128xf32, #tpu.memory_space<vmem>>) target_semaphore(%arg22 : memref<!tpu.dma_semaphore, #tpu.memory_space<semaphore_mem>>)
        %dma_start3A_1101 = arith.constant 16 : i32
        %dma_start3A_1102 = arith.constant 0 : i32
        %dma_start3A_1103 = tpu.memref_slice %arg14[%dma_start3A_1101, %dma_start3A_1102] : memref<32x128xf32, #tpu.memory_space<vmem>> -> memref<8x128xf32, #tpu.memory_space<vmem>>
        %dma_start3A_1104 = arith.constant 16 : i32
        %dma_start3A_1105 = tpu.memref_slice %arg2[%dma_start3A_1104, %multiple_of3A_1080] : memref<32x1000000xf32, #tpu.memory_space<hbm>> -> memref<8x128xf32, #tpu.memory_space<hbm>>
        %dma_start3A_1106 = arith.constant 16 : i32
        %dma_start3A_1107 = arith.constant 0 : i32
        %dma_start3A_1108 = tpu.memref_slice %arg14[%dma_start3A_1106, %dma_start3A_1107] : memref<32x128xf32, #tpu.memory_space<vmem>> -> memref<8x128xf32, #tpu.memory_space<vmem>>
        %dma_start3A_1109 = arith.constant 16 : i32
        %dma_start3A_1110 = tpu.memref_slice %arg2[%dma_start3A_1109, %multiple_of3A_1080] : memref<32x1000000xf32, #tpu.memory_space<hbm>> -> memref<8x128xf32, #tpu.memory_space<hbm>>
        tpu.enqueue_dma source(%dma_start3A_1110 : memref<8x128xf32, #tpu.memory_space<hbm>>) target(%dma_start3A_1108 : memref<8x128xf32, #tpu.memory_space<vmem>>) target_semaphore(%arg22 : memref<!tpu.dma_semaphore, #tpu.memory_space<semaphore_mem>>)
        %dma_start3A_1111 = arith.constant 24 : i32
        %dma_start3A_1112 = arith.constant 0 : i32
        %dma_start3A_1113 = tpu.memref_slice %arg14[%dma_start3A_1111, %dma_start3A_1112] : memref<32x128xf32, #tpu.memory_space<vmem>> -> memref<8x128xf32, #tpu.memory_space<vmem>>
        %dma_start3A_1114 = arith.constant 24 : i32
        %dma_start3A_1115 = tpu.memref_slice %arg2[%dma_start3A_1114, %multiple_of3A_1080] : memref<32x1000000xf32, #tpu.memory_space<hbm>> -> memref<8x128xf32, #tpu.memory_space<hbm>>
        %dma_start3A_1116 = arith.constant 24 : i32
        %dma_start3A_1117 = arith.constant 0 : i32
        %dma_start3A_1118 = tpu.memref_slice %arg14[%dma_start3A_1116, %dma_start3A_1117] : memref<32x128xf32, #tpu.memory_space<vmem>> -> memref<8x128xf32, #tpu.memory_space<vmem>>
        %dma_start3A_1119 = arith.constant 24 : i32
        %dma_start3A_1120 = tpu.memref_slice %arg2[%dma_start3A_1119, %multiple_of3A_1080] : memref<32x1000000xf32, #tpu.memory_space<hbm>> -> memref<8x128xf32, #tpu.memory_space<hbm>>
        tpu.enqueue_dma source(%dma_start3A_1120 : memref<8x128xf32, #tpu.memory_space<hbm>>) target(%dma_start3A_1118 : memref<8x128xf32, #tpu.memory_space<vmem>>) target_semaphore(%arg22 : memref<!tpu.dma_semaphore, #tpu.memory_space<semaphore_mem>>)
      } else {
      }
      %add3A_988 = arith.constant 7 : i32
      %add3A_989 = arith.addi %add3A_560, %add3A_988 : i32
      %dma_wait3A_990 = arith.constant 0 : i32
      %dma_wait3A_991 = arith.constant 0 : i32
      %dma_wait3A_992 = tpu.memref_slice %arg2[%dma_wait3A_990, %dma_wait3A_991] : memref<32x1000000xf32, #tpu.memory_space<hbm>> -> memref<32x128xf32, #tpu.memory_space<hbm>>
      %dma_wait3A_993 = arith.constant 0 : i32
      %dma_wait3A_994 = arith.constant 0 : i32
      %dma_wait3A_995 = tpu.memref_slice %arg2[%dma_wait3A_993, %dma_wait3A_994] : memref<32x1000000xf32, #tpu.memory_space<hbm>> -> memref<32x128xf32, #tpu.memory_space<hbm>>
      tpu.wait_dma2 semaphore(%arg23 : memref<!tpu.dma_semaphore, #tpu.memory_space<semaphore_mem>>) src(%dma_wait3A_995 : memref<32x128xf32, #tpu.memory_space<hbm>>) dst(%arg15 : memref<32x128xf32, #tpu.memory_space<vmem>>)
      %get3A_996 = arith.index_cast %add3A_989 : i32 to index
      %get3A_997 = memref.load %arg6[%get3A_996] : memref<512xi32, #tpu.memory_space<smem>>
      %jit3A_998 = arith.constant 128 : i32
      %div3A_999 = arith.divsi %get3A_997, %jit3A_998 : i32
      %sign3A_1000 = arith.constant 0 : i32
      %sign3A_1001 = arith.cmpi sgt, %get3A_997, %sign3A_1000 : i32
      %sign3A_1002 = arith.extui %sign3A_1001 : i1 to i32
      %sign3A_1003 = arith.constant 0 : i32
      %sign3A_1004 = arith.cmpi slt, %get3A_997, %sign3A_1003 : i32
      %sign3A_1005 = arith.extui %sign3A_1004 : i1 to i32
      %sign3A_1006 = arith.subi %sign3A_1002, %sign3A_1005 : i32
      %sign3A_1007 = arith.constant 0 : i32
      %sign3A_1008 = arith.cmpi sgt, %jit3A_998, %sign3A_1007 : i32
      %sign3A_1009 = arith.extui %sign3A_1008 : i1 to i32
      %sign3A_1010 = arith.constant 0 : i32
      %sign3A_1011 = arith.cmpi slt, %jit3A_998, %sign3A_1010 : i32
      %sign3A_1012 = arith.extui %sign3A_1011 : i1 to i32
      %sign3A_1013 = arith.subi %sign3A_1009, %sign3A_1012 : i32
      %ne3A_1014 = arith.cmpi ne, %sign3A_1006, %sign3A_1013 : i32
      %rem3A_1015 = arith.remsi %get3A_997, %jit3A_998 : i32
      %ne3A_1016 = arith.constant 0 : i32
      %ne3A_1017 = arith.cmpi ne, %rem3A_1015, %ne3A_1016 : i32
      %and3A_1018 = arith.andi %ne3A_1014, %ne3A_1017 : i1
      %sub3A_1019 = arith.constant 1 : i32
      %sub3A_1020 = arith.subi %div3A_999, %sub3A_1019 : i32
      %select_n3A_1021 = arith.select %and3A_1018, %sub3A_1020, %div3A_999 : i32
      %mul3A_1022 = arith.constant 128 : i32
      %mul3A_1023 = arith.muli %select_n3A_1021, %mul3A_1022 : i32
      %sub3A_1024 = arith.subi %get3A_997, %mul3A_1023 : i32
      %broadcast_in_dim3A_1025 = arith.constant 0 : i32
      %broadcast_in_dim3A_1026 = vector.broadcast %broadcast_in_dim3A_1025 : i32 to vector<16xi32>
      %add3A_1027 = vector.broadcast %sub3A_1024 : i32 to vector<16xi32>
      %add3A_1028 = arith.addi %broadcast_in_dim3A_1026, %add3A_1027 : vector<16xi32>
      %broadcast_in_dim3A_1029 = arith.constant 0 : i32
      %broadcast_in_dim3A_1030 = vector.broadcast %broadcast_in_dim3A_1029 : i32 to vector<16xi32>
      %add3A_1031 = vector.broadcast %add3A_989 : i32 to vector<16xi32>
      %add3A_1032 = arith.addi %broadcast_in_dim3A_1030, %add3A_1031 : vector<16xi32>
      %iota3A_1033 = tpu.iota {dimensions = array<i32: 0>} : vector<16xi32>
      %add3A_1034 = arith.constant 0 : i32
      %add3A_1035 = vector.broadcast %add3A_1034 : i32 to vector<16xi32>
      %add3A_1036 = arith.addi %iota3A_1033, %add3A_1035 : vector<16xi32>
      %gather3A_1037 = tpu.vector_load_idx %arg15[%add3A_1036, %add3A_1028] : memref<32x128xf32, #tpu.memory_space<vmem>>[vector<16xi32>, vector<16xi32>], vector<16xf32>,
      tpu.vector_store_idx %arg7[%add3A_1036, %add3A_1032], %gather3A_1037 : memref<32x512xf32, #tpu.memory_space<vmem>>[vector<16xi32>, vector<16xi32>], vector<16xf32>,
      %iota3A_1038 = tpu.iota {dimensions = array<i32: 0>} : vector<16xi32>
      %add3A_1039 = arith.constant 16 : i32
      %add3A_1040 = vector.broadcast %add3A_1039 : i32 to vector<16xi32>
      %add3A_1041 = arith.addi %iota3A_1038, %add3A_1040 : vector<16xi32>
      %gather3A_1042 = tpu.vector_load_idx %arg15[%add3A_1041, %add3A_1028] : memref<32x128xf32, #tpu.memory_space<vmem>>[vector<16xi32>, vector<16xi32>], vector<16xf32>,
      tpu.vector_store_idx %arg7[%add3A_1041, %add3A_1032], %gather3A_1042 : memref<32x512xf32, #tpu.memory_space<vmem>>[vector<16xi32>, vector<16xi32>], vector<16xf32>,
      %add3A_1043 = arith.constant 8 : i32
      %add3A_1044 = arith.addi %add3A_989, %add3A_1043 : i32
      %lt3A_1045 = arith.constant 512 : i32
      %lt3A_1046 = arith.cmpi slt, %add3A_1044, %lt3A_1045 : i32
      %convert_element_type3A_1047 = arith.extui %lt3A_1046 : i1 to i32
      %cond3A_1048 = arith.constant 0 : i32
      %cond3A_1049 = arith.cmpi ne, %convert_element_type3A_1047, %cond3A_1048 : i32
      scf.if %cond3A_1049 {
        %add3A_1050 = arith.constant 8 : i32
        %add3A_1051 = arith.addi %add3A_989, %add3A_1050 : i32
        %get3A_1052 = arith.index_cast %add3A_1051 : i32 to index
        %get3A_1053 = memref.load %arg6[%get3A_1052] : memref<512xi32, #tpu.memory_space<smem>>
        %jit3A_1054 = arith.constant 128 : i32
        %div3A_1055 = arith.divsi %get3A_1053, %jit3A_1054 : i32
        %sign3A_1056 = arith.constant 0 : i32
        %sign3A_1057 = arith.cmpi sgt, %get3A_1053, %sign3A_1056 : i32
        %sign3A_1058 = arith.extui %sign3A_1057 : i1 to i32
        %sign3A_1059 = arith.constant 0 : i32
        %sign3A_1060 = arith.cmpi slt, %get3A_1053, %sign3A_1059 : i32
        %sign3A_1061 = arith.extui %sign3A_1060 : i1 to i32
        %sign3A_1062 = arith.subi %sign3A_1058, %sign3A_1061 : i32
        %sign3A_1063 = arith.constant 0 : i32
        %sign3A_1064 = arith.cmpi sgt, %jit3A_1054, %sign3A_1063 : i32
        %sign3A_1065 = arith.extui %sign3A_1064 : i1 to i32
        %sign3A_1066 = arith.constant 0 : i32
        %sign3A_1067 = arith.cmpi slt, %jit3A_1054, %sign3A_1066 : i32
        %sign3A_1068 = arith.extui %sign3A_1067 : i1 to i32
        %sign3A_1069 = arith.subi %sign3A_1065, %sign3A_1068 : i32
        %ne3A_1070 = arith.cmpi ne, %sign3A_1062, %sign3A_1069 : i32
        %rem3A_1071 = arith.remsi %get3A_1053, %jit3A_1054 : i32
        %ne3A_1072 = arith.constant 0 : i32
        %ne3A_1073 = arith.cmpi ne, %rem3A_1071, %ne3A_1072 : i32
        %and3A_1074 = arith.andi %ne3A_1070, %ne3A_1073 : i1
        %sub3A_1075 = arith.constant 1 : i32
        %sub3A_1076 = arith.subi %div3A_1055, %sub3A_1075 : i32
        %select_n3A_1077 = arith.select %and3A_1074, %sub3A_1076, %div3A_1055 : i32
        %mul3A_1078 = arith.constant 128 : i32
        %mul3A_1079 = arith.muli %select_n3A_1077, %mul3A_1078 : i32
        %multiple_of3A_1080 = tpu.assume_multiple %mul3A_1079, 128 : i32
        %dma_start3A_1081 = arith.constant 0 : i32
        %dma_start3A_1082 = arith.constant 0 : i32
        %dma_start3A_1083 = tpu.memref_slice %arg15[%dma_start3A_1081, %dma_start3A_1082] : memref<32x128xf32, #tpu.memory_space<vmem>> -> memref<8x128xf32, #tpu.memory_space<vmem>>
        %dma_start3A_1084 = arith.constant 0 : i32
        %dma_start3A_1085 = tpu.memref_slice %arg2[%dma_start3A_1084, %multiple_of3A_1080] : memref<32x1000000xf32, #tpu.memory_space<hbm>> -> memref<8x128xf32, #tpu.memory_space<hbm>>
        %dma_start3A_1086 = arith.constant 0 : i32
        %dma_start3A_1087 = arith.constant 0 : i32
        %dma_start3A_1088 = tpu.memref_slice %arg15[%dma_start3A_1086, %dma_start3A_1087] : memref<32x128xf32, #tpu.memory_space<vmem>> -> memref<8x128xf32, #tpu.memory_space<vmem>>
        %dma_start3A_1089 = arith.constant 0 : i32
        %dma_start3A_1090 = tpu.memref_slice %arg2[%dma_start3A_1089, %multiple_of3A_1080] : memref<32x1000000xf32, #tpu.memory_space<hbm>> -> memref<8x128xf32, #tpu.memory_space<hbm>>
        tpu.enqueue_dma source(%dma_start3A_1090 : memref<8x128xf32, #tpu.memory_space<hbm>>) target(%dma_start3A_1088 : memref<8x128xf32, #tpu.memory_space<vmem>>) target_semaphore(%arg23 : memref<!tpu.dma_semaphore, #tpu.memory_space<semaphore_mem>>)
        %dma_start3A_1091 = arith.constant 8 : i32
        %dma_start3A_1092 = arith.constant 0 : i32
        %dma_start3A_1093 = tpu.memref_slice %arg15[%dma_start3A_1091, %dma_start3A_1092] : memref<32x128xf32, #tpu.memory_space<vmem>> -> memref<8x128xf32, #tpu.memory_space<vmem>>
        %dma_start3A_1094 = arith.constant 8 : i32
        %dma_start3A_1095 = tpu.memref_slice %arg2[%dma_start3A_1094, %multiple_of3A_1080] : memref<32x1000000xf32, #tpu.memory_space<hbm>> -> memref<8x128xf32, #tpu.memory_space<hbm>>
        %dma_start3A_1096 = arith.constant 8 : i32
        %dma_start3A_1097 = arith.constant 0 : i32
        %dma_start3A_1098 = tpu.memref_slice %arg15[%dma_start3A_1096, %dma_start3A_1097] : memref<32x128xf32, #tpu.memory_space<vmem>> -> memref<8x128xf32, #tpu.memory_space<vmem>>
        %dma_start3A_1099 = arith.constant 8 : i32
        %dma_start3A_1100 = tpu.memref_slice %arg2[%dma_start3A_1099, %multiple_of3A_1080] : memref<32x1000000xf32, #tpu.memory_space<hbm>> -> memref<8x128xf32, #tpu.memory_space<hbm>>
        tpu.enqueue_dma source(%dma_start3A_1100 : memref<8x128xf32, #tpu.memory_space<hbm>>) target(%dma_start3A_1098 : memref<8x128xf32, #tpu.memory_space<vmem>>) target_semaphore(%arg23 : memref<!tpu.dma_semaphore, #tpu.memory_space<semaphore_mem>>)
        %dma_start3A_1101 = arith.constant 16 : i32
        %dma_start3A_1102 = arith.constant 0 : i32
        %dma_start3A_1103 = tpu.memref_slice %arg15[%dma_start3A_1101, %dma_start3A_1102] : memref<32x128xf32, #tpu.memory_space<vmem>> -> memref<8x128xf32, #tpu.memory_space<vmem>>
        %dma_start3A_1104 = arith.constant 16 : i32
        %dma_start3A_1105 = tpu.memref_slice %arg2[%dma_start3A_1104, %multiple_of3A_1080] : memref<32x1000000xf32, #tpu.memory_space<hbm>> -> memref<8x128xf32, #tpu.memory_space<hbm>>
        %dma_start3A_1106 = arith.constant 16 : i32
        %dma_start3A_1107 = arith.constant 0 : i32
        %dma_start3A_1108 = tpu.memref_slice %arg15[%dma_start3A_1106, %dma_start3A_1107] : memref<32x128xf32, #tpu.memory_space<vmem>> -> memref<8x128xf32, #tpu.memory_space<vmem>>
        %dma_start3A_1109 = arith.constant 16 : i32
        %dma_start3A_1110 = tpu.memref_slice %arg2[%dma_start3A_1109, %multiple_of3A_1080] : memref<32x1000000xf32, #tpu.memory_space<hbm>> -> memref<8x128xf32, #tpu.memory_space<hbm>>
        tpu.enqueue_dma source(%dma_start3A_1110 : memref<8x128xf32, #tpu.memory_space<hbm>>) target(%dma_start3A_1108 : memref<8x128xf32, #tpu.memory_space<vmem>>) target_semaphore(%arg23 : memref<!tpu.dma_semaphore, #tpu.memory_space<semaphore_mem>>)
        %dma_start3A_1111 = arith.constant 24 : i32
        %dma_start3A_1112 = arith.constant 0 : i32
        %dma_start3A_1113 = tpu.memref_slice %arg15[%dma_start3A_1111, %dma_start3A_1112] : memref<32x128xf32, #tpu.memory_space<vmem>> -> memref<8x128xf32, #tpu.memory_space<vmem>>
        %dma_start3A_1114 = arith.constant 24 : i32
        %dma_start3A_1115 = tpu.memref_slice %arg2[%dma_start3A_1114, %multiple_of3A_1080] : memref<32x1000000xf32, #tpu.memory_space<hbm>> -> memref<8x128xf32, #tpu.memory_space<hbm>>
        %dma_start3A_1116 = arith.constant 24 : i32
        %dma_start3A_1117 = arith.constant 0 : i32
        %dma_start3A_1118 = tpu.memref_slice %arg15[%dma_start3A_1116, %dma_start3A_1117] : memref<32x128xf32, #tpu.memory_space<vmem>> -> memref<8x128xf32, #tpu.memory_space<vmem>>
        %dma_start3A_1119 = arith.constant 24 : i32
        %dma_start3A_1120 = tpu.memref_slice %arg2[%dma_start3A_1119, %multiple_of3A_1080] : memref<32x1000000xf32, #tpu.memory_space<hbm>> -> memref<8x128xf32, #tpu.memory_space<hbm>>
        tpu.enqueue_dma source(%dma_start3A_1120 : memref<8x128xf32, #tpu.memory_space<hbm>>) target(%dma_start3A_1118 : memref<8x128xf32, #tpu.memory_space<vmem>>) target_semaphore(%arg23 : memref<!tpu.dma_semaphore, #tpu.memory_space<semaphore_mem>>)
      } else {
      }
    }
    %scan3A_555 = arith.constant 64 : i32
    "tpu.region"() ({
      %run_scoped3A = tpu.sem_alloc : memref<!tpu.dma_semaphore, #tpu.memory_space<semaphore_mem>>
      %dma_start3A_556 = arith.constant 0 : i32
      %dma_start3A_557 = tpu.memref_slice %arg4[%dma_start3A_556, %mul3A_2] : memref<32x16384xf32, #tpu.memory_space<hbm>> -> memref<32x512xf32, #tpu.memory_space<hbm>>
      %dma_start3A_558 = arith.constant 0 : i32
      %dma_start3A_559 = tpu.memref_slice %arg4[%dma_start3A_558, %mul3A_2] : memref<32x16384xf32, #tpu.memory_space<hbm>> -> memref<32x512xf32, #tpu.memory_space<hbm>>
      tpu.enqueue_dma source(%arg7 : memref<32x512xf32, #tpu.memory_space<vmem>>) target(%dma_start3A_559 : memref<32x512xf32, #tpu.memory_space<hbm>>) target_semaphore(%run_scoped3A : memref<!tpu.dma_semaphore, #tpu.memory_space<semaphore_mem>>)
      %dma_wait3A = arith.constant 0 : i32
      %dma_wait3A_560 = tpu.memref_slice %arg4[%dma_wait3A, %mul3A_2] : memref<32x16384xf32, #tpu.memory_space<hbm>> -> memref<32x512xf32, #tpu.memory_space<hbm>>
      %dma_wait3A_561 = arith.constant 0 : i32
      %dma_wait3A_562 = tpu.memref_slice %arg4[%dma_wait3A_561, %mul3A_2] : memref<32x16384xf32, #tpu.memory_space<hbm>> -> memref<32x512xf32, #tpu.memory_space<hbm>>
      tpu.wait_dma2 semaphore(%run_scoped3A : memref<!tpu.dma_semaphore, #tpu.memory_space<semaphore_mem>>) src(%arg7 : memref<32x512xf32, #tpu.memory_space<vmem>>) dst(%dma_wait3A_562 : memref<32x512xf32, #tpu.memory_space<hbm>>)
      tpu.yield
    }) : () -> ()
    return
  }
}

</mosaic_0001>

<sc_bundles>
// kernel: kernel.3.cloned.1.call-start
scs
__scs_entry_jumppad:
0x0: {  	(pc) =	sbr.rel $0x88, $3  }
0x1: {  	(tag) =	ssettag $0x0;
	lr =	simm.s32 $0x1  }
0x2: {  	[smem:$0x3F9F] =	sst lr;
	_ =	strace $0xD0000000  }
0x3: {  	_ = 	snop  }
0x4: {  	_ = 	snop  }
0x5: {  	_ = 	snop  }
0x6: {  	_ = 	snop  }
0x7: {  	_ = 	snop  }
__scs_overlays_trampoline_lowered:
0x8: {  	[smem:$0x3FAE] =	sst s0  }
0x9: {  	[smem:$0x3FAF] =	sst s1  }
0xa: {  	[smem:$0x3FB0] =	sst s2  }
0xb: {  	[smem:$0x3FB1] =	sst s3  }
0xc: {  	[smem:$0x3FB2] =	sst s4  }
0xd: {  	[smem:$0x3FB3] =	sst s5  }
0xe: {  	[smem:$0x3FB4] =	sst s6  }
0xf: {  	[smem:$0x3FB5] =	sst s7  }
0x10: {  	[smem:$0x3FB6] =	sst s8  }
0x11: {  	[smem:$0x3FB7] =	sst s9;
	s0 =	simm.s32 @!p0 $0x0  }
0x12: {  	s1 =	sld [smem:$0x3F9D];
	s0 =	simm.s32 @p0 $0x1  }
0x13: {  	[smem:$0x3FB8] =	sst s0;
	s0 =	simm.s32 @!p1 $0x0  }
0x14: {  	s2 =	sld [smem:$0x3F9C];
	s0 =	simm.s32 @p1 $0x1  }
0x15: {  	[smem:$0x3FB9] =	sst s0;
	s0 =	simm.s32 @!p2 $0x0  }
0x16: {  	s3 =	sld [smem:$0x3FDB];
	s0 =	simm.s32 @p2 $0x1  }
0x17: {  	s4 =	simm.s32 $0x1BF5;
	[smem:$0x3FBB] =	sst s0  }
0x18: {  	s0 =	sld [smem:$0x3F9E];
	_ =	swait.ge [sflag:s4], $0x0  }
0x19: {  	s7 =	sld [smem:$0x3F9F]  }
0x1a: {  	s8 =	sadd.s32 $0xFFFFE003, lr  }
0x1b: {  	s9 =	sadd.s32 $0xFFFFFEF7, lr;
	s5 =	simm.s32 $0xFFFFFFFF;
	p2 =	slt.u32 s8, $0xFFFFF086  }
0x1c: {  	p1 =	slt.u32 s9, $0xF7A;
	s5 =	simm.s32 @!p2 $0x0  }
0x1d: {  	s5 =	simm.s32 @p1 $0x1;
	p0 =	seq.s32 s7, s2  }
0x1e: {  	s7 =	smul.u32 @!p0 $0xF7A, s2;
	p2 =	seq.s32 @!p0 s5, $0x0  }
0x1f: {  	s9 =	smul.u32 $0xF7A, s1;
	s8 =	simm.s32 @!p0 $0x1BF5;
	p2 =	por !p2, p0  }
0x20: {  	[sflag:s8] =	ssyncset.s32 @!p0 $0xFFFFF086;
	s6 =	sadd.s32 @!p0 s3, s7;
	s7 =	simm.s32 @!p0 $0x108  }
0x21: {  	s3 =	sadd.s32 s3, s9;
	s6 =	sadd.s32 @!p0 $0x88, s6;
	s7 =	simm.s32 @p2 $0x1082  }
0x22: {  	[simem:s7], [sflag:s8] =	dma.local @!p0 [hbm:s6], $0xF7A  }
0x23: {  	s9 =	sor.u32 $0xD0000000, s2;
	s6 =	simm.s32 $0x108;
	_ =	swait.ge @!p0 [sflag:s8], $0x0  }
0x24: {  	s3 =	sadd.s32 $0x88, s3;
	s6 =	simm.s32 @!p1 $0x1082;
	[sflag:s4] =	ssyncset.s32 $0xFFFFF086  }
0x25: {  	[simem:s6], [sflag:s4] =	dma.local [hbm:s3], $0xF7A  }
0x26: {  	[smem:$0x3F9F] =	sst s1;
	(tag) =	ssettag s2;
	_ =	strace s9  }
0x27: {  	s1 =	sld [smem:$0x3FAF]  }
0x28: {  	s2 =	sld [smem:$0x3FB0]  }
0x29: {  	s4 =	sld [smem:$0x3FB2]  }
0x2a: {  	p0 =	seq.s32 s5, $0x0;
	s5 =	sld [smem:$0x3FB3]  }
0x2b: {  	s6 =	sld [smem:$0x3FB4]  }
0x2c: {  	s7 =	sld [smem:$0x3FB5]  }
0x2d: {  	s3 =	simm.s32 $0x108;
	s8 =	sld [smem:$0x3FB6]  }
0x2e: {  	s3 =	simm.s32 @!p0 $0x1082;
	s9 =	sld [smem:$0x3FB7]  }
0x2f: {  	lr =	sadd.s32 s0, s3;
	s0 =	sld [smem:$0x3FAE]  }
0x30: {  	s3 =	sld [smem:$0x3FB1]  }
0x31: {  	[smem:$0x3FBA] =	sst s10  }
0x32: {  	s10 =	sld [smem:$0x3FB8];
	_ =	sdelay $0x3  }
0x33: {  	p0 =	seq.s32 s10, $0x1;
	s10 =	sld [smem:$0x3FBA];
	_ =	sdelay $0x3  }
0x34: {  	[smem:$0x3FBA] =	sst s10  }
0x35: {  	s10 =	sld [smem:$0x3FB9];
	_ =	sdelay $0x3  }
0x36: {  	p1 =	seq.s32 s10, $0x1;
	s10 =	sld [smem:$0x3FBA];
	_ =	sdelay $0x3  }
0x37: {  	[smem:$0x3FBA] =	sst s10  }
0x38: {  	s10 =	sld [smem:$0x3FBB]  }
0x39: {  	_ = 	snop;
	(pc) =	sbr.ind lr, $3  }
0x3a: {  	_ = 	snop  }
0x3b: {  	_ = 	snop  }
0x3c: {  	p2 =	seq.s32 s10, $0x1;
	s10 =	sld [smem:$0x3FBA]  }
0x3d: {  	_ =	shalt  }
0x3e: {  	_ =	shalt  }
0x3f: {  	_ =	shalt  }
0x40: {  	_ =	shalt  }
0x41: {  	_ =	shalt  }
0x42: {  	_ =	shalt  }
0x43: {  	_ =	shalt  }
0x44: {  	_ =	shalt  }
0x45: {  	_ =	shalt  }
0x46: {  	_ =	shalt  }
0x47: {  	_ =	shalt  }
0x48: {  	_ =	shalt  }
0x49: {  	_ =	shalt  }
0x4a: {  	_ =	shalt  }
0x4b: {  	_ =	shalt  }
0x4c: {  	_ =	shalt  }
0x4d: {  	_ =	shalt  }
0x4e: {  	_ =	shalt  }
0x4f: {  	_ =	shalt  }
0x50: {  	_ =	shalt  }
0x51: {  	_ =	shalt  }
0x52: {  	_ =	shalt  }
0x53: {  	_ =	shalt  }
0x54: {  	_ =	shalt  }
0x55: {  	_ =	shalt  }
0x56: {  	_ =	shalt  }
0x57: {  	_ =	shalt  }
0x58: {  	_ =	shalt  }
0x59: {  	_ =	shalt  }
0x5a: {  	_ =	shalt  }
0x5b: {  	_ =	shalt  }
0x5c: {  	_ =	shalt  }
0x5d: {  	_ =	shalt  }
0x5e: {  	_ =	shalt  }
0x5f: {  	_ =	shalt  }
0x60: {  	_ =	shalt  }
0x61: {  	_ =	shalt  }
0x62: {  	_ =	shalt  }
0x63: {  	_ =	shalt  }
0x64: {  	_ =	shalt  }
0x65: {  	_ =	shalt  }
0x66: {  	_ =	shalt  }
0x67: {  	_ =	shalt  }
0x68: {  	_ =	shalt  }
0x69: {  	_ =	shalt  }
0x6a: {  	_ =	shalt  }
0x6b: {  	_ =	shalt  }
0x6c: {  	_ =	shalt  }
0x6d: {  	_ =	shalt  }
0x6e: {  	_ =	shalt  }
0x6f: {  	_ =	shalt  }
0x70: {  	_ =	shalt  }
0x71: {  	_ =	shalt  }
0x72: {  	_ =	shalt  }
0x73: {  	_ =	shalt  }
0x74: {  	_ =	shalt  }
0x75: {  	_ =	shalt  }
0x76: {  	_ =	shalt  }
0x77: {  	_ =	shalt  }
0x78: {  	_ =	shalt  }
0x79: {  	_ =	shalt  }
0x7a: {  	_ =	shalt  }
0x7b: {  	_ =	shalt  }
0x7c: {  	_ =	shalt  }
0x7d: {  	_ =	shalt  }
0x7e: {  	_ =	shalt  }
0x7f: {  	_ =	shalt  }
0x80: {  	_ =	shalt  }
0x81: {  	_ =	shalt  }
0x82: {  	_ =	shalt  }
0x83: {  	_ =	shalt  }
0x84: {  	_ =	shalt  }
0x85: {  	_ =	shalt  }
0x86: {  	_ =	shalt  }
0x87: {  	_ =	shalt  }
.Lfunc_end0:
.L_simem_size_0:
called_computation_lowered:
.L_overlay_start_0:
0x88: {  	s2 =	sld [smem:$0x3FD9]  }
0x89: {  	s3 =	sld [smem:$0x3FFE];
	_ =	sdelay $0x1  }
0x8a: {  	s1 =	srdreg.scid  }
0x8b: {  	s0 =	sand.u32 $0x1, s1  }
0x8c: {  	s18 =	sshll.u32 s0, $0xA;
	s2 =	sadd.s32 s3, s2  }
0x8d: {  	s2 =	sadd.s32 s2, s18  }
0x8e: {  	[smem:$0x3FC6] =	sst s2  }
0x8f: {  	_ = 	snop  }
0x90: {  	s2 =	sld [smem:$0x3FC9]  }
0x91: {  	s19 =	sld [smem:$0x3FC8]  }
0x92: {  	s4 =	sld [smem:$0x3FD0];
	(tm) =	ssettm $0x1  }
0x93: {  	s5 =	sld [smem:$0x3FFB];
	_ =	sdelay $0x3  }
0x94: {  	_ =	strace s5  }
0x95: {  	s5 =	sld [smem:$0x3FFC];
	_ =	sdelay $0x3  }
0x96: {  	_ =	strace s5  }
0x97: {  	s5 =	sld [smem:$0x3FFD];
	_ =	sdelay $0x3  }
0x98: {  	_ =	strace s5  }
0x99: {  	_ =	strace $0x8FFFFFFF  }
0x9a: {  	s20 =	sld [smem:$0x3FDB];
	_ =	sdelay $0x1  }
0x9b: {  	s6 =	simm.s32 $_scs_section_size  }
0x9c: {  	s7 =	simm.s32 $_size__tile_overlayer_lowered;
	s8 =	simm.s32 $_tile_overlayer_lowered  }
0x9d: {  	s23 =	simm.s32 $0x1BFF;
	s22 =	sshll.u32 s8, $0x1;
	s5 =	sadd.s32 s6, s20  }
0x9e: {  	s9 =	simm.s32 $0x0;
	s21 =	sshll.u32 s7, $0x1;
	s7 =	sadd.s32 s22, s5  }
0x9f: {  	[timem:s9], [sflag:s23] =	dma.local [hbm:s7], s21  }
0xa0: {  	_ =	swait.ge [sflag:s23], s21  }
0xa1: {  	s6 =	ssub.s32 $0x0, s21;
	[sflag:s23] =	ssyncset.done $0x0  }
0xa2: {  	[sflag:s23] =	ssyncadd.s32 s6;
	_ =	sdelay $0x1  }
0xa3: {  	s24 =	simm.s32 $0x1B8B  }
0xa4: {  	_ =	swait.ge [sflag:s24], $0x1  }
0xa5: {  	[sflag:s24] =	ssyncset.done $0x0  }
0xa6: {  	s25 =	simm.s32 $0x1B8E;
	[sflag:s24] =	ssyncadd.s32 $0xFFFFFFFF  }
0xa7: {  	s26 =	simm.s32 $execute0_lowered;
	[smem:$0x3FD2] =	sst s25  }
0xa8: {  	s6 =	sshll.u32 s26, $0x1;
	_ =	strace $0x80000046;
	[dreg:$0x1] =	wrdreg $0xFFFFFFFF  }
0xa9: {  	s28 =	simm.s32 $_size_execute0_lowered;
	s5 =	sadd.s32 s5, s6;
	[dreg:$0x0] =	wrdreg $0x0  }
0xaa: {  	s6 =	sshll.u32 s28, $0x1;
	[dreg:$0x2] =	wrdreg s5  }
0xab: {  	[dreg:$0x3] =	wrdreg s6  }
0xac: {  	[dreg:$0x4] =	wrdreg $0xC0  }
0xad: {  	_ =	task [dreg:s9], $0x5FFFF  }
0xae: {  	[dreg:$0x1] =	wrdreg $0xFFFFFFFF  }
0xaf: {  	[dreg:$0x0] =	wrdreg $0x60  }
0xb0: {  	[dreg:$0x2] =	wrdreg s2  }
0xb1: {  	[dreg:$0x3] =	wrdreg s19  }
0xb2: {  	[dreg:$0x4] =	wrdreg s4  }
0xb3: {  	[dreg:$0x5] =	wrdreg $0x0  }
0xb4: {  	[dreg:$0x6] =	wrdreg $0x9  }
0xb5: {  	_ =	task.clear_ibuf [dreg:s9], $0x7FFFF;
	_ =	strace $0x90000046  }
0xb6: {  	s29 =	simm.s32 $0x9;
	_ =	strace $0x80000048  }
0xb7: {  	_ =	swait.ge [sflag:s29], $0x1  }
0xb8: {  	[sflag:s29] =	ssyncadd.s32 $0xFFFFFFFF  }
0xb9: {  	_ =	strace $0x90000048  }
0xba: {  	_ =	sfence  }
0xbb: {  	s30 =	sld [smem:$0x0];
	_ =	sdelay $0x2  }
0xbc: {  	s31 =	sshll.u32 s1, $0xD;
	s1 =	sshrl.u32 s1, $0x2  }
0xbd: {  	s3 =	sand.u32 $0x4000, s31;
	s1 =	sadd.s32 s1, s30  }
0xbe: {  	s0 =	sor.u32 s3, s0;
	s1 =	sshll.u32 s1, $0x11  }
0xbf: {  	s0 =	sor.u32 s1, s0  }
0xc0: {  	s0 =	sadd.s32 $0x8F2B, s0  }
0xc1: {  	[sflag:s0] =	ssyncadd.remote.s32 $0x1  }
0xc2: {  	_ =	sfence.sel $0xFFFF  }
0xc3: {  	[dreg:$0x0] =	wrdreg $0xFFFFFFFF;
	(pc) =	sbr.abs _section_cstart, $3  }
0xc4: {  	[dreg:$0x1] =	wrdreg $0xFFFFFFFF  }
0xc5: {  	_ =	task.clear_ibuf [dreg:s9], $0x2FFFF;
	_ =	strace $0x9FFFFFFF  }
0xc6: {  	(tm) =	ssettm $0x7FFFFFFF  }
0xc7: {  	_ =	shalt  }
tec
execute0_lowered:
.L_overlay_start_1:
0x0: {  	(tag) =	ssettag $0x1  }
0x1: {  	s1 =	rddreg [dreg:$0x0]  }
0x2: {  	s0 =	rddreg [dreg:$0x1]  }
0x3: {  	s2 =	rddreg [dreg:$0x2]  }
0x4: {  	s4 =	rddreg [dreg:$0x3];
	v1 =	vimm.s32 $0x1380;
	vm0 =	vcmask $0x300  }
0x5: {  	s3 =	simm.s32 $0x0;
	s5 =	srdreg.scid;
	s9 =	stileid.u32;
	v2 =	vimm.s32 $0x3380;
	vm1 =	vcmask $0x704;
	vm15 =	vcmask $0xB08  }
0x6: {  	s10 =	simm.s32 $0x9;
	s11 =	simm.s32 $0x1;
	s12 =	simm.s32 $0x4400;
	vm4 =	vcmask $0xF0C;
	v1 =	vsel vm0, $0x0, v1;
	v2 =	vsel vm0, $0x2000, v2  }
0x7: {  	s16 =	simm.s32 $0x5400;
	s20 =	simm.s32 $0x6400;
	vm5 =	vcmask $0x1310;
	s29 =	simm.s32 $0x8400;
	v1 =	vsel vm1, $0x80, v1;
	v2 =	vsel vm1, $0x2080, v2  }
0x8: {  	vm6 =	vcmask $0x1714;
	s17 =	simm.s32 $0xA400;
	s28 =	simm.s32 $0x400;
	s30 =	simm.s32 $0x2;
	v1 =	vsel vm15, $0x100, v1;
	v2 =	vsel vm15, $0x2100, v2  }
0x9: {  	vm7 =	vcmask $0x1B18;
	s31 =	simm.s32 $0x3;
	s13 =	simm.s32 $0x5;
	s14 =	simm.s32 $0x6;
	v1 =	vsel vm4, $0x180, v1;
	v2 =	vsel vm4, $0x2180, v2  }
0xa: {  	vm8 =	vcmask $0x1F1C;
	s15 =	simm.s32 $0x7;
	s18 =	simm.s32 $0x8;
	s19 =	simm.s32 $0x0;
	v1 =	vsel vm5, $0x200, v1;
	v2 =	vsel vm5, $0x2200, v2  }
0xb: {  	vm9 =	vcmask $0x2320;
	[smem:$0x7FF] =	sst s3;
	s5 =	sand.u32 $0x1, s5;
	s7 =	sshll.u32 s9, $0xA;
	v1 =	vsel vm6, $0x280, v1;
	v2 =	vsel vm6, $0x2280, v2  }
0xc: {  	vm10 =	vcmask $0x2724;
	s22 =	sshll.u32 s9, $0x6;
	s6 =	ssub.s32 $0x2, s5;
	s5 =	sshll.u32 s5, $0x9;
	v1 =	vsel vm7, $0x300, v1;
	v2 =	vsel vm7, $0x2300, v2  }
0xd: {  	v0 =	vlaneseq.u32;
	_ =	strace $0x80000047;
	s23 =	sor.u32 $0x1C09, s22;
	s22 =	simm.s32 $0xB400;
	v1 =	vsel vm8, $0x380, v1;
	v2 =	vsel vm8, $0x2380, v2  }
0xe: {  	vm11 =	vcmask $0x2B28;
	s8 =	sshrl.u32 s6, $0x1;
	s5 =	sor.u32 s5, s7;
	[dreg:$0x6] =	wrdreg s23;
	v1 =	vsel vm9, $0x1000, v1;
	v2 =	vsel vm9, $0x3000, v2  }
0xf: {  	vm12 =	vcmask $0x2F2C;
	s6 =	ssub.s32 s6, s8;
	s7 =	sshrl.u32 s5, $0x3;
	s24 =	sadd.s32 s2, s5;
	v1 =	vsel vm10, $0x1080, v1;
	v2 =	vsel vm10, $0x3080, v2  }
.Ltmp0:
0x10: {  	vm13 =	vcmask $0x3330;
	s0 =	sadd.s32 s0, s7;
	[dreg:$0x7] =	wrdreg s24;
	v1 =	vsel vm11, $0x1100, v1;
	v2 =	vsel vm11, $0x3100, v2;
	(pc) =	sbr.rel .LBB2_1-.Ltmp0, $4  }
0x11: {  	vm14 =	vcmask $0x3734;
	s4 =	sadd.s32 s5, s4;
	s25 =	smax.u32 s6, $0x1;
	[dreg:$0x5] =	wrdreg s0;
	v1 =	vsel vm12, $0x1180, v1;
	v2 =	vsel vm12, $0x3180, v2  }
0x12: {  	v0 =	vmul.u32 $0x80, v0;
	s23 =	simm.s32 $0xB800;
	s26 =	sshrl.u32 s4, $0x3;
	[dreg:$0x8] =	wrdreg s25;
	v1 =	vsel vm13, $0x1200, v1;
	v2 =	vsel vm13, $0x3200, v2  }
0x13: {  	vm15 =	vcmask $0x3B38;
	s2 =	simm.s32 $0x9400;
	s24 =	simm.s32 $0x7400;
	[dreg:$0x9] =	wrdreg s26;
	v1 =	vsel vm14, $0x1280, v1;
	v3 =	vsel vm14, $0x3280, v2  }
0x14: {  	s25 =	simm.s32 $0xBC00;
	s26 =	simm.s32 $0xC000;
	s0 =	simm.s32 $0x4;
	v2 =	vor.u32 $0x800, v0;
	v1 =	vsel vm15, $0x1300, v1;
	v3 =	vsel vm15, $0x3300, v3  }
.LBB2_4:
0x15: {  	s5 =	rddreg [dreg:$0x7];
	s6 =	simm.s32 $0x1000;
	s7 =	simm.s32 $0x20000  }
0x16: {  	[hbm4b:s5+s6] =	stream.strided.scatter [tilespmem:s28], [sflag:$0x9], $0x4000, s7, s6, $0x38;
	[tilespmem:$0xC400] =	vst v63  }
0x17: {  	_ =	swait.ge [sflag:s10], $0x4000  }
0x18: {  	s19 =	sadd.s32 $0x1, s19;
	s21 =	rddreg [dreg:$0x8]  }
0x19: {  	p0 =	sne.s32 s19, s21  }
.Ltmp1:
0x1a: {  	_ = 	snop;
	(pc) =	sbr.rel @!p0 .LBB2_5-.Ltmp1, $3  }
0x1b: {  	_ =	sdelay $0x1  }
0x1c: {  	[sflag:s10] =	ssyncset.done $0x0  }
0x1d: {  	[sflag:s10] =	ssyncadd.s32 $0xFFFFC000  }
.LBB2_1:
0x1e: {  	s5 =	rddreg [dreg:$0x5]  }
0x1f: {  	s6 =	rddreg [dreg:$0x6]  }
0x20: {  	s7 =	rddreg [dreg:$0x9]  }
0x21: {  	[spmem:s7], [sflag:s6] =	dma.local [hbm:s5], $0x40  }
0x22: {  	_ =	swait.ge [sflag:s10], $0x40  }
0x23: {  	[sflag:s10] =	ssyncset.done $0x0  }
0x24: {  	[sflag:s10] =	ssyncadd.s32 $0xFFFFFFC0  }
0x25: {  	[smem:s3], [sflag:$0x9] =	stream.linear.gather [spmem:s4], $0x200, $0x38;
	[tilespmem:$0xC400] =	vst v63  }
0x26: {  	_ =	swait.ge [sflag:s10], $0x200  }
0x27: {  	[sflag:s10] =	ssyncset.done $0x0  }
0x28: {  	[sflag:s10] =	ssyncadd.s32 $0xFFFFFE00  }
0x29: {  	s7 =	sld [smem:$0x0];
	_ =	sdelay $0x2  }
0x2a: {  	s8 =	sand.u32 $0x7F, s7  }
0x2b: {  	s9 =	sshra.s32 s7, $0x1F;
	p1 =	slt.s32 s7, $0x1;
	p0 =	sne.s32 s8, $0x0  }
0x2c: {  	s6 =	sshrl.u32 s9, $0x19;
	p0 =	por !p1, !p0  }
0x2d: {  	s5 =	sadd.s32 s6, s7;
	s6 =	simm.s32 $0x1;
	p0 =	por !p0, !p0  }
0x2e: {  	s5 =	sshrl.u32 s5, $0x7;
	s6 =	simm.s32 @!p0 $0x0  }
0x2f: {  	s5 =	ssub.s32 s5, s6  }
0x30: {  	s5 =	sshll.u32 s5, $0xA  }
0x31: {  	s21 =	sshrl.u32 s5, $0x3  }
0x32: {  	s7 =	sadd.s32 $0x7A1400, s5;
	s6 =	sadd.s32 s1, s21  }
0x33: {  	[tilespmem:s12], [sflag:$0x1] =	stream.linear.gather [hbm4b:s6+s3], $0x400, $0x38;
	[tilespmem:$0xC400] =	vst v63  }
0x34: {  	s6 =	sshrl.u32 s7, $0x3  }
0x35: {  	s8 =	simm.s32 $0x4800;
	s9 =	sadd.s32 $0xF42800, s5;
	s6 =	sadd.s32 s1, s6  }
0x36: {  	[tilespmem:s8], [sflag:$0x1] =	stream.linear.gather [hbm4b:s6+s3], $0x400, $0x38;
	[tilespmem:$0xC400] =	vst v63  }
0x37: {  	s5 =	sadd.s32 $0x16E3C00, s5;
	s6 =	sshrl.u32 s9, $0x3;
	s8 =	sld [smem:$0x1]  }
0x38: {  	s21 =	simm.s32 $0x4C00;
	s5 =	sshrl.u32 s5, $0x3;
	s6 =	sadd.s32 s1, s6  }
0x39: {  	[tilespmem:s21], [sflag:$0x1] =	stream.linear.gather [hbm4b:s6+s3], $0x400, $0x38;
	[tilespmem:$0xC400] =	vst v63  }
0x3a: {  	s5 =	sadd.s32 s1, s5;
	s9 =	simm.s32 $0x5000;
	s21 =	sand.u32 $0x7F, s8  }
0x3b: {  	[tilespmem:s9], [sflag:$0x1] =	stream.linear.gather [hbm4b:s5+s3], $0x400, $0x38;
	[tilespmem:$0xC400] =	vst v63  }
0x3c: {  	s7 =	sshra.s32 s8, $0x1F;
	p6 =	slt.s32 s8, $0x1;
	p5 =	sne.s32 s21, $0x0  }
0x3d: {  	s5 =	sshrl.u32 s7, $0x19;
	p0 =	por !p6, !p5  }
0x3e: {  	s6 =	simm.s32 $0x1;
	s5 =	sadd.s32 s5, s8;
	p0 =	por !p0, !p0  }
0x3f: {  	s5 =	sshrl.u32 s5, $0x7;
	s6 =	simm.s32 @!p0 $0x0  }
0x40: {  	s5 =	ssub.s32 s5, s6  }
0x41: {  	s5 =	sshll.u32 s5, $0xA  }
0x42: {  	s8 =	sshrl.u32 s5, $0x3  }
0x43: {  	s9 =	sadd.s32 $0x7A1400, s5;
	s6 =	sadd.s32 s1, s8  }
0x44: {  	[tilespmem:s16], [sflag:$0x2] =	stream.linear.gather [hbm4b:s6+s3], $0x400, $0x38;
	[tilespmem:$0xC400] =	vst v63  }
0x45: {  	s6 =	sshrl.u32 s9, $0x3  }
0x46: {  	s21 =	simm.s32 $0x5800;
	s8 =	sadd.s32 $0xF42800, s5;
	s6 =	sadd.s32 s1, s6  }
0x47: {  	[tilespmem:s21], [sflag:$0x2] =	stream.linear.gather [hbm4b:s6+s3], $0x400, $0x38;
	[tilespmem:$0xC400] =	vst v63  }
0x48: {  	s6 =	sshrl.u32 s8, $0x3  }
0x49: {  	s5 =	sadd.s32 $0x16E3C00, s5;
	s9 =	simm.s32 $0x5C00;
	s6 =	sadd.s32 s1, s6  }
0x4a: {  	[tilespmem:s9], [sflag:$0x2] =	stream.linear.gather [hbm4b:s6+s3], $0x400, $0x38;
	[tilespmem:$0xC400] =	vst v63  }
0x4b: {  	s5 =	sshrl.u32 s5, $0x3;
	s6 =	sld [smem:$0x2]  }
0x4c: {  	s5 =	sadd.s32 s1, s5;
	s21 =	simm.s32 $0x6000  }
0x4d: {  	[tilespmem:s21], [sflag:$0x2] =	stream.linear.gather [hbm4b:s5+s3], $0x400, $0x38;
	[tilespmem:$0xC400] =	vst v63  }
0x4e: {  	s8 =	sand.u32 $0x7F, s6  }
0x4f: {  	s9 =	sshra.s32 s6, $0x1F;
	p2 =	slt.s32 s6, $0x1;
	p1 =	sne.s32 s8, $0x0  }
0x50: {  	s5 =	sshrl.u32 s9, $0x19;
	p0 =	por !p2, !p1  }
0x51: {  	s5 =	sadd.s32 s5, s6;
	s6 =	simm.s32 $0x1;
	p0 =	por !p0, !p0  }
0x52: {  	s5 =	sshrl.u32 s5, $0x7;
	s6 =	simm.s32 @!p0 $0x0  }
0x53: {  	s5 =	ssub.s32 s5, s6  }
0x54: {  	s5 =	sshll.u32 s5, $0xA  }
0x55: {  	s21 =	sshrl.u32 s5, $0x3  }
0x56: {  	s7 =	sadd.s32 $0x7A1400, s5;
	s6 =	sadd.s32 s1, s21  }
0x57: {  	[tilespmem:s20], [sflag:$0x3] =	stream.linear.gather [hbm4b:s6+s3], $0x400, $0x38;
	[tilespmem:$0xC400] =	vst v63  }
0x58: {  	s6 =	sshrl.u32 s7, $0x3  }
0x59: {  	s8 =	simm.s32 $0x6800;
	s9 =	sadd.s32 $0xF42800, s5;
	s6 =	sadd.s32 s1, s6  }
0x5a: {  	[tilespmem:s8], [sflag:$0x3] =	stream.linear.gather [hbm4b:s6+s3], $0x400, $0x38;
	[tilespmem:$0xC400] =	vst v63  }
0x5b: {  	s5 =	sadd.s32 $0x16E3C00, s5;
	s6 =	sshrl.u32 s9, $0x3;
	s8 =	sld [smem:$0x3]  }
0x5c: {  	s21 =	simm.s32 $0x6C00;
	s5 =	sshrl.u32 s5, $0x3;
	s6 =	sadd.s32 s1, s6  }
0x5d: {  	[tilespmem:s21], [sflag:$0x3] =	stream.linear.gather [hbm4b:s6+s3], $0x400, $0x38;
	[tilespmem:$0xC400] =	vst v63  }
0x5e: {  	s5 =	sadd.s32 s1, s5;
	s9 =	simm.s32 $0x7000;
	s21 =	sand.u32 $0x7F, s8  }
0x5f: {  	[tilespmem:s9], [sflag:$0x3] =	stream.linear.gather [hbm4b:s5+s3], $0x400, $0x38;
	[tilespmem:$0xC400] =	vst v63  }
0x60: {  	s7 =	sshra.s32 s8, $0x1F;
	p4 =	slt.s32 s8, $0x1;
	p3 =	sne.s32 s21, $0x0  }
0x61: {  	s5 =	sshrl.u32 s7, $0x19;
	p0 =	por !p4, !p3  }
0x62: {  	s6 =	simm.s32 $0x1;
	s5 =	sadd.s32 s5, s8;
	p0 =	por !p0, !p0  }
0x63: {  	s5 =	sshrl.u32 s5, $0x7;
	s6 =	simm.s32 @!p0 $0x0  }
0x64: {  	s5 =	ssub.s32 s5, s6  }
0x65: {  	s5 =	sshll.u32 s5, $0xA  }
0x66: {  	s8 =	sshrl.u32 s5, $0x3  }
0x67: {  	s9 =	sadd.s32 $0x7A1400, s5;
	s6 =	sadd.s32 s1, s8  }
0x68: {  	[tilespmem:s24], [sflag:$0x4] =	stream.linear.gather [hbm4b:s6+s3], $0x400, $0x38;
	[tilespmem:$0xC400] =	vst v63  }
0x69: {  	s6 =	sshrl.u32 s9, $0x3  }
0x6a: {  	s21 =	simm.s32 $0x7800;
	s8 =	sadd.s32 $0xF42800, s5;
	s6 =	sadd.s32 s1, s6  }
0x6b: {  	[tilespmem:s21], [sflag:$0x4] =	stream.linear.gather [hbm4b:s6+s3], $0x400, $0x38;
	[tilespmem:$0xC400] =	vst v63  }
0x6c: {  	s6 =	sshrl.u32 s8, $0x3  }
0x6d: {  	s5 =	sadd.s32 $0x16E3C00, s5;
	s9 =	simm.s32 $0x7C00;
	s6 =	sadd.s32 s1, s6  }
0x6e: {  	[tilespmem:s9], [sflag:$0x4] =	stream.linear.gather [hbm4b:s6+s3], $0x400, $0x38;
	[tilespmem:$0xC400] =	vst v63  }
0x6f: {  	s5 =	sshrl.u32 s5, $0x3;
	s6 =	sld [smem:$0x4]  }
0x70: {  	s5 =	sadd.s32 s1, s5;
	s21 =	simm.s32 $0x8000  }
0x71: {  	[tilespmem:s21], [sflag:$0x4] =	stream.linear.gather [hbm4b:s5+s3], $0x400, $0x38;
	[tilespmem:$0xC400] =	vst v63  }
0x72: {  	s8 =	sand.u32 $0x7F, s6  }
0x73: {  	s9 =	sshra.s32 s6, $0x1F;
	p6 =	slt.s32 s6, $0x1;
	p5 =	sne.s32 s8, $0x0  }
0x74: {  	s5 =	sshrl.u32 s9, $0x19;
	p0 =	por !p6, !p5  }
0x75: {  	s5 =	sadd.s32 s5, s6;
	s6 =	simm.s32 $0x1;
	p0 =	por !p0, !p0  }
0x76: {  	s5 =	sshrl.u32 s5, $0x7;
	s6 =	simm.s32 @!p0 $0x0  }
0x77: {  	s5 =	ssub.s32 s5, s6  }
0x78: {  	s5 =	sshll.u32 s5, $0xA  }
0x79: {  	s21 =	sshrl.u32 s5, $0x3  }
0x7a: {  	s7 =	sadd.s32 $0x7A1400, s5;
	s6 =	sadd.s32 s1, s21  }
0x7b: {  	[tilespmem:s29], [sflag:$0x5] =	stream.linear.gather [hbm4b:s6+s3], $0x400, $0x38;
	[tilespmem:$0xC400] =	vst v63  }
0x7c: {  	s6 =	sshrl.u32 s7, $0x3  }
0x7d: {  	s8 =	simm.s32 $0x8800;
	s9 =	sadd.s32 $0xF42800, s5;
	s6 =	sadd.s32 s1, s6  }
0x7e: {  	[tilespmem:s8], [sflag:$0x5] =	stream.linear.gather [hbm4b:s6+s3], $0x400, $0x38;
	[tilespmem:$0xC400] =	vst v63  }
0x7f: {  	s5 =	sadd.s32 $0x16E3C00, s5;
	s6 =	sshrl.u32 s9, $0x3;
	s8 =	sld [smem:$0x5]  }
0x80: {  	s21 =	simm.s32 $0x8C00;
	s5 =	sshrl.u32 s5, $0x3;
	s6 =	sadd.s32 s1, s6  }
0x81: {  	[tilespmem:s21], [sflag:$0x5] =	stream.linear.gather [hbm4b:s6+s3], $0x400, $0x38;
	[tilespmem:$0xC400] =	vst v63  }
0x82: {  	s5 =	sadd.s32 s1, s5;
	s9 =	simm.s32 $0x9000;
	s21 =	sand.u32 $0x7F, s8  }
0x83: {  	[tilespmem:s9], [sflag:$0x5] =	stream.linear.gather [hbm4b:s5+s3], $0x400, $0x38;
	[tilespmem:$0xC400] =	vst v63  }
0x84: {  	s7 =	sshra.s32 s8, $0x1F;
	p2 =	slt.s32 s8, $0x1;
	p1 =	sne.s32 s21, $0x0  }
0x85: {  	s5 =	sshrl.u32 s7, $0x19;
	p0 =	por !p2, !p1  }
0x86: {  	s6 =	simm.s32 $0x1;
	s5 =	sadd.s32 s5, s8;
	p0 =	por !p0, !p0  }
0x87: {  	s5 =	sshrl.u32 s5, $0x7;
	s6 =	simm.s32 @!p0 $0x0  }
0x88: {  	s5 =	ssub.s32 s5, s6  }
0x89: {  	s5 =	sshll.u32 s5, $0xA  }
0x8a: {  	s8 =	sshrl.u32 s5, $0x3  }
0x8b: {  	s9 =	sadd.s32 $0x7A1400, s5;
	s6 =	sadd.s32 s1, s8  }
0x8c: {  	[tilespmem:s2], [sflag:$0x6] =	stream.linear.gather [hbm4b:s6+s3], $0x400, $0x38;
	[tilespmem:$0xC400] =	vst v63  }
0x8d: {  	s6 =	sshrl.u32 s9, $0x3  }
0x8e: {  	s21 =	simm.s32 $0x9800;
	s8 =	sadd.s32 $0xF42800, s5;
	s6 =	sadd.s32 s1, s6  }
0x8f: {  	[tilespmem:s21], [sflag:$0x6] =	stream.linear.gather [hbm4b:s6+s3], $0x400, $0x38;
	[tilespmem:$0xC400] =	vst v63  }
0x90: {  	s6 =	sshrl.u32 s8, $0x3  }
0x91: {  	s5 =	sadd.s32 $0x16E3C00, s5;
	s9 =	simm.s32 $0x9C00;
	s6 =	sadd.s32 s1, s6  }
0x92: {  	[tilespmem:s9], [sflag:$0x6] =	stream.linear.gather [hbm4b:s6+s3], $0x400, $0x38;
	[tilespmem:$0xC400] =	vst v63  }
0x93: {  	s5 =	sshrl.u32 s5, $0x3;
	s6 =	sld [smem:$0x6]  }
0x94: {  	s5 =	sadd.s32 s1, s5;
	s21 =	simm.s32 $0xA000  }
0x95: {  	[tilespmem:s21], [sflag:$0x6] =	stream.linear.gather [hbm4b:s5+s3], $0x400, $0x38;
	[tilespmem:$0xC400] =	vst v63  }
0x96: {  	s8 =	sand.u32 $0x7F, s6  }
0x97: {  	s9 =	sshra.s32 s6, $0x1F;
	p4 =	slt.s32 s6, $0x1;
	p3 =	sne.s32 s8, $0x0  }
0x98: {  	s5 =	sshrl.u32 s9, $0x19;
	p0 =	por !p4, !p3  }
0x99: {  	s5 =	sadd.s32 s5, s6;
	s6 =	simm.s32 $0x1;
	p0 =	por !p0, !p0  }
0x9a: {  	s5 =	sshrl.u32 s5, $0x7;
	s6 =	simm.s32 @!p0 $0x0  }
0x9b: {  	s5 =	ssub.s32 s5, s6  }
0x9c: {  	s5 =	sshll.u32 s5, $0xA  }
0x9d: {  	s21 =	sshrl.u32 s5, $0x3  }
0x9e: {  	s7 =	sadd.s32 $0x7A1400, s5;
	s6 =	sadd.s32 s1, s21  }
0x9f: {  	[tilespmem:s17], [sflag:$0x7] =	stream.linear.gather [hbm4b:s6+s3], $0x400, $0x38;
	[tilespmem:$0xC400] =	vst v63  }
0xa0: {  	s6 =	sshrl.u32 s7, $0x3  }
0xa1: {  	s8 =	simm.s32 $0xA800;
	s9 =	sadd.s32 $0xF42800, s5;
	s6 =	sadd.s32 s1, s6  }
0xa2: {  	[tilespmem:s8], [sflag:$0x7] =	stream.linear.gather [hbm4b:s6+s3], $0x400, $0x38;
	[tilespmem:$0xC400] =	vst v63  }
0xa3: {  	s5 =	sadd.s32 $0x16E3C00, s5;
	s6 =	sshrl.u32 s9, $0x3;
	s8 =	sld [smem:$0x7]  }
0xa4: {  	s21 =	simm.s32 $0xAC00;
	s5 =	sshrl.u32 s5, $0x3;
	s6 =	sadd.s32 s1, s6  }
0xa5: {  	[tilespmem:s21], [sflag:$0x7] =	stream.linear.gather [hbm4b:s6+s3], $0x400, $0x38;
	[tilespmem:$0xC400] =	vst v63  }
0xa6: {  	s5 =	sadd.s32 s1, s5;
	s9 =	simm.s32 $0xB000;
	s21 =	sand.u32 $0x7F, s8  }
0xa7: {  	[tilespmem:s9], [sflag:$0x7] =	stream.linear.gather [hbm4b:s5+s3], $0x400, $0x38;
	[tilespmem:$0xC400] =	vst v63  }
0xa8: {  	s7 =	sshra.s32 s8, $0x1F;
	p6 =	slt.s32 s8, $0x1;
	p5 =	sne.s32 s21, $0x0  }
0xa9: {  	s5 =	sshrl.u32 s7, $0x19;
	p0 =	por !p6, !p5  }
0xaa: {  	s6 =	simm.s32 $0x1;
	s5 =	sadd.s32 s5, s8;
	p0 =	por !p0, !p0  }
0xab: {  	s5 =	sshrl.u32 s5, $0x7;
	s6 =	simm.s32 @!p0 $0x0  }
0xac: {  	s5 =	ssub.s32 s5, s6  }
0xad: {  	s5 =	sshll.u32 s5, $0xA  }
0xae: {  	s8 =	sshrl.u32 s5, $0x3  }
0xaf: {  	s9 =	sadd.s32 $0x7A1400, s5;
	s6 =	sadd.s32 s1, s8  }
0xb0: {  	[tilespmem:s22], [sflag:$0x8] =	stream.linear.gather [hbm4b:s6+s3], $0x400, $0x38;
	[tilespmem:$0xC400] =	vst v63  }
0xb1: {  	s6 =	sshrl.u32 s9, $0x3  }
0xb2: {  	s21 =	sadd.s32 $0xF42800, s5;
	s6 =	sadd.s32 s1, s6  }
0xb3: {  	[tilespmem:s23], [sflag:$0x8] =	stream.linear.gather [hbm4b:s6+s3], $0x400, $0x38;
	[tilespmem:$0xC400] =	vst v63  }
0xb4: {  	s5 =	sadd.s32 $0x16E3C00, s5;
	s6 =	sshrl.u32 s21, $0x3  }
0xb5: {  	s5 =	sshrl.u32 s5, $0x3;
	s6 =	sadd.s32 s1, s6  }
0xb6: {  	[tilespmem:s25], [sflag:$0x8] =	stream.linear.gather [hbm4b:s6+s3], $0x400, $0x38;
	[tilespmem:$0xC400] =	vst v63  }
0xb7: {  	s5 =	sadd.s32 s1, s5  }
0xb8: {  	[tilespmem:s26], [sflag:$0x8] =	stream.linear.gather [hbm4b:s5+s3], $0x400, $0x38;
	[tilespmem:$0xC400] =	vst v63  }
0xb9: {  	s21 =	simm.s32 $0x8;
	s5 =	simm.s32 $0x7  }
.LBB2_2:
0xba: {  	_ =	swait.ge [sflag:s11], $0x1000  }
0xbb: {  	[sflag:s11] =	ssyncset.done $0x0  }
0xbc: {  	[sflag:s11] =	ssyncadd.s32 $0xFFFFF000  }
0xbd: {  	s6 =	sld [smem:s21+$0xFFFFFFF8];
	_ =	sdelay $0x2  }
0xbe: {  	s7 =	sand.u32 $0x7F, s6  }
0xbf: {  	s8 =	sshra.s32 s6, $0x1F;
	p0 =	slt.s32 s6, $0x1;
	p1 =	sne.s32 s7, $0x0  }
0xc0: {  	s9 =	sshrl.u32 s8, $0x19;
	p0 =	por !p0, !p1  }
0xc1: {  	s8 =	simm.s32 $0x1;
	s7 =	sadd.s32 s9, s6;
	p0 =	por !p0, !p0  }
0xc2: {  	s7 =	sshrl.u32 s7, $0x7;
	s8 =	simm.s32 @!p0 $0x0  }
0xc3: {  	s7 =	ssub.s32 s8, s7  }
0xc4: {  	s7 =	sshll.u32 s7, $0x7  }
0xc5: {  	s6 =	sadd.s32 s6, s7  }
0xc6: {  	s8 =	sadd.s32 $0xFFFFFFF9, s5;
	v4 =	vadd.s32 s6, v0  }
0xc7: {  	v5 =	vmov s8  }
0xc8: {  	v6 =	vshll.u32 v5, $0x3  }
0xc9: {  	p0 =	seq.s32 s5, $0x1FF;
	v5 =	vand.u32 $0x78, v5;
	v6 =	vand.u32 $0xC00, v6  }
0xca: {  	s7 =	sld @!p0 [smem:s21+$0x0];
	v5 =	vor.u32 v5, v6  }
0xcb: {  	v6 =	vor.u32 v1, v5;
	v4 =	vld.idx.msk [tilespmem:v4+s12+$0x0], $0xffff  }
0xcc: {  	v7 =	vadd.s32 s6, v2  }
0xcd: {  	s6 =	sand.u32 @!p0 $0x7F, s7  }
0xce: {  	p1 =	slt.s32 @!p0 s7, $0x1;
	p2 =	sne.s32 @!p0 s6, $0x0  }
0xcf: {  	s6 =	sshra.s32 @!p0 s7, $0x1F;
	p1 =	por @!p0 !p1, !p2  }
0xd0: {  	s6 =	sshrl.u32 @!p0 s6, $0x19;
	p1 =	por @!p0 !p1, !p1;
	[tilespmem:v6+s28+$0x0] =	vst.idx.msk $0xffff, v4  }
0xd1: {  	v5 =	vor.u32 v3, v5;
	s6 =	sadd.s32 @!p0 s6, s7;
	s7 =	simm.s32 @!p0 $0x1;
	p1 =	por !p1, p0;
	v4 =	vld.idx.msk [tilespmem:v7+s12+$0x0], $0xffff  }
0xd2: {  	s6 =	sshrl.u32 @!p0 s6, $0x7;
	s7 =	simm.s32 @p1 $0x0  }
0xd3: {  	s6 =	ssub.s32 @!p0 s6, s7  }
0xd4: {  	s7 =	sshll.u32 @!p0 s6, $0xA  }
0xd5: {  	s6 =	sshrl.u32 @!p0 s7, $0x3  }
0xd6: {  	s9 =	simm.s32 @!p0 $0x4400;
	s8 =	sadd.s32 @!p0 s1, s6;
	s6 =	simm.s32 @!p0 $0x0;
	[tilespmem:v5+s28+$0x0] =	vst.idx.msk $0xffff, v4  }
0xd7: {  	[tilespmem:s9], [sflag:$0x1] =	stream.linear.gather @!p0 [hbm4b:s8+s6], $0x400, $0x38;
	[tilespmem:$0xC400] =	vst v63  }
0xd8: {  	s8 =	sadd.s32 @!p0 $0x7A1400, s7  }
0xd9: {  	s8 =	sshrl.u32 @!p0 s8, $0x3  }
0xda: {  	s9 =	simm.s32 @!p0 $0x4800;
	s8 =	sadd.s32 @!p0 s1, s8  }
0xdb: {  	[tilespmem:s9], [sflag:$0x1] =	stream.linear.gather @!p0 [hbm4b:s8+s6], $0x400, $0x38;
	[tilespmem:$0xC400] =	vst v63  }
0xdc: {  	s8 =	sadd.s32 @!p0 $0xF42800, s7  }
0xdd: {  	s7 =	sadd.s32 @!p0 $0x16E3C00, s7;
	s8 =	sshrl.u32 @!p0 s8, $0x3  }
0xde: {  	s9 =	simm.s32 @!p0 $0x4C00;
	s7 =	sshrl.u32 @!p0 s7, $0x3;
	s8 =	sadd.s32 @!p0 s1, s8  }
0xdf: {  	[tilespmem:s9], [sflag:$0x1] =	stream.linear.gather @!p0 [hbm4b:s8+s6], $0x400, $0x38;
	[tilespmem:$0xC400] =	vst v63  }
0xe0: {  	s7 =	sadd.s32 @!p0 s1, s7;
	s8 =	simm.s32 @!p0 $0x5000  }
0xe1: {  	[tilespmem:s8], [sflag:$0x1] =	stream.linear.gather @!p0 [hbm4b:s7+s6], $0x400, $0x38;
	[tilespmem:$0xC400] =	vst v63  }
0xe2: {  	_ =	swait.ge [sflag:s30], $0x1000  }
0xe3: {  	[sflag:s30] =	ssyncset.done $0x0  }
0xe4: {  	[sflag:s30] =	ssyncadd.s32 $0xFFFFF000  }
0xe5: {  	s7 =	sld [smem:s21+$0xFFFFFFF9];
	_ =	sdelay $0x2  }
0xe6: {  	s8 =	sand.u32 $0x7F, s7  }
0xe7: {  	s9 =	sshra.s32 s7, $0x1F;
	p5 =	slt.s32 s7, $0x1;
	p6 =	sne.s32 s8, $0x0  }
0xe8: {  	s9 =	sshrl.u32 s9, $0x19;
	p1 =	por !p5, !p6  }
0xe9: {  	s8 =	sadd.s32 s9, s7;
	s9 =	simm.s32 $0x1;
	p1 =	por !p1, !p1  }
0xea: {  	s8 =	sshrl.u32 s8, $0x7;
	s9 =	simm.s32 @!p1 $0x0  }
0xeb: {  	s8 =	ssub.s32 s9, s8  }
0xec: {  	s8 =	sshll.u32 s8, $0x7  }
0xed: {  	s7 =	sadd.s32 s7, s8  }
0xee: {  	s9 =	sadd.s32 $0xFFFFFFFA, s5;
	v4 =	vadd.s32 s7, v0  }
0xef: {  	v5 =	vmov s9  }
0xf0: {  	v50 =	vshll.u32 v5, $0x3  }
0xf1: {  	v5 =	vand.u32 $0x79, v5;
	v6 =	vand.u32 $0xC00, v50  }
0xf2: {  	s8 =	sld @!p0 [smem:s21+$0x1];
	v5 =	vor.u32 v5, v6  }
0xf3: {  	v6 =	vor.u32 v1, v5;
	v4 =	vld.idx.msk [tilespmem:v4+s16+$0x0], $0xffff  }
0xf4: {  	v51 =	vadd.s32 s7, v2  }
0xf5: {  	s7 =	sand.u32 @!p0 $0x7F, s8  }
0xf6: {  	p1 =	slt.s32 @!p0 s8, $0x1;
	p2 =	sne.s32 @!p0 s7, $0x0  }
0xf7: {  	s7 =	sshra.s32 @!p0 s8, $0x1F;
	p1 =	por @!p0 !p1, !p2  }
0xf8: {  	s7 =	sshrl.u32 @!p0 s7, $0x19;
	p1 =	por @!p0 !p1, !p1;
	[tilespmem:v6+s28+$0x0] =	vst.idx.msk $0xffff, v4  }
0xf9: {  	v5 =	vor.u32 v3, v5;
	s7 =	sadd.s32 @!p0 s7, s8;
	s8 =	simm.s32 @!p0 $0x1;
	p1 =	por !p1, p0;
	v4 =	vld.idx.msk [tilespmem:v51+s16+$0x0], $0xffff  }
0xfa: {  	s7 =	sshrl.u32 @!p0 s7, $0x7;
	s8 =	simm.s32 @p1 $0x0  }
0xfb: {  	s7 =	ssub.s32 @!p0 s7, s8  }
0xfc: {  	s7 =	sshll.u32 @!p0 s7, $0xA  }
0xfd: {  	s8 =	sshrl.u32 @!p0 s7, $0x3  }
0xfe: {  	s9 =	simm.s32 @!p0 $0x5400;
	s8 =	sadd.s32 @!p0 s1, s8;
	[tilespmem:v5+s28+$0x0] =	vst.idx.msk $0xffff, v4  }
0xff: {  	[tilespmem:s9], [sflag:$0x2] =	stream.linear.gather @!p0 [hbm4b:s8+s6], $0x400, $0x38;
	[tilespmem:$0xC400] =	vst v63  }
0x100: {  	s8 =	sadd.s32 @!p0 $0x7A1400, s7  }
0x101: {  	s8 =	sshrl.u32 @!p0 s8, $0x3  }
0x102: {  	s9 =	simm.s32 @!p0 $0x5800;
	s8 =	sadd.s32 @!p0 s1, s8  }
0x103: {  	[tilespmem:s9], [sflag:$0x2] =	stream.linear.gather @!p0 [hbm4b:s8+s6], $0x400, $0x38;
	[tilespmem:$0xC400] =	vst v63  }
0x104: {  	s8 =	sadd.s32 @!p0 $0xF42800, s7  }
0x105: {  	s7 =	sadd.s32 @!p0 $0x16E3C00, s7;
	s8 =	sshrl.u32 @!p0 s8, $0x3  }
0x106: {  	s9 =	simm.s32 @!p0 $0x5C00;
	s7 =	sshrl.u32 @!p0 s7, $0x3;
	s8 =	sadd.s32 @!p0 s1, s8  }
0x107: {  	[tilespmem:s9], [sflag:$0x2] =	stream.linear.gather @!p0 [hbm4b:s8+s6], $0x400, $0x38;
	[tilespmem:$0xC400] =	vst v63  }
0x108: {  	s7 =	sadd.s32 @!p0 s1, s7;
	s8 =	simm.s32 @!p0 $0x6000  }
0x109: {  	[tilespmem:s8], [sflag:$0x2] =	stream.linear.gather @!p0 [hbm4b:s7+s6], $0x400, $0x38;
	[tilespmem:$0xC400] =	vst v63  }
0x10a: {  	_ =	swait.ge [sflag:s31], $0x1000  }
0x10b: {  	[sflag:s31] =	ssyncset.done $0x0  }
0x10c: {  	[sflag:s31] =	ssyncadd.s32 $0xFFFFF000  }
0x10d: {  	s7 =	sld [smem:s21+$0xFFFFFFFA];
	_ =	sdelay $0x2  }
0x10e: {  	s8 =	sand.u32 $0x7F, s7  }
0x10f: {  	s9 =	sshra.s32 s7, $0x1F;
	p3 =	slt.s32 s7, $0x1;
	p4 =	sne.s32 s8, $0x0  }
0x110: {  	s9 =	sshrl.u32 s9, $0x19;
	p1 =	por !p3, !p4  }
0x111: {  	s8 =	sadd.s32 s9, s7;
	s9 =	simm.s32 $0x1;
	p1 =	por !p1, !p1  }
0x112: {  	s8 =	sshrl.u32 s8, $0x7;
	s9 =	simm.s32 @!p1 $0x0  }
0x113: {  	s8 =	ssub.s32 s9, s8  }
0x114: {  	s8 =	sshll.u32 s8, $0x7  }
0x115: {  	s7 =	sadd.s32 s7, s8  }
0x116: {  	s9 =	sadd.s32 $0xFFFFFFFB, s5;
	v4 =	vadd.s32 s7, v0  }
0x117: {  	v5 =	vmov s9  }
0x118: {  	v52 =	vshll.u32 v5, $0x3  }
0x119: {  	v5 =	vand.u32 $0x7A, v5;
	v6 =	vand.u32 $0xC00, v52  }
0x11a: {  	s8 =	sld @!p0 [smem:s21+$0x2];
	v5 =	vor.u32 v5, v6  }
0x11b: {  	v6 =	vor.u32 v1, v5;
	v4 =	vld.idx.msk [tilespmem:v4+s20+$0x0], $0xffff  }
0x11c: {  	v53 =	vadd.s32 s7, v2  }
0x11d: {  	s7 =	sand.u32 @!p0 $0x7F, s8  }
0x11e: {  	p1 =	slt.s32 @!p0 s8, $0x1;
	p2 =	sne.s32 @!p0 s7, $0x0  }
0x11f: {  	s7 =	sshra.s32 @!p0 s8, $0x1F;
	p1 =	por @!p0 !p1, !p2  }
0x120: {  	s7 =	sshrl.u32 @!p0 s7, $0x19;
	p1 =	por @!p0 !p1, !p1;
	[tilespmem:v6+s28+$0x0] =	vst.idx.msk $0xffff, v4  }
0x121: {  	v5 =	vor.u32 v3, v5;
	s7 =	sadd.s32 @!p0 s7, s8;
	s8 =	simm.s32 @!p0 $0x1;
	p1 =	por !p1, p0;
	v4 =	vld.idx.msk [tilespmem:v53+s20+$0x0], $0xffff  }
0x122: {  	s7 =	sshrl.u32 @!p0 s7, $0x7;
	s8 =	simm.s32 @p1 $0x0  }
0x123: {  	s7 =	ssub.s32 @!p0 s7, s8  }
0x124: {  	s7 =	sshll.u32 @!p0 s7, $0xA  }
0x125: {  	s8 =	sshrl.u32 @!p0 s7, $0x3  }
0x126: {  	s9 =	simm.s32 @!p0 $0x6400;
	s8 =	sadd.s32 @!p0 s1, s8;
	[tilespmem:v5+s28+$0x0] =	vst.idx.msk $0xffff, v4  }
0x127: {  	[tilespmem:s9], [sflag:$0x3] =	stream.linear.gather @!p0 [hbm4b:s8+s6], $0x400, $0x38;
	[tilespmem:$0xC400] =	vst v63  }
0x128: {  	s8 =	sadd.s32 @!p0 $0x7A1400, s7  }
0x129: {  	s8 =	sshrl.u32 @!p0 s8, $0x3  }
0x12a: {  	s9 =	simm.s32 @!p0 $0x6800;
	s8 =	sadd.s32 @!p0 s1, s8  }
0x12b: {  	[tilespmem:s9], [sflag:$0x3] =	stream.linear.gather @!p0 [hbm4b:s8+s6], $0x400, $0x38;
	[tilespmem:$0xC400] =	vst v63  }
0x12c: {  	s8 =	sadd.s32 @!p0 $0xF42800, s7  }
0x12d: {  	s7 =	sadd.s32 @!p0 $0x16E3C00, s7;
	s8 =	sshrl.u32 @!p0 s8, $0x3  }
0x12e: {  	s9 =	simm.s32 @!p0 $0x6C00;
	s7 =	sshrl.u32 @!p0 s7, $0x3;
	s8 =	sadd.s32 @!p0 s1, s8  }
0x12f: {  	[tilespmem:s9], [sflag:$0x3] =	stream.linear.gather @!p0 [hbm4b:s8+s6], $0x400, $0x38;
	[tilespmem:$0xC400] =	vst v63  }
0x130: {  	s7 =	sadd.s32 @!p0 s1, s7;
	s8 =	simm.s32 @!p0 $0x7000  }
0x131: {  	[tilespmem:s8], [sflag:$0x3] =	stream.linear.gather @!p0 [hbm4b:s7+s6], $0x400, $0x38;
	[tilespmem:$0xC400] =	vst v63  }
0x132: {  	_ =	swait.ge [sflag:s0], $0x1000  }
0x133: {  	[sflag:s0] =	ssyncset.done $0x0  }
0x134: {  	[sflag:s0] =	ssyncadd.s32 $0xFFFFF000  }
0x135: {  	s7 =	sld [smem:s21+$0xFFFFFFFB];
	_ =	sdelay $0x2  }
0x136: {  	s8 =	sand.u32 $0x7F, s7  }
0x137: {  	s9 =	sshra.s32 s7, $0x1F;
	p5 =	slt.s32 s7, $0x1;
	p6 =	sne.s32 s8, $0x0  }
0x138: {  	s9 =	sshrl.u32 s9, $0x19;
	p1 =	por !p5, !p6  }
0x139: {  	s8 =	sadd.s32 s9, s7;
	s9 =	simm.s32 $0x1;
	p1 =	por !p1, !p1  }
0x13a: {  	s8 =	sshrl.u32 s8, $0x7;
	s9 =	simm.s32 @!p1 $0x0  }
0x13b: {  	s8 =	ssub.s32 s9, s8  }
0x13c: {  	s8 =	sshll.u32 s8, $0x7  }
0x13d: {  	s7 =	sadd.s32 s7, s8  }
0x13e: {  	s9 =	sadd.s32 $0xFFFFFFFC, s5;
	v4 =	vadd.s32 s7, v0  }
0x13f: {  	v5 =	vmov s9  }
0x140: {  	v54 =	vshll.u32 v5, $0x3  }
0x141: {  	v5 =	vand.u32 $0x7B, v5;
	v6 =	vand.u32 $0xC00, v54  }
0x142: {  	s8 =	sld @!p0 [smem:s21+$0x3];
	v5 =	vor.u32 v5, v6  }
0x143: {  	v6 =	vor.u32 v1, v5;
	v4 =	vld.idx.msk [tilespmem:v4+s24+$0x0], $0xffff  }
0x144: {  	v55 =	vadd.s32 s7, v2  }
0x145: {  	s7 =	sand.u32 @!p0 $0x7F, s8  }
0x146: {  	p1 =	slt.s32 @!p0 s8, $0x1;
	p2 =	sne.s32 @!p0 s7, $0x0  }
0x147: {  	s7 =	sshra.s32 @!p0 s8, $0x1F;
	p1 =	por @!p0 !p1, !p2  }
0x148: {  	s7 =	sshrl.u32 @!p0 s7, $0x19;
	p1 =	por @!p0 !p1, !p1;
	[tilespmem:v6+s28+$0x0] =	vst.idx.msk $0xffff, v4  }
0x149: {  	v5 =	vor.u32 v3, v5;
	s7 =	sadd.s32 @!p0 s7, s8;
	s8 =	simm.s32 @!p0 $0x1;
	p1 =	por !p1, p0;
	v4 =	vld.idx.msk [tilespmem:v55+s24+$0x0], $0xffff  }
0x14a: {  	s7 =	sshrl.u32 @!p0 s7, $0x7;
	s8 =	simm.s32 @p1 $0x0  }
0x14b: {  	s7 =	ssub.s32 @!p0 s7, s8  }
0x14c: {  	s7 =	sshll.u32 @!p0 s7, $0xA  }
0x14d: {  	s8 =	sshrl.u32 @!p0 s7, $0x3  }
0x14e: {  	s9 =	simm.s32 @!p0 $0x7400;
	s8 =	sadd.s32 @!p0 s1, s8;
	[tilespmem:v5+s28+$0x0] =	vst.idx.msk $0xffff, v4  }
0x14f: {  	[tilespmem:s9], [sflag:$0x4] =	stream.linear.gather @!p0 [hbm4b:s8+s6], $0x400, $0x38;
	[tilespmem:$0xC400] =	vst v63  }
0x150: {  	s8 =	sadd.s32 @!p0 $0x7A1400, s7  }
0x151: {  	s8 =	sshrl.u32 @!p0 s8, $0x3  }
0x152: {  	s9 =	simm.s32 @!p0 $0x7800;
	s8 =	sadd.s32 @!p0 s1, s8  }
0x153: {  	[tilespmem:s9], [sflag:$0x4] =	stream.linear.gather @!p0 [hbm4b:s8+s6], $0x400, $0x38;
	[tilespmem:$0xC400] =	vst v63  }
0x154: {  	s8 =	sadd.s32 @!p0 $0xF42800, s7  }
0x155: {  	s7 =	sadd.s32 @!p0 $0x16E3C00, s7;
	s8 =	sshrl.u32 @!p0 s8, $0x3  }
0x156: {  	s9 =	simm.s32 @!p0 $0x7C00;
	s7 =	sshrl.u32 @!p0 s7, $0x3;
	s8 =	sadd.s32 @!p0 s1, s8  }
0x157: {  	[tilespmem:s9], [sflag:$0x4] =	stream.linear.gather @!p0 [hbm4b:s8+s6], $0x400, $0x38;
	[tilespmem:$0xC400] =	vst v63  }
0x158: {  	s7 =	sadd.s32 @!p0 s1, s7;
	s8 =	simm.s32 @!p0 $0x8000  }
0x159: {  	[tilespmem:s8], [sflag:$0x4] =	stream.linear.gather @!p0 [hbm4b:s7+s6], $0x400, $0x38;
	[tilespmem:$0xC400] =	vst v63  }
0x15a: {  	_ =	swait.ge [sflag:s13], $0x1000  }
0x15b: {  	[sflag:s13] =	ssyncset.done $0x0  }
0x15c: {  	[sflag:s13] =	ssyncadd.s32 $0xFFFFF000  }
0x15d: {  	s7 =	sld [smem:s21+$0xFFFFFFFC];
	_ =	sdelay $0x2  }
0x15e: {  	s8 =	sand.u32 $0x7F, s7  }
0x15f: {  	s9 =	sshra.s32 s7, $0x1F;
	p3 =	slt.s32 s7, $0x1;
	p4 =	sne.s32 s8, $0x0  }
0x160: {  	s9 =	sshrl.u32 s9, $0x19;
	p1 =	por !p3, !p4  }
0x161: {  	s8 =	sadd.s32 s9, s7;
	s9 =	simm.s32 $0x1;
	p1 =	por !p1, !p1  }
0x162: {  	s8 =	sshrl.u32 s8, $0x7;
	s9 =	simm.s32 @!p1 $0x0  }
0x163: {  	s8 =	ssub.s32 s9, s8  }
0x164: {  	s8 =	sshll.u32 s8, $0x7  }
0x165: {  	s7 =	sadd.s32 s7, s8  }
0x166: {  	s9 =	sadd.s32 $0xFFFFFFFD, s5;
	v4 =	vadd.s32 s7, v0  }
0x167: {  	v5 =	vmov s9  }
0x168: {  	v56 =	vshll.u32 v5, $0x3  }
0x169: {  	v5 =	vand.u32 $0x7C, v5;
	v6 =	vand.u32 $0xC00, v56  }
0x16a: {  	s8 =	sld @!p0 [smem:s21+$0x4];
	v5 =	vor.u32 v5, v6  }
0x16b: {  	v6 =	vor.u32 v1, v5;
	v4 =	vld.idx.msk [tilespmem:v4+s29+$0x0], $0xffff  }
0x16c: {  	v57 =	vadd.s32 s7, v2  }
0x16d: {  	s7 =	sand.u32 @!p0 $0x7F, s8  }
0x16e: {  	p1 =	slt.s32 @!p0 s8, $0x1;
	p2 =	sne.s32 @!p0 s7, $0x0  }
0x16f: {  	s7 =	sshra.s32 @!p0 s8, $0x1F;
	p1 =	por @!p0 !p1, !p2  }
0x170: {  	s7 =	sshrl.u32 @!p0 s7, $0x19;
	p1 =	por @!p0 !p1, !p1;
	[tilespmem:v6+s28+$0x0] =	vst.idx.msk $0xffff, v4  }
0x171: {  	v5 =	vor.u32 v3, v5;
	s7 =	sadd.s32 @!p0 s7, s8;
	s8 =	simm.s32 @!p0 $0x1;
	p1 =	por !p1, p0;
	v4 =	vld.idx.msk [tilespmem:v57+s29+$0x0], $0xffff  }
0x172: {  	s7 =	sshrl.u32 @!p0 s7, $0x7;
	s8 =	simm.s32 @p1 $0x0  }
0x173: {  	s7 =	ssub.s32 @!p0 s7, s8  }
0x174: {  	s7 =	sshll.u32 @!p0 s7, $0xA  }
0x175: {  	s8 =	sshrl.u32 @!p0 s7, $0x3  }
0x176: {  	s9 =	simm.s32 @!p0 $0x8400;
	s8 =	sadd.s32 @!p0 s1, s8;
	[tilespmem:v5+s28+$0x0] =	vst.idx.msk $0xffff, v4  }
0x177: {  	[tilespmem:s9], [sflag:$0x5] =	stream.linear.gather @!p0 [hbm4b:s8+s6], $0x400, $0x38;
	[tilespmem:$0xC400] =	vst v63  }
0x178: {  	s8 =	sadd.s32 @!p0 $0x7A1400, s7  }
0x179: {  	s8 =	sshrl.u32 @!p0 s8, $0x3  }
0x17a: {  	s9 =	simm.s32 @!p0 $0x8800;
	s8 =	sadd.s32 @!p0 s1, s8  }
0x17b: {  	[tilespmem:s9], [sflag:$0x5] =	stream.linear.gather @!p0 [hbm4b:s8+s6], $0x400, $0x38;
	[tilespmem:$0xC400] =	vst v63  }
0x17c: {  	s8 =	sadd.s32 @!p0 $0xF42800, s7  }
0x17d: {  	s7 =	sadd.s32 @!p0 $0x16E3C00, s7;
	s8 =	sshrl.u32 @!p0 s8, $0x3  }
0x17e: {  	s9 =	simm.s32 @!p0 $0x8C00;
	s7 =	sshrl.u32 @!p0 s7, $0x3;
	s8 =	sadd.s32 @!p0 s1, s8  }
0x17f: {  	[tilespmem:s9], [sflag:$0x5] =	stream.linear.gather @!p0 [hbm4b:s8+s6], $0x400, $0x38;
	[tilespmem:$0xC400] =	vst v63  }
0x180: {  	s7 =	sadd.s32 @!p0 s1, s7;
	s8 =	simm.s32 @!p0 $0x9000  }
0x181: {  	[tilespmem:s8], [sflag:$0x5] =	stream.linear.gather @!p0 [hbm4b:s7+s6], $0x400, $0x38;
	[tilespmem:$0xC400] =	vst v63  }
0x182: {  	_ =	swait.ge [sflag:s14], $0x1000  }
0x183: {  	[sflag:s14] =	ssyncset.done $0x0  }
0x184: {  	[sflag:s14] =	ssyncadd.s32 $0xFFFFF000  }
0x185: {  	s7 =	sld [smem:s21+$0xFFFFFFFD];
	_ =	sdelay $0x2  }
0x186: {  	s8 =	sand.u32 $0x7F, s7  }
0x187: {  	s9 =	sshra.s32 s7, $0x1F;
	p5 =	slt.s32 s7, $0x1;
	p6 =	sne.s32 s8, $0x0  }
0x188: {  	s9 =	sshrl.u32 s9, $0x19;
	p1 =	por !p5, !p6  }
0x189: {  	s8 =	sadd.s32 s9, s7;
	s9 =	simm.s32 $0x1;
	p1 =	por !p1, !p1  }
0x18a: {  	s8 =	sshrl.u32 s8, $0x7;
	s9 =	simm.s32 @!p1 $0x0  }
0x18b: {  	s8 =	ssub.s32 s9, s8  }
0x18c: {  	s8 =	sshll.u32 s8, $0x7  }
0x18d: {  	s7 =	sadd.s32 s7, s8  }
0x18e: {  	s9 =	sadd.s32 $0xFFFFFFFE, s5;
	v4 =	vadd.s32 s7, v0  }
0x18f: {  	v5 =	vmov s9  }
0x190: {  	v58 =	vshll.u32 v5, $0x3  }
0x191: {  	v5 =	vand.u32 $0x7D, v5;
	v6 =	vand.u32 $0xC00, v58  }
0x192: {  	s8 =	sld @!p0 [smem:s21+$0x5];
	v5 =	vor.u32 v5, v6  }
0x193: {  	v6 =	vor.u32 v1, v5;
	v4 =	vld.idx.msk [tilespmem:v4+s2+$0x0], $0xffff  }
0x194: {  	v59 =	vadd.s32 s7, v2  }
0x195: {  	s7 =	sand.u32 @!p0 $0x7F, s8  }
0x196: {  	p1 =	slt.s32 @!p0 s8, $0x1;
	p2 =	sne.s32 @!p0 s7, $0x0  }
0x197: {  	s7 =	sshra.s32 @!p0 s8, $0x1F;
	p1 =	por @!p0 !p1, !p2  }
0x198: {  	s7 =	sshrl.u32 @!p0 s7, $0x19;
	p1 =	por @!p0 !p1, !p1;
	[tilespmem:v6+s28+$0x0] =	vst.idx.msk $0xffff, v4  }
0x199: {  	v5 =	vor.u32 v3, v5;
	s7 =	sadd.s32 @!p0 s7, s8;
	s8 =	simm.s32 @!p0 $0x1;
	p1 =	por !p1, p0;
	v4 =	vld.idx.msk [tilespmem:v59+s2+$0x0], $0xffff  }
0x19a: {  	s7 =	sshrl.u32 @!p0 s7, $0x7;
	s8 =	simm.s32 @p1 $0x0  }
0x19b: {  	s7 =	ssub.s32 @!p0 s7, s8  }
0x19c: {  	s7 =	sshll.u32 @!p0 s7, $0xA  }
0x19d: {  	s8 =	sshrl.u32 @!p0 s7, $0x3  }
0x19e: {  	s9 =	simm.s32 @!p0 $0x9400;
	s8 =	sadd.s32 @!p0 s1, s8;
	[tilespmem:v5+s28+$0x0] =	vst.idx.msk $0xffff, v4  }
0x19f: {  	[tilespmem:s9], [sflag:$0x6] =	stream.linear.gather @!p0 [hbm4b:s8+s6], $0x400, $0x38;
	[tilespmem:$0xC400] =	vst v63  }
0x1a0: {  	s8 =	sadd.s32 @!p0 $0x7A1400, s7  }
0x1a1: {  	s8 =	sshrl.u32 @!p0 s8, $0x3  }
0x1a2: {  	s9 =	simm.s32 @!p0 $0x9800;
	s8 =	sadd.s32 @!p0 s1, s8  }
0x1a3: {  	[tilespmem:s9], [sflag:$0x6] =	stream.linear.gather @!p0 [hbm4b:s8+s6], $0x400, $0x38;
	[tilespmem:$0xC400] =	vst v63  }
0x1a4: {  	s8 =	sadd.s32 @!p0 $0xF42800, s7  }
0x1a5: {  	s7 =	sadd.s32 @!p0 $0x16E3C00, s7;
	s8 =	sshrl.u32 @!p0 s8, $0x3  }
0x1a6: {  	s9 =	simm.s32 @!p0 $0x9C00;
	s7 =	sshrl.u32 @!p0 s7, $0x3;
	s8 =	sadd.s32 @!p0 s1, s8  }
0x1a7: {  	[tilespmem:s9], [sflag:$0x6] =	stream.linear.gather @!p0 [hbm4b:s8+s6], $0x400, $0x38;
	[tilespmem:$0xC400] =	vst v63  }
0x1a8: {  	s7 =	sadd.s32 @!p0 s1, s7;
	s8 =	simm.s32 @!p0 $0xA000  }
0x1a9: {  	[tilespmem:s8], [sflag:$0x6] =	stream.linear.gather @!p0 [hbm4b:s7+s6], $0x400, $0x38;
	[tilespmem:$0xC400] =	vst v63  }
0x1aa: {  	_ =	swait.ge [sflag:s15], $0x1000  }
0x1ab: {  	[sflag:s15] =	ssyncset.done $0x0  }
0x1ac: {  	[sflag:s15] =	ssyncadd.s32 $0xFFFFF000  }
0x1ad: {  	s7 =	sld [smem:s21+$0xFFFFFFFE];
	_ =	sdelay $0x2  }
0x1ae: {  	s8 =	sand.u32 $0x7F, s7  }
0x1af: {  	s9 =	sshra.s32 s7, $0x1F;
	p3 =	slt.s32 s7, $0x1;
	p4 =	sne.s32 s8, $0x0  }
0x1b0: {  	s9 =	sshrl.u32 s9, $0x19;
	p1 =	por !p3, !p4  }
0x1b1: {  	s8 =	sadd.s32 s9, s7;
	s9 =	simm.s32 $0x1;
	p1 =	por !p1, !p1  }
0x1b2: {  	s8 =	sshrl.u32 s8, $0x7;
	s9 =	simm.s32 @!p1 $0x0  }
0x1b3: {  	s8 =	ssub.s32 s9, s8  }
0x1b4: {  	s8 =	sshll.u32 s8, $0x7  }
0x1b5: {  	s7 =	sadd.s32 s7, s8  }
0x1b6: {  	s9 =	sadd.s32 $0xFFFFFFFF, s5;
	v4 =	vadd.s32 s7, v0  }
0x1b7: {  	v5 =	vmov s9  }
0x1b8: {  	v60 =	vshll.u32 v5, $0x3  }
0x1b9: {  	v5 =	vand.u32 $0x7E, v5;
	v6 =	vand.u32 $0xC00, v60  }
0x1ba: {  	s8 =	sld @!p0 [smem:s21+$0x6];
	v5 =	vor.u32 v5, v6  }
0x1bb: {  	v6 =	vor.u32 v1, v5;
	v4 =	vld.idx.msk [tilespmem:v4+s17+$0x0], $0xffff  }
0x1bc: {  	v61 =	vadd.s32 s7, v2  }
0x1bd: {  	s7 =	sand.u32 @!p0 $0x7F, s8  }
0x1be: {  	p1 =	slt.s32 @!p0 s8, $0x1;
	p2 =	sne.s32 @!p0 s7, $0x0  }
0x1bf: {  	s7 =	sshra.s32 @!p0 s8, $0x1F;
	p1 =	por @!p0 !p1, !p2  }
0x1c0: {  	s7 =	sshrl.u32 @!p0 s7, $0x19;
	p1 =	por @!p0 !p1, !p1;
	[tilespmem:v6+s28+$0x0] =	vst.idx.msk $0xffff, v4  }
0x1c1: {  	s9 =	simm.s32 @!p0 $0x1;
	v5 =	vor.u32 v3, v5;
	s7 =	sadd.s32 @!p0 s7, s8;
	p1 =	por !p1, p0;
	v4 =	vld.idx.msk [tilespmem:v61+s17+$0x0], $0xffff  }
0x1c2: {  	s7 =	sshrl.u32 @!p0 s7, $0x7;
	s9 =	simm.s32 @p1 $0x0  }
0x1c3: {  	s7 =	ssub.s32 @!p0 s7, s9  }
0x1c4: {  	s7 =	sshll.u32 @!p0 s7, $0xA  }
0x1c5: {  	s8 =	sshrl.u32 @!p0 s7, $0x3  }
0x1c6: {  	s9 =	simm.s32 @!p0 $0xA400;
	s8 =	sadd.s32 @!p0 s1, s8;
	[tilespmem:v5+s28+$0x0] =	vst.idx.msk $0xffff, v4  }
0x1c7: {  	[tilespmem:s9], [sflag:$0x7] =	stream.linear.gather @!p0 [hbm4b:s8+s6], $0x400, $0x38;
	[tilespmem:$0xC400] =	vst v63  }
0x1c8: {  	s8 =	sadd.s32 @!p0 $0x7A1400, s7  }
0x1c9: {  	s8 =	sshrl.u32 @!p0 s8, $0x3  }
0x1ca: {  	s9 =	simm.s32 @!p0 $0xA800;
	s8 =	sadd.s32 @!p0 s1, s8  }
0x1cb: {  	[tilespmem:s9], [sflag:$0x7] =	stream.linear.gather @!p0 [hbm4b:s8+s6], $0x400, $0x38;
	[tilespmem:$0xC400] =	vst v63  }
0x1cc: {  	s8 =	sadd.s32 @!p0 $0xF42800, s7  }
0x1cd: {  	s7 =	sadd.s32 @!p0 $0x16E3C00, s7;
	s8 =	sshrl.u32 @!p0 s8, $0x3  }
0x1ce: {  	s9 =	simm.s32 @!p0 $0xAC00;
	s7 =	sshrl.u32 @!p0 s7, $0x3;
	s8 =	sadd.s32 @!p0 s1, s8  }
0x1cf: {  	[tilespmem:s9], [sflag:$0x7] =	stream.linear.gather @!p0 [hbm4b:s8+s6], $0x400, $0x38;
	[tilespmem:$0xC400] =	vst v63  }
0x1d0: {  	s7 =	sadd.s32 @!p0 s1, s7;
	s8 =	simm.s32 @!p0 $0xB000  }
0x1d1: {  	[tilespmem:s8], [sflag:$0x7] =	stream.linear.gather @!p0 [hbm4b:s7+s6], $0x400, $0x38;
	[tilespmem:$0xC400] =	vst v63  }
0x1d2: {  	_ =	swait.ge [sflag:s18], $0x1000  }
0x1d3: {  	[sflag:s18] =	ssyncset.done $0x0  }
0x1d4: {  	[sflag:s18] =	ssyncadd.s32 $0xFFFFF000  }
0x1d5: {  	s6 =	sld [smem:s21+$0xFFFFFFFF];
	_ =	sdelay $0x2  }
0x1d6: {  	s8 =	sand.u32 $0x7F, s6  }
0x1d7: {  	s9 =	sshra.s32 s6, $0x1F;
	p5 =	slt.s32 s6, $0x1;
	p6 =	sne.s32 s8, $0x0  }
0x1d8: {  	s9 =	sshrl.u32 s9, $0x19;
	p1 =	por !p5, !p6  }
0x1d9: {  	s8 =	simm.s32 $0x1;
	s7 =	sadd.s32 s9, s6;
	p1 =	por !p1, !p1  }
0x1da: {  	s7 =	sshrl.u32 s7, $0x7;
	s8 =	simm.s32 @!p1 $0x0  }
0x1db: {  	s7 =	ssub.s32 s8, s7  }
0x1dc: {  	s7 =	sshll.u32 s7, $0x7  }
0x1dd: {  	s6 =	sadd.s32 s6, s7  }
0x1de: {  	v4 =	vadd.s32 s6, v0  }
0x1df: {  	v5 =	vmov s5  }
0x1e0: {  	v62 =	vshll.u32 v5, $0x3  }
0x1e1: {  	v5 =	vand.u32 $0x7F, v5;
	v6 =	vand.u32 $0xC00, v62  }
0x1e2: {  	v5 =	vor.u32 v5, v6  }
0x1e3: {  	v6 =	vor.u32 v1, v5;
	v4 =	vld.idx.msk [tilespmem:v4+s22+$0x0], $0xffff  }
0x1e4: {  	v63 =	vadd.s32 s6, v2;
	_ =	sdelay $0x3  }
0x1e5: {  	[tilespmem:v6+s28+$0x0] =	vst.idx.msk $0xffff, v4  }
0x1e6: {  	v5 =	vor.u32 v3, v5;
	v4 =	vld.idx.msk [tilespmem:v63+s22+$0x0], $0xffff  }
.Ltmp2:
0x1e7: {  	_ = 	snop;
	(pc) =	sbr.rel @p0 .LBB2_4-.Ltmp2, $2  }
0x1e8: {  	_ =	sdelay $0x2  }
0x1e9: {  	[tilespmem:v5+s28+$0x0] =	vst.idx.msk $0xffff, v4  }
0x1ea: {  	s6 =	sld [smem:s21+$0x7];
	_ =	sdelay $0x2  }
0x1eb: {  	s7 =	sand.u32 $0x7F, s6  }
0x1ec: {  	s8 =	sshra.s32 s6, $0x1F;
	p1 =	slt.s32 s6, $0x1;
	p0 =	sne.s32 s7, $0x0  }
0x1ed: {  	s7 =	sshrl.u32 s8, $0x19;
	p0 =	por !p1, !p0  }
0x1ee: {  	s6 =	sadd.s32 s7, s6;
	s7 =	simm.s32 $0x1;
	p0 =	por !p0, !p0  }
0x1ef: {  	s6 =	sshrl.u32 s6, $0x7;
	s7 =	simm.s32 @!p0 $0x0  }
0x1f0: {  	s6 =	ssub.s32 s6, s7  }
0x1f1: {  	s6 =	sshll.u32 s6, $0xA  }
0x1f2: {  	s9 =	sshrl.u32 s6, $0x3  }
0x1f3: {  	s8 =	sadd.s32 $0x7A1400, s6;
	s7 =	sadd.s32 s1, s9  }
0x1f4: {  	[tilespmem:s22], [sflag:$0x8] =	stream.linear.gather [hbm4b:s7+s3], $0x400, $0x38;
	[tilespmem:$0xC400] =	vst v63  }
0x1f5: {  	s7 =	sshrl.u32 s8, $0x3  }
0x1f6: {  	s9 =	sadd.s32 $0xF42800, s6;
	s7 =	sadd.s32 s1, s7  }
0x1f7: {  	[tilespmem:s23], [sflag:$0x8] =	stream.linear.gather [hbm4b:s7+s3], $0x400, $0x38;
	[tilespmem:$0xC400] =	vst v63  }
.Ltmp3:
0x1f8: {  	s6 =	sadd.s32 $0x16E3C00, s6;
	s7 =	sshrl.u32 s9, $0x3;
	(pc) =	sbr.rel .LBB2_2-.Ltmp3, $4  }
0x1f9: {  	s6 =	sshrl.u32 s6, $0x3;
	s7 =	sadd.s32 s1, s7  }
0x1fa: {  	[tilespmem:s25], [sflag:$0x8] =	stream.linear.gather [hbm4b:s7+s3], $0x400, $0x38;
	[tilespmem:$0xC400] =	vst v63  }
0x1fb: {  	s5 =	sadd.s32 $0x8, s5;
	s21 =	sadd.s32 $0x8, s21;
	s6 =	sadd.s32 s1, s6  }
0x1fc: {  	[tilespmem:s26], [sflag:$0x8] =	stream.linear.gather [hbm4b:s6+s3], $0x400, $0x38;
	[tilespmem:$0xC400] =	vst v63  }
.LBB2_5:
0x1fd: {  	_ =	sfence.sel $0x180000  }
0x1fe: {  	[bflag:$0x0] =	sbarrier.arrive $0xFFFF  }
0x1ff: {  	_ =	strace $0x90000047  }
0x200: {  	s0 =	stileid.u32;
	[bflag:$0x2] =	sbarrier.arrive $0xFFFF  }
0x201: {  	p0 =	sne.s32 s0, $0x0;
	s0 =	rddreg [dreg:$0x4]  }
0x202: {  	s0 =	sadd.s32 @!p0 $0x100000, s0  }
0x203: {  	[sflag:s0] =	ssyncadd.tile.s32 @!p0 $0x1;
	_ =	shalt  }
.Lfunc_end2:
_tile_overlayer_lowered:
.L_overlay_start_2:
0x204: {  	(tag) =	ssettag $0x2  }
0x205: {  	s0 =	rddreg [dreg:$0x0];
	s2 =	stileid.u32  }
0x206: {  	s1 =	rddreg [dreg:$0x1];
	p0 =	sne.s32 s2, $0x0  }
0x207: {  	s3 =	rddreg [dreg:$0x2];
	[bflag:$0x3] =	sbarrier.arrive $0xFFFF;
	s2 =	simm.s32 @!p0 $0x1C09  }
0x208: {  	[timem:s3], [sflag:s2] =	dma.local @!p0 [hbm:s0], s1  }
0x209: {  	s0 =	simm.s32 @!p0 $0x9  }
0x20a: {  	_ =	swait.ge @!p0 [sflag:s0], s1  }
0x20b: {  	s1 =	ssub.s32 @!p0 $0x0, s1;
	[sflag:s0] =	ssyncset.done @!p0 $0x0  }
0x20c: {  	[sflag:s0] =	ssyncadd.s32 @!p0 s1  }
0x20d: {  	[bflag:$0x3] =	sbarrier.arrive $0xFFFF  }
0x20e: {  	_ =	shalt  }

</sc_bundles>
